<compile_context>
chip_gen: v7x
topology: tpu7x:2x2x1
jax: 0.10.2.dev20260603
libtpu: 0.0.44.dev20260713+nightly
codegen_flags: <defaults>
</compile_context>

<pallas_src>
import functools

import jax
import jax.numpy as jnp
from jax import lax
from jax.experimental import pallas as pl
from jax.experimental.pallas import tpu as pltpu
from jax.experimental.pallas import tpu_sc as plsc

N = 10000
E = 320000
D = 128
H = 128
C = 40
C_PAD = 64

NC = 2
NS = 16
NW = NC * NS
EK = 80
E_PER_W = E // NW
N_CHUNKS = E_PER_W // EK
R_BIG = 632
R_LAST = N - (NS - 1) * R_BIG
DEG_PAD = 10240
DEG_PER_TILE = DEG_PAD // NS

_MESH = dict(core_axis_name="c", subcore_axis_name="s", num_cores=NC,
             num_subcores=NS)


def _sc_degree(edge4):

    @functools.partial(
        pl.kernel,
        out_type=jax.ShapeDtypeStruct((NC * DEG_PAD,), jnp.float32),
        mesh=plsc.VectorSubcoreMesh(**_MESH),
        scratch_types=[
            pltpu.VMEM((N_CHUNKS, EK), jnp.int32),
            pltpu.VMEM((EK,), jnp.float32),
            pltpu.VMEM((DEG_PER_TILE,), jnp.float32),
            pltpu.VMEM_SHARED((DEG_PAD,), jnp.float32),
            pltpu.SemaphoreType.DMA,
            pltpu.SemaphoreType.DMA,
        ],
    )
    def deg_kernel(dst_hbm, out_hbm, dst_all, ones_v, zbuf, deg_sh,
                   dsem0, dsem1):
        cid = lax.axis_index("c")
        sid = lax.axis_index("s")
        w = cid * NS + sid

        for j in range(EK // 16):
            ones_v[pl.ds(j * 16, 16)] = jnp.ones((16,), jnp.float32)
        for j in range(DEG_PER_TILE // 16):
            zbuf[pl.ds(j * 16, 16)] = jnp.zeros((16,), jnp.float32)
        pltpu.sync_copy(zbuf, deg_sh.at[pl.ds(sid * DEG_PER_TILE,
                                              DEG_PER_TILE)])
        pltpu.sync_copy(dst_hbm.at[1, w], dst_all)
        plsc.subcore_barrier()

        def s_issue(k, sem):
            pltpu.async_copy(ones_v, deg_sh.at[dst_all.at[k]], sem, add=True)

        def s_wait(k, sem):
            pltpu.make_async_copy(ones_v, deg_sh.at[dst_all.at[k]],
                                  sem).wait()

        s_issue(0, dsem0)

        def body(j, carry):
            k0 = 2 * j
            s_issue(k0 + 1, dsem1)
            s_wait(k0, dsem0)
            s_issue(k0 + 2, dsem0)
            s_wait(k0 + 1, dsem1)
            return carry

        lax.fori_loop(0, (N_CHUNKS - 1) // 2, body, 0)
        s_wait(N_CHUNKS - 1, dsem0)
        plsc.subcore_barrier()
        pltpu.sync_copy(
            deg_sh.at[pl.ds(sid * DEG_PER_TILE, DEG_PER_TILE)],
            out_hbm.at[pl.ds(cid * DEG_PAD + sid * DEG_PER_TILE,
                             DEG_PER_TILE)])

    return deg_kernel(edge4).reshape(NC, DEG_PAD)


def _sc_aggregate(y, edge4, f):

    nbuf = 3 if f >= 128 else 8
    tail = N_CHUNKS % nbuf or nbuf
    n_rounds = (N_CHUNKS - tail) // nbuf

    @functools.partial(
        pl.kernel,
        out_type=jax.ShapeDtypeStruct((NC * N, f), jnp.float32),
        mesh=plsc.VectorSubcoreMesh(**_MESH),
        compiler_params=pltpu.CompilerParams(use_tc_tiling_on_sc=False),
        scratch_types=(
            [pltpu.VMEM((N_CHUNKS, EK), jnp.int32)] * 2
            + [pltpu.VMEM((EK, f), jnp.float32)
               for _ in range(nbuf)]
            + [pltpu.VMEM_SHARED((N, f), jnp.float32)]
            + [pltpu.SemaphoreType.DMA] * (2 * nbuf)
        ),
    )
    def agg_kernel(y_hbm, edge_hbm, out_hbm, src_all, dst_all, *bufs):
        rows = list(bufs[:nbuf])
        agg_sh = bufs[nbuf]
        gsem = list(bufs[nbuf + 1:2 * nbuf + 1])
        ssem = list(bufs[2 * nbuf + 1:3 * nbuf + 1])
        cid = lax.axis_index("c")
        sid = lax.axis_index("s")
        w = cid * NS + sid
        r0 = sid * R_BIG

        pltpu.sync_copy(edge_hbm.at[0, w], src_all)
        pltpu.sync_copy(edge_hbm.at[1, w], dst_all)

        def g_issue(k, s):
            pltpu.async_copy(y_hbm.at[src_all.at[k]], rows[s], gsem[s])

        def g_wait(k, s):
            pltpu.make_async_copy(y_hbm.at[src_all.at[k]], rows[s],
                                  gsem[s]).wait()

        def s_issue(k, s):
            pltpu.async_copy(rows[s], agg_sh.at[dst_all.at[k]], ssem[s],
                             add=True)

        def s_wait(k, s):
            pltpu.make_async_copy(rows[s], agg_sh.at[dst_all.at[k]],
                                  ssem[s]).wait()

        for s in range(nbuf):
            g_issue(s, s)

        @pl.when(sid < NS - 1)
        def _():
            pltpu.sync_copy(y_hbm.at[pl.ds(r0, R_BIG)],
                            agg_sh.at[pl.ds(r0, R_BIG)])

        @pl.when(sid == NS - 1)
        def _():
            pltpu.sync_copy(y_hbm.at[pl.ds((NS - 1) * R_BIG, R_LAST)],
                            agg_sh.at[pl.ds((NS - 1) * R_BIG, R_LAST)])

        plsc.subcore_barrier()

        def body(j, carry):
            k0 = nbuf * j
            for s in range(nbuf):
                g_wait(k0 + s, s)
                s_issue(k0 + s, s)
            for s in range(nbuf):
                s_wait(k0 + s, s)
                if s < tail:
                    g_issue(k0 + nbuf + s, s)
                else:
                    @pl.when(j < n_rounds - 1)
                    def _():
                        g_issue(k0 + nbuf + s, s)
            return carry

        lax.fori_loop(0, n_rounds, body, 0)
        for t in range(tail):
            k = N_CHUNKS - tail + t
            g_wait(k, t)
            pltpu.sync_copy(rows[t], agg_sh.at[dst_all.at[k]], add=True)
        plsc.subcore_barrier()

        @pl.when(sid < NS - 1)
        def _():
            pltpu.sync_copy(agg_sh.at[pl.ds(r0, R_BIG)],
                            out_hbm.at[pl.ds(cid * N + r0, R_BIG)])

        @pl.when(sid == NS - 1)
        def _():
            pltpu.sync_copy(
                agg_sh.at[pl.ds((NS - 1) * R_BIG, R_LAST)],
                out_hbm.at[pl.ds(cid * N + (NS - 1) * R_BIG, R_LAST)])

    return agg_kernel(y, edge4)


_BLK = 2000
_GRID = N // _BLK


def _dinv_block(d_ref):
    return lax.rsqrt(d_ref[:, 0:1] + d_ref[:, 1:2] + 1.0)


def _tc_scale(x, deg_col):

    def body(d_ref, x_ref, u_ref):
        u_ref[...] = x_ref[...] * _dinv_block(d_ref)

    return pl.pallas_call(
        body,
        grid=(_GRID,),
        in_specs=[
            pl.BlockSpec((_BLK, 2), lambda i: (i, 0)),
            pl.BlockSpec((_BLK, D), lambda i: (i, 0)),
        ],
        out_specs=pl.BlockSpec((_BLK, D), lambda i: (i, 0)),
        out_shape=jax.ShapeDtypeStruct((N, D), jnp.float32),
    )(deg_col, x)


def _tc_mid(agg2, u, deg_col, w1, b1_row, w2p):

    def body(a0_ref, a1_ref, u_ref, d_ref, w1_ref, b1_ref, w2_ref, out_ref):
        dinv = _dinv_block(d_ref)
        v = a0_ref[...] + a1_ref[...] - u_ref[...]
        t = jnp.dot(v, w1_ref[...],
                    preferred_element_type=jnp.float32) * dinv + b1_ref[...]
        h = jnp.maximum(t, 0.0)
        out_ref[...] = jnp.dot(h, w2_ref[...],
                               preferred_element_type=jnp.float32) * dinv

    f_out = w2p.shape[1]
    flat = agg2
    return pl.pallas_call(
        body,
        grid=(_GRID,),
        in_specs=[
            pl.BlockSpec((_BLK, D), lambda i: (i, 0)),
            pl.BlockSpec((_BLK, D), lambda i: (i + _GRID, 0)),
            pl.BlockSpec((_BLK, D), lambda i: (i, 0)),
            pl.BlockSpec((_BLK, 2), lambda i: (i, 0)),
            pl.BlockSpec((D, D), lambda i: (0, 0)),
            pl.BlockSpec((1, D), lambda i: (0, 0)),
            pl.BlockSpec((D, f_out), lambda i: (0, 0)),
        ],
        out_specs=pl.BlockSpec((_BLK, f_out), lambda i: (i, 0)),
        out_shape=jax.ShapeDtypeStruct((N, f_out), jnp.float32),
    )(flat, flat, u, deg_col, w1, b1_row, w2p)


def _tc_combine_final(agg2, y, deg_col, b_row):

    def body(a0_ref, a1_ref, y_ref, d_ref, b_ref, out_ref):
        out_ref[...] = ((a0_ref[...] + a1_ref[...] - y_ref[...])
                        * _dinv_block(d_ref) + b_ref[...])

    f = y.shape[1]
    flat = agg2
    return pl.pallas_call(
        body,
        grid=(_GRID,),
        in_specs=[
            pl.BlockSpec((_BLK, f), lambda i: (i, 0)),
            pl.BlockSpec((_BLK, f), lambda i: (i + _GRID, 0)),
            pl.BlockSpec((_BLK, f), lambda i: (i, 0)),
            pl.BlockSpec((_BLK, 2), lambda i: (i, 0)),
            pl.BlockSpec((1, f), lambda i: (0, 0)),
        ],
        out_specs=pl.BlockSpec((_BLK, f), lambda i: (i, 0)),
        out_shape=jax.ShapeDtypeStruct((N, f), jnp.float32),
    )(flat, flat, y, deg_col, b_row)


def kernel(x, edge_index, W1, b1, W2, b2):
    edge4 = edge_index.reshape(2, NW, N_CHUNKS, EK)

    deg2 = _sc_degree(edge4)
    deg_col = deg2.T

    u = _tc_scale(x, deg_col)
    agg1 = _sc_aggregate(u, edge4, D)

    y2 = _tc_mid(agg1, u, deg_col, W1, b1.reshape(1, H), W2)
    agg2 = _sc_aggregate(y2, edge4, C)

    return _tc_combine_final(agg2, y2, deg_col, b2.reshape(1, C))

# --- scband reference (transcript-rebuilt; emitter-appended) ---
"""Pipeline reference for scband-gcn-24283745091807 (READ-ONLY COPY).

The authoritative reference and input builder live on the scoring server;
editing this copy changes nothing except your own understanding.
"""

import jax, jax.numpy as jnp
import numpy as np

N = 10000
E = 320000
D = 128
H = 128
C = 40


def setup_inputs(seed: int = 0) -> dict:
    key = jax.random.key(seed)
    k1, k2, k3, k4, k5, k6 = jax.random.split(key, 6)
    x = jax.random.normal(k1, (N, D), dtype=jnp.float32)
    edge_index = jax.random.randint(k2, (2, E), 0, N, dtype=jnp.int32)
    W1 = jax.random.normal(k3, (D, H), dtype=jnp.float32) * (1.0 / np.sqrt(D))
    b1 = jnp.zeros((H,), dtype=jnp.float32)
    W2 = jax.random.normal(k4, (H, C), dtype=jnp.float32) * (1.0 / np.sqrt(H))
    b2 = jnp.zeros((C,), dtype=jnp.float32)
    return {"x": x, "edge_index": edge_index, "W1": W1, "b1": b1, "W2": W2, "b2": b2}


def gcn_conv(x, edge_index, W, b):
    # GCNConv: D^{-1/2} (A + I) D^{-1/2} X W + b  (add_self_loops=True, normalize=True)
    num_nodes = x.shape[0]
    loop = jnp.arange(num_nodes, dtype=edge_index.dtype)
    src = jnp.concatenate([edge_index[0], loop])
    dst = jnp.concatenate([edge_index[1], loop])
    deg = jnp.zeros((num_nodes,), dtype=x.dtype).at[dst].add(1.0)
    deg_inv_sqrt = jnp.where(deg > 0, 1.0 / jnp.sqrt(deg), 0.0)
    norm = deg_inv_sqrt[src] * deg_inv_sqrt[dst]
    xw = x @ W
    msg = xw[src] * norm[:, None]
    out = jax.ops.segment_sum(msg, dst, num_segments=num_nodes)
    return out + b


def reference(x, edge_index, W1, b1, W2, b2):
    # pyg GCN(num_layers=2): conv1 -> relu -> (dropout, identity in eval) -> conv2
    h = gcn_conv(x, edge_index, W1, b1)
    h = jax.nn.relu(h)
    out = gcn_conv(h, edge_index, W2, b2)
    return out

if __name__ == "__main__":
    import jax
    _d = setup_inputs()
    print(jax.jit(kernel)(*tuple(_d.values())))

</pallas_src>

<mosaic_0001>
#map = affine_map<(d0, d1) -> (0, 0)>
#map1 = affine_map<(d0, d1) -> (0, 0, 0, 0)>
module attributes {stable_mosaic.version = 14 : i64} {
  func.func @agg_kernel(%arg0: i32, %arg1: i32, %arg2: memref<10000x40xf32, #tpu.memory_space<hbm>>, %arg3: memref<2x32x125x80xi32, #tpu.memory_space<hbm>>, %arg4: memref<20000x40xf32, #tpu.memory_space<hbm>>, %arg5: memref<125x80xi32, #tpu.memory_space<vmem>>, %arg6: memref<125x80xi32, #tpu.memory_space<vmem>>, %arg7: memref<80x40xf32, #tpu.memory_space<vmem>>, %arg8: memref<80x40xf32, #tpu.memory_space<vmem>>, %arg9: memref<80x40xf32, #tpu.memory_space<vmem>>, %arg10: memref<80x40xf32, #tpu.memory_space<vmem>>, %arg11: memref<80x40xf32, #tpu.memory_space<vmem>>, %arg12: memref<80x40xf32, #tpu.memory_space<vmem>>, %arg13: memref<80x40xf32, #tpu.memory_space<vmem>>, %arg14: memref<80x40xf32, #tpu.memory_space<vmem>>, %arg15: memref<10000x40xf32, #tpu.memory_space<vmem_shared>>, %arg16: memref<!tpu.dma_semaphore, #tpu.memory_space<semaphore_mem>>, %arg17: memref<!tpu.dma_semaphore, #tpu.memory_space<semaphore_mem>>, %arg18: memref<!tpu.dma_semaphore, #tpu.memory_space<semaphore_mem>>, %arg19: memref<!tpu.dma_semaphore, #tpu.memory_space<semaphore_mem>>, %arg20: memref<!tpu.dma_semaphore, #tpu.memory_space<semaphore_mem>>, %arg21: memref<!tpu.dma_semaphore, #tpu.memory_space<semaphore_mem>>, %arg22: memref<!tpu.dma_semaphore, #tpu.memory_space<semaphore_mem>>, %arg23: memref<!tpu.dma_semaphore, #tpu.memory_space<semaphore_mem>>, %arg24: memref<!tpu.dma_semaphore, #tpu.memory_space<semaphore_mem>>, %arg25: memref<!tpu.dma_semaphore, #tpu.memory_space<semaphore_mem>>, %arg26: memref<!tpu.dma_semaphore, #tpu.memory_space<semaphore_mem>>, %arg27: memref<!tpu.dma_semaphore, #tpu.memory_space<semaphore_mem>>, %arg28: memref<!tpu.dma_semaphore, #tpu.memory_space<semaphore_mem>>, %arg29: memref<!tpu.dma_semaphore, #tpu.memory_space<semaphore_mem>>, %arg30: memref<!tpu.dma_semaphore, #tpu.memory_space<semaphore_mem>>, %arg31: memref<!tpu.dma_semaphore, #tpu.memory_space<semaphore_mem>>) attributes {dimension_semantics = [#tpu.dimension_semantics<core_parallel>, #tpu.dimension_semantics<subcore_parallel>], iteration_bounds = array<i64: 2, 16>, scalar_prefetch = 0 : i64, scratch_operands = 27 : i64, tpu.core_type = #tpu.core_type<sc_vector_subcore>, window_params = [{transform_indices = #map}, {transform_indices = #map1}, {transform_indices = #map}]} {
    %mul3A = arith.constant 16 : i32
    %mul3A_0 = arith.muli %arg0, %mul3A : i32
    %add3A = arith.addi %mul3A_0, %arg1 : i32
    %mul3A_1 = arith.constant 632 : i32
    %mul3A_2 = arith.muli %arg1, %mul3A_1 : i32
    %run_scoped3A = arith.constant 0 : i32
    "tpu.region"() ({
      %run_scoped3A_120 = tpu.sem_alloc : memref<!tpu.dma_semaphore, #tpu.memory_space<semaphore_mem>>
      %dma_start3A_121 = arith.constant 0 : i32
      %dma_start3A_122 = arith.constant 0 : i32
      %dma_start3A_123 = tpu.memref_slice %arg3[%run_scoped3A, %add3A, %dma_start3A_121, %dma_start3A_122] : memref<2x32x125x80xi32, #tpu.memory_space<hbm>> -> memref<1x1x125x80xi32, #tpu.memory_space<hbm>>
      %dma_start3A_124 = tpu.memref_squeeze %dma_start3A_123 : memref<1x1x125x80xi32, #tpu.memory_space<hbm>> -> memref<125x80xi32, #tpu.memory_space<hbm>>
      %dma_start3A_125 = arith.constant 0 : i32
      %dma_start3A_126 = arith.constant 0 : i32
      %dma_start3A_127 = tpu.memref_slice %arg3[%run_scoped3A, %add3A, %dma_start3A_125, %dma_start3A_126] : memref<2x32x125x80xi32, #tpu.memory_space<hbm>> -> memref<1x1x125x80xi32, #tpu.memory_space<hbm>>
      %dma_start3A_128 = tpu.memref_squeeze %dma_start3A_127 : memref<1x1x125x80xi32, #tpu.memory_space<hbm>> -> memref<125x80xi32, #tpu.memory_space<hbm>>
      tpu.enqueue_dma source(%dma_start3A_128 : memref<125x80xi32, #tpu.memory_space<hbm>>) target(%arg5 : memref<125x80xi32, #tpu.memory_space<vmem>>) target_semaphore(%run_scoped3A_120 : memref<!tpu.dma_semaphore, #tpu.memory_space<semaphore_mem>>)
      %dma_wait3A_129 = arith.constant 0 : i32
      %dma_wait3A_130 = arith.constant 0 : i32
      %dma_wait3A_131 = tpu.memref_slice %arg3[%run_scoped3A, %add3A, %dma_wait3A_129, %dma_wait3A_130] : memref<2x32x125x80xi32, #tpu.memory_space<hbm>> -> memref<1x1x125x80xi32, #tpu.memory_space<hbm>>
      %dma_wait3A_132 = tpu.memref_squeeze %dma_wait3A_131 : memref<1x1x125x80xi32, #tpu.memory_space<hbm>> -> memref<125x80xi32, #tpu.memory_space<hbm>>
      %dma_wait3A_133 = arith.constant 0 : i32
      %dma_wait3A_134 = arith.constant 0 : i32
      %dma_wait3A_135 = tpu.memref_slice %arg3[%run_scoped3A, %add3A, %dma_wait3A_133, %dma_wait3A_134] : memref<2x32x125x80xi32, #tpu.memory_space<hbm>> -> memref<1x1x125x80xi32, #tpu.memory_space<hbm>>
      %dma_wait3A_136 = tpu.memref_squeeze %dma_wait3A_135 : memref<1x1x125x80xi32, #tpu.memory_space<hbm>> -> memref<125x80xi32, #tpu.memory_space<hbm>>
      tpu.wait_dma2 semaphore(%run_scoped3A_120 : memref<!tpu.dma_semaphore, #tpu.memory_space<semaphore_mem>>) src(%dma_wait3A_136 : memref<125x80xi32, #tpu.memory_space<hbm>>) dst(%arg5 : memref<125x80xi32, #tpu.memory_space<vmem>>)
      tpu.yield
    }) : () -> ()
    %run_scoped3A_3 = arith.constant 1 : i32
    "tpu.region"() ({
      %run_scoped3A_120 = tpu.sem_alloc : memref<!tpu.dma_semaphore, #tpu.memory_space<semaphore_mem>>
      %dma_start3A_121 = arith.constant 0 : i32
      %dma_start3A_122 = arith.constant 0 : i32
      %dma_start3A_123 = tpu.memref_slice %arg3[%run_scoped3A_3, %add3A, %dma_start3A_121, %dma_start3A_122] : memref<2x32x125x80xi32, #tpu.memory_space<hbm>> -> memref<1x1x125x80xi32, #tpu.memory_space<hbm>>
      %dma_start3A_124 = tpu.memref_squeeze %dma_start3A_123 : memref<1x1x125x80xi32, #tpu.memory_space<hbm>> -> memref<125x80xi32, #tpu.memory_space<hbm>>
      %dma_start3A_125 = arith.constant 0 : i32
      %dma_start3A_126 = arith.constant 0 : i32
      %dma_start3A_127 = tpu.memref_slice %arg3[%run_scoped3A_3, %add3A, %dma_start3A_125, %dma_start3A_126] : memref<2x32x125x80xi32, #tpu.memory_space<hbm>> -> memref<1x1x125x80xi32, #tpu.memory_space<hbm>>
      %dma_start3A_128 = tpu.memref_squeeze %dma_start3A_127 : memref<1x1x125x80xi32, #tpu.memory_space<hbm>> -> memref<125x80xi32, #tpu.memory_space<hbm>>
      tpu.enqueue_dma source(%dma_start3A_128 : memref<125x80xi32, #tpu.memory_space<hbm>>) target(%arg6 : memref<125x80xi32, #tpu.memory_space<vmem>>) target_semaphore(%run_scoped3A_120 : memref<!tpu.dma_semaphore, #tpu.memory_space<semaphore_mem>>)
      %dma_wait3A_129 = arith.constant 0 : i32
      %dma_wait3A_130 = arith.constant 0 : i32
      %dma_wait3A_131 = tpu.memref_slice %arg3[%run_scoped3A_3, %add3A, %dma_wait3A_129, %dma_wait3A_130] : memref<2x32x125x80xi32, #tpu.memory_space<hbm>> -> memref<1x1x125x80xi32, #tpu.memory_space<hbm>>
      %dma_wait3A_132 = tpu.memref_squeeze %dma_wait3A_131 : memref<1x1x125x80xi32, #tpu.memory_space<hbm>> -> memref<125x80xi32, #tpu.memory_space<hbm>>
      %dma_wait3A_133 = arith.constant 0 : i32
      %dma_wait3A_134 = arith.constant 0 : i32
      %dma_wait3A_135 = tpu.memref_slice %arg3[%run_scoped3A_3, %add3A, %dma_wait3A_133, %dma_wait3A_134] : memref<2x32x125x80xi32, #tpu.memory_space<hbm>> -> memref<1x1x125x80xi32, #tpu.memory_space<hbm>>
      %dma_wait3A_136 = tpu.memref_squeeze %dma_wait3A_135 : memref<1x1x125x80xi32, #tpu.memory_space<hbm>> -> memref<125x80xi32, #tpu.memory_space<hbm>>
      tpu.wait_dma2 semaphore(%run_scoped3A_120 : memref<!tpu.dma_semaphore, #tpu.memory_space<semaphore_mem>>) src(%dma_wait3A_136 : memref<125x80xi32, #tpu.memory_space<hbm>>) dst(%arg6 : memref<125x80xi32, #tpu.memory_space<vmem>>)
      tpu.yield
    }) : () -> ()
    %dma_start3A = arith.constant 0 : i32
    %dma_start3A_4 = arith.constant 0 : i32
    %dma_start3A_5 = tpu.memref_slice %arg5[%dma_start3A, %dma_start3A_4] : memref<125x80xi32, #tpu.memory_space<vmem>> -> memref<1x80xi32, #tpu.memory_space<vmem>>
    %dma_start3A_6 = tpu.memref_squeeze %dma_start3A_5 : memref<1x80xi32, #tpu.memory_space<vmem>> -> memref<80xi32, #tpu.memory_space<vmem>>
    %dma_start3A_7 = arith.constant 0 : i32
    %dma_start3A_8 = arith.constant 0 : i32
    %dma_start3A_9 = tpu.memref_slice %arg2[%dma_start3A_7, %dma_start3A_8] : memref<10000x40xf32, #tpu.memory_space<hbm>> -> memref<10000x40xf32, #tpu.memory_space<hbm>>
    tpu.enqueue_indirect_dma source(%dma_start3A_9 : memref<10000x40xf32, #tpu.memory_space<hbm>>) target(%arg7 : memref<80x40xf32, #tpu.memory_space<vmem>>) offsets(%dma_start3A_6 : memref<80xi32, #tpu.memory_space<vmem>>) semaphore(%arg16 : memref<!tpu.dma_semaphore, #tpu.memory_space<semaphore_mem>>)
    %dma_start3A_10 = arith.constant 1 : i32
    %dma_start3A_11 = arith.constant 0 : i32
    %dma_start3A_12 = tpu.memref_slice %arg5[%dma_start3A_10, %dma_start3A_11] : memref<125x80xi32, #tpu.memory_space<vmem>> -> memref<1x80xi32, #tpu.memory_space<vmem>>
    %dma_start3A_13 = tpu.memref_squeeze %dma_start3A_12 : memref<1x80xi32, #tpu.memory_space<vmem>> -> memref<80xi32, #tpu.memory_space<vmem>>
    %dma_start3A_14 = arith.constant 0 : i32
    %dma_start3A_15 = arith.constant 0 : i32
    %dma_start3A_16 = tpu.memref_slice %arg2[%dma_start3A_14, %dma_start3A_15] : memref<10000x40xf32, #tpu.memory_space<hbm>> -> memref<10000x40xf32, #tpu.memory_space<hbm>>
    tpu.enqueue_indirect_dma source(%dma_start3A_16 : memref<10000x40xf32, #tpu.memory_space<hbm>>) target(%arg8 : memref<80x40xf32, #tpu.memory_space<vmem>>) offsets(%dma_start3A_13 : memref<80xi32, #tpu.memory_space<vmem>>) semaphore(%arg17 : memref<!tpu.dma_semaphore, #tpu.memory_space<semaphore_mem>>)
    %dma_start3A_17 = arith.constant 2 : i32
    %dma_start3A_18 = arith.constant 0 : i32
    %dma_start3A_19 = tpu.memref_slice %arg5[%dma_start3A_17, %dma_start3A_18] : memref<125x80xi32, #tpu.memory_space<vmem>> -> memref<1x80xi32, #tpu.memory_space<vmem>>
    %dma_start3A_20 = tpu.memref_squeeze %dma_start3A_19 : memref<1x80xi32, #tpu.memory_space<vmem>> -> memref<80xi32, #tpu.memory_space<vmem>>
    %dma_start3A_21 = arith.constant 0 : i32
    %dma_start3A_22 = arith.constant 0 : i32
    %dma_start3A_23 = tpu.memref_slice %arg2[%dma_start3A_21, %dma_start3A_22] : memref<10000x40xf32, #tpu.memory_space<hbm>> -> memref<10000x40xf32, #tpu.memory_space<hbm>>
    tpu.enqueue_indirect_dma source(%dma_start3A_23 : memref<10000x40xf32, #tpu.memory_space<hbm>>) target(%arg9 : memref<80x40xf32, #tpu.memory_space<vmem>>) offsets(%dma_start3A_20 : memref<80xi32, #tpu.memory_space<vmem>>) semaphore(%arg18 : memref<!tpu.dma_semaphore, #tpu.memory_space<semaphore_mem>>)
    %dma_start3A_24 = arith.constant 3 : i32
    %dma_start3A_25 = arith.constant 0 : i32
    %dma_start3A_26 = tpu.memref_slice %arg5[%dma_start3A_24, %dma_start3A_25] : memref<125x80xi32, #tpu.memory_space<vmem>> -> memref<1x80xi32, #tpu.memory_space<vmem>>
    %dma_start3A_27 = tpu.memref_squeeze %dma_start3A_26 : memref<1x80xi32, #tpu.memory_space<vmem>> -> memref<80xi32, #tpu.memory_space<vmem>>
    %dma_start3A_28 = arith.constant 0 : i32
    %dma_start3A_29 = arith.constant 0 : i32
    %dma_start3A_30 = tpu.memref_slice %arg2[%dma_start3A_28, %dma_start3A_29] : memref<10000x40xf32, #tpu.memory_space<hbm>> -> memref<10000x40xf32, #tpu.memory_space<hbm>>
    tpu.enqueue_indirect_dma source(%dma_start3A_30 : memref<10000x40xf32, #tpu.memory_space<hbm>>) target(%arg10 : memref<80x40xf32, #tpu.memory_space<vmem>>) offsets(%dma_start3A_27 : memref<80xi32, #tpu.memory_space<vmem>>) semaphore(%arg19 : memref<!tpu.dma_semaphore, #tpu.memory_space<semaphore_mem>>)
    %dma_start3A_31 = arith.constant 4 : i32
    %dma_start3A_32 = arith.constant 0 : i32
    %dma_start3A_33 = tpu.memref_slice %arg5[%dma_start3A_31, %dma_start3A_32] : memref<125x80xi32, #tpu.memory_space<vmem>> -> memref<1x80xi32, #tpu.memory_space<vmem>>
    %dma_start3A_34 = tpu.memref_squeeze %dma_start3A_33 : memref<1x80xi32, #tpu.memory_space<vmem>> -> memref<80xi32, #tpu.memory_space<vmem>>
    %dma_start3A_35 = arith.constant 0 : i32
    %dma_start3A_36 = arith.constant 0 : i32
    %dma_start3A_37 = tpu.memref_slice %arg2[%dma_start3A_35, %dma_start3A_36] : memref<10000x40xf32, #tpu.memory_space<hbm>> -> memref<10000x40xf32, #tpu.memory_space<hbm>>
    tpu.enqueue_indirect_dma source(%dma_start3A_37 : memref<10000x40xf32, #tpu.memory_space<hbm>>) target(%arg11 : memref<80x40xf32, #tpu.memory_space<vmem>>) offsets(%dma_start3A_34 : memref<80xi32, #tpu.memory_space<vmem>>) semaphore(%arg20 : memref<!tpu.dma_semaphore, #tpu.memory_space<semaphore_mem>>)
    %dma_start3A_38 = arith.constant 5 : i32
    %dma_start3A_39 = arith.constant 0 : i32
    %dma_start3A_40 = tpu.memref_slice %arg5[%dma_start3A_38, %dma_start3A_39] : memref<125x80xi32, #tpu.memory_space<vmem>> -> memref<1x80xi32, #tpu.memory_space<vmem>>
    %dma_start3A_41 = tpu.memref_squeeze %dma_start3A_40 : memref<1x80xi32, #tpu.memory_space<vmem>> -> memref<80xi32, #tpu.memory_space<vmem>>
    %dma_start3A_42 = arith.constant 0 : i32
    %dma_start3A_43 = arith.constant 0 : i32
    %dma_start3A_44 = tpu.memref_slice %arg2[%dma_start3A_42, %dma_start3A_43] : memref<10000x40xf32, #tpu.memory_space<hbm>> -> memref<10000x40xf32, #tpu.memory_space<hbm>>
    tpu.enqueue_indirect_dma source(%dma_start3A_44 : memref<10000x40xf32, #tpu.memory_space<hbm>>) target(%arg12 : memref<80x40xf32, #tpu.memory_space<vmem>>) offsets(%dma_start3A_41 : memref<80xi32, #tpu.memory_space<vmem>>) semaphore(%arg21 : memref<!tpu.dma_semaphore, #tpu.memory_space<semaphore_mem>>)
    %dma_start3A_45 = arith.constant 6 : i32
    %dma_start3A_46 = arith.constant 0 : i32
    %dma_start3A_47 = tpu.memref_slice %arg5[%dma_start3A_45, %dma_start3A_46] : memref<125x80xi32, #tpu.memory_space<vmem>> -> memref<1x80xi32, #tpu.memory_space<vmem>>
    %dma_start3A_48 = tpu.memref_squeeze %dma_start3A_47 : memref<1x80xi32, #tpu.memory_space<vmem>> -> memref<80xi32, #tpu.memory_space<vmem>>
    %dma_start3A_49 = arith.constant 0 : i32
    %dma_start3A_50 = arith.constant 0 : i32
    %dma_start3A_51 = tpu.memref_slice %arg2[%dma_start3A_49, %dma_start3A_50] : memref<10000x40xf32, #tpu.memory_space<hbm>> -> memref<10000x40xf32, #tpu.memory_space<hbm>>
    tpu.enqueue_indirect_dma source(%dma_start3A_51 : memref<10000x40xf32, #tpu.memory_space<hbm>>) target(%arg13 : memref<80x40xf32, #tpu.memory_space<vmem>>) offsets(%dma_start3A_48 : memref<80xi32, #tpu.memory_space<vmem>>) semaphore(%arg22 : memref<!tpu.dma_semaphore, #tpu.memory_space<semaphore_mem>>)
    %dma_start3A_52 = arith.constant 7 : i32
    %dma_start3A_53 = arith.constant 0 : i32
    %dma_start3A_54 = tpu.memref_slice %arg5[%dma_start3A_52, %dma_start3A_53] : memref<125x80xi32, #tpu.memory_space<vmem>> -> memref<1x80xi32, #tpu.memory_space<vmem>>
    %dma_start3A_55 = tpu.memref_squeeze %dma_start3A_54 : memref<1x80xi32, #tpu.memory_space<vmem>> -> memref<80xi32, #tpu.memory_space<vmem>>
    %dma_start3A_56 = arith.constant 0 : i32
    %dma_start3A_57 = arith.constant 0 : i32
    %dma_start3A_58 = tpu.memref_slice %arg2[%dma_start3A_56, %dma_start3A_57] : memref<10000x40xf32, #tpu.memory_space<hbm>> -> memref<10000x40xf32, #tpu.memory_space<hbm>>
    tpu.enqueue_indirect_dma source(%dma_start3A_58 : memref<10000x40xf32, #tpu.memory_space<hbm>>) target(%arg14 : memref<80x40xf32, #tpu.memory_space<vmem>>) offsets(%dma_start3A_55 : memref<80xi32, #tpu.memory_space<vmem>>) semaphore(%arg23 : memref<!tpu.dma_semaphore, #tpu.memory_space<semaphore_mem>>)
    %lt3A = arith.constant 15 : i32
    %lt3A_59 = arith.cmpi slt, %arg1, %lt3A : i32
    %convert_element_type3A = arith.extui %lt3A_59 : i1 to i32
    %cond3A = arith.constant 0 : i32
    %cond3A_60 = arith.cmpi ne, %convert_element_type3A, %cond3A : i32
    scf.if %cond3A_60 {
      "tpu.region"() ({
        %run_scoped3A_120 = tpu.sem_alloc : memref<!tpu.dma_semaphore, #tpu.memory_space<semaphore_mem>>
        %dma_start3A_121 = arith.constant 0 : i32
        %dma_start3A_122 = tpu.memref_slice %arg15[%mul3A_2, %dma_start3A_121] : memref<10000x40xf32, #tpu.memory_space<vmem_shared>> -> memref<632x40xf32, #tpu.memory_space<vmem_shared>>
        %dma_start3A_123 = arith.constant 0 : i32
        %dma_start3A_124 = tpu.memref_slice %arg2[%mul3A_2, %dma_start3A_123] : memref<10000x40xf32, #tpu.memory_space<hbm>> -> memref<632x40xf32, #tpu.memory_space<hbm>>
        tpu.enqueue_dma source(%dma_start3A_124 : memref<632x40xf32, #tpu.memory_space<hbm>>) target(%dma_start3A_122 : memref<632x40xf32, #tpu.memory_space<vmem_shared>>) target_semaphore(%run_scoped3A_120 : memref<!tpu.dma_semaphore, #tpu.memory_space<semaphore_mem>>)
        %dma_wait3A_125 = arith.constant 0 : i32
        %dma_wait3A_126 = tpu.memref_slice %arg15[%mul3A_2, %dma_wait3A_125] : memref<10000x40xf32, #tpu.memory_space<vmem_shared>> -> memref<632x40xf32, #tpu.memory_space<vmem_shared>>
        %dma_wait3A_127 = arith.constant 0 : i32
        %dma_wait3A_128 = tpu.memref_slice %arg2[%mul3A_2, %dma_wait3A_127] : memref<10000x40xf32, #tpu.memory_space<hbm>> -> memref<632x40xf32, #tpu.memory_space<hbm>>
        tpu.wait_dma2 semaphore(%run_scoped3A_120 : memref<!tpu.dma_semaphore, #tpu.memory_space<semaphore_mem>>) src(%dma_wait3A_128 : memref<632x40xf32, #tpu.memory_space<hbm>>) dst(%dma_wait3A_126 : memref<632x40xf32, #tpu.memory_space<vmem_shared>>)
        tpu.yield
      }) : () -> ()
    } else {
    }
    %eq3A = arith.constant 15 : i32
    %eq3A_61 = arith.cmpi eq, %arg1, %eq3A : i32
    %convert_element_type3A_62 = arith.extui %eq3A_61 : i1 to i32
    %cond3A_63 = arith.constant 0 : i32
    %cond3A_64 = arith.cmpi ne, %convert_element_type3A_62, %cond3A_63 : i32
    scf.if %cond3A_64 {
      "tpu.region"() ({
        %run_scoped3A_120 = tpu.sem_alloc : memref<!tpu.dma_semaphore, #tpu.memory_space<semaphore_mem>>
        %dma_start3A_121 = arith.constant 9480 : i32
        %dma_start3A_122 = arith.constant 0 : i32
        %dma_start3A_123 = tpu.memref_slice %arg15[%dma_start3A_121, %dma_start3A_122] : memref<10000x40xf32, #tpu.memory_space<vmem_shared>> -> memref<520x40xf32, #tpu.memory_space<vmem_shared>>
        %dma_start3A_124 = arith.constant 9480 : i32
        %dma_start3A_125 = arith.constant 0 : i32
        %dma_start3A_126 = tpu.memref_slice %arg2[%dma_start3A_124, %dma_start3A_125] : memref<10000x40xf32, #tpu.memory_space<hbm>> -> memref<520x40xf32, #tpu.memory_space<hbm>>
        tpu.enqueue_dma source(%dma_start3A_126 : memref<520x40xf32, #tpu.memory_space<hbm>>) target(%dma_start3A_123 : memref<520x40xf32, #tpu.memory_space<vmem_shared>>) target_semaphore(%run_scoped3A_120 : memref<!tpu.dma_semaphore, #tpu.memory_space<semaphore_mem>>)
        %dma_wait3A_127 = arith.constant 9480 : i32
        %dma_wait3A_128 = arith.constant 0 : i32
        %dma_wait3A_129 = tpu.memref_slice %arg15[%dma_wait3A_127, %dma_wait3A_128] : memref<10000x40xf32, #tpu.memory_space<vmem_shared>> -> memref<520x40xf32, #tpu.memory_space<vmem_shared>>
        %dma_wait3A_130 = arith.constant 9480 : i32
        %dma_wait3A_131 = arith.constant 0 : i32
        %dma_wait3A_132 = tpu.memref_slice %arg2[%dma_wait3A_130, %dma_wait3A_131] : memref<10000x40xf32, #tpu.memory_space<hbm>> -> memref<520x40xf32, #tpu.memory_space<hbm>>
        tpu.wait_dma2 semaphore(%run_scoped3A_120 : memref<!tpu.dma_semaphore, #tpu.memory_space<semaphore_mem>>) src(%dma_wait3A_132 : memref<520x40xf32, #tpu.memory_space<hbm>>) dst(%dma_wait3A_129 : memref<520x40xf32, #tpu.memory_space<vmem_shared>>)
        tpu.yield
      }) : () -> ()
    } else {
    }
    %barrier3A = arith.constant 0 : index
    tpu.barrier barrier_id(%barrier3A)
    %scan3A = arith.constant 0 : i32
    %scan3A_65 = arith.constant 0 : i32
    %scan3A_66 = arith.constant 15 : i32
    %scan3A_67 = arith.addi %scan3A_65, %scan3A_66 : i32
    %scan3A_68 = arith.constant 1 : i32
    scf.for %scan3A_120 = %scan3A_65 to %scan3A_67 step %scan3A_68  : i32 {
      %mul3A_121 = arith.constant 8 : i32
      %mul3A_122 = arith.muli %mul3A_121, %scan3A_120 : i32
      %add3A_123 = arith.constant 0 : i32
      %add3A_124 = arith.addi %mul3A_122, %add3A_123 : i32
      %dma_wait3A_125 = arith.constant 0 : i32
      %dma_wait3A_126 = tpu.memref_slice %arg5[%add3A_124, %dma_wait3A_125] : memref<125x80xi32, #tpu.memory_space<vmem>> -> memref<1x80xi32, #tpu.memory_space<vmem>>
      %dma_wait3A_127 = tpu.memref_squeeze %dma_wait3A_126 : memref<1x80xi32, #tpu.memory_space<vmem>> -> memref<80xi32, #tpu.memory_space<vmem>>
      %dma_wait3A_128 = arith.constant 0 : i32
      %dma_wait3A_129 = arith.constant 0 : i32
      %dma_wait3A_130 = tpu.memref_slice %arg2[%dma_wait3A_128, %dma_wait3A_129] : memref<10000x40xf32, #tpu.memory_space<hbm>> -> memref<10000x40xf32, #tpu.memory_space<hbm>>
      tpu.wait_indirect_dma semaphore(%arg16 : memref<!tpu.dma_semaphore, #tpu.memory_space<semaphore_mem>>) src(%dma_wait3A_130 : memref<10000x40xf32, #tpu.memory_space<hbm>>) dst(%arg7 : memref<80x40xf32, #tpu.memory_space<vmem>>)
      %add3A_131 = arith.constant 0 : i32
      %add3A_132 = arith.addi %mul3A_122, %add3A_131 : i32
      %dma_start3A_133 = arith.constant 0 : i32
      %dma_start3A_134 = tpu.memref_slice %arg6[%add3A_132, %dma_start3A_133] : memref<125x80xi32, #tpu.memory_space<vmem>> -> memref<1x80xi32, #tpu.memory_space<vmem>>
      %dma_start3A_135 = tpu.memref_squeeze %dma_start3A_134 : memref<1x80xi32, #tpu.memory_space<vmem>> -> memref<80xi32, #tpu.memory_space<vmem>>
      %dma_start3A_136 = arith.constant 0 : i32
      %dma_start3A_137 = arith.constant 0 : i32
      %dma_start3A_138 = tpu.memref_slice %arg15[%dma_start3A_136, %dma_start3A_137] : memref<10000x40xf32, #tpu.memory_space<vmem_shared>> -> memref<10000x40xf32, #tpu.memory_space<vmem_shared>>
      tpu.enqueue_indirect_dma source(%arg7 : memref<80x40xf32, #tpu.memory_space<vmem>>) target(%dma_start3A_138 : memref<10000x40xf32, #tpu.memory_space<vmem_shared>>) offsets(%dma_start3A_135 : memref<80xi32, #tpu.memory_space<vmem>>) semaphore(%arg24 : memref<!tpu.dma_semaphore, #tpu.memory_space<semaphore_mem>>) {add = true}
      %add3A_139 = arith.constant 1 : i32
      %add3A_140 = arith.addi %mul3A_122, %add3A_139 : i32
      %dma_wait3A_141 = arith.constant 0 : i32
      %dma_wait3A_142 = tpu.memref_slice %arg5[%add3A_140, %dma_wait3A_141] : memref<125x80xi32, #tpu.memory_space<vmem>> -> memref<1x80xi32, #tpu.memory_space<vmem>>
      %dma_wait3A_143 = tpu.memref_squeeze %dma_wait3A_142 : memref<1x80xi32, #tpu.memory_space<vmem>> -> memref<80xi32, #tpu.memory_space<vmem>>
      %dma_wait3A_144 = arith.constant 0 : i32
      %dma_wait3A_145 = arith.constant 0 : i32
      %dma_wait3A_146 = tpu.memref_slice %arg2[%dma_wait3A_144, %dma_wait3A_145] : memref<10000x40xf32, #tpu.memory_space<hbm>> -> memref<10000x40xf32, #tpu.memory_space<hbm>>
      tpu.wait_indirect_dma semaphore(%arg17 : memref<!tpu.dma_semaphore, #tpu.memory_space<semaphore_mem>>) src(%dma_wait3A_146 : memref<10000x40xf32, #tpu.memory_space<hbm>>) dst(%arg8 : memref<80x40xf32, #tpu.memory_space<vmem>>)
      %add3A_147 = arith.constant 1 : i32
      %add3A_148 = arith.addi %mul3A_122, %add3A_147 : i32
      %dma_start3A_149 = arith.constant 0 : i32
      %dma_start3A_150 = tpu.memref_slice %arg6[%add3A_148, %dma_start3A_149] : memref<125x80xi32, #tpu.memory_space<vmem>> -> memref<1x80xi32, #tpu.memory_space<vmem>>
      %dma_start3A_151 = tpu.memref_squeeze %dma_start3A_150 : memref<1x80xi32, #tpu.memory_space<vmem>> -> memref<80xi32, #tpu.memory_space<vmem>>
      %dma_start3A_152 = arith.constant 0 : i32
      %dma_start3A_153 = arith.constant 0 : i32
      %dma_start3A_154 = tpu.memref_slice %arg15[%dma_start3A_152, %dma_start3A_153] : memref<10000x40xf32, #tpu.memory_space<vmem_shared>> -> memref<10000x40xf32, #tpu.memory_space<vmem_shared>>
      tpu.enqueue_indirect_dma source(%arg8 : memref<80x40xf32, #tpu.memory_space<vmem>>) target(%dma_start3A_154 : memref<10000x40xf32, #tpu.memory_space<vmem_shared>>) offsets(%dma_start3A_151 : memref<80xi32, #tpu.memory_space<vmem>>) semaphore(%arg25 : memref<!tpu.dma_semaphore, #tpu.memory_space<semaphore_mem>>) {add = true}
      %add3A_155 = arith.constant 2 : i32
      %add3A_156 = arith.addi %mul3A_122, %add3A_155 : i32
      %dma_wait3A_157 = arith.constant 0 : i32
      %dma_wait3A_158 = tpu.memref_slice %arg5[%add3A_156, %dma_wait3A_157] : memref<125x80xi32, #tpu.memory_space<vmem>> -> memref<1x80xi32, #tpu.memory_space<vmem>>
      %dma_wait3A_159 = tpu.memref_squeeze %dma_wait3A_158 : memref<1x80xi32, #tpu.memory_space<vmem>> -> memref<80xi32, #tpu.memory_space<vmem>>
      %dma_wait3A_160 = arith.constant 0 : i32
      %dma_wait3A_161 = arith.constant 0 : i32
      %dma_wait3A_162 = tpu.memref_slice %arg2[%dma_wait3A_160, %dma_wait3A_161] : memref<10000x40xf32, #tpu.memory_space<hbm>> -> memref<10000x40xf32, #tpu.memory_space<hbm>>
      tpu.wait_indirect_dma semaphore(%arg18 : memref<!tpu.dma_semaphore, #tpu.memory_space<semaphore_mem>>) src(%dma_wait3A_162 : memref<10000x40xf32, #tpu.memory_space<hbm>>) dst(%arg9 : memref<80x40xf32, #tpu.memory_space<vmem>>)
      %add3A_163 = arith.constant 2 : i32
      %add3A_164 = arith.addi %mul3A_122, %add3A_163 : i32
      %dma_start3A_165 = arith.constant 0 : i32
      %dma_start3A_166 = tpu.memref_slice %arg6[%add3A_164, %dma_start3A_165] : memref<125x80xi32, #tpu.memory_space<vmem>> -> memref<1x80xi32, #tpu.memory_space<vmem>>
      %dma_start3A_167 = tpu.memref_squeeze %dma_start3A_166 : memref<1x80xi32, #tpu.memory_space<vmem>> -> memref<80xi32, #tpu.memory_space<vmem>>
      %dma_start3A_168 = arith.constant 0 : i32
      %dma_start3A_169 = arith.constant 0 : i32
      %dma_start3A_170 = tpu.memref_slice %arg15[%dma_start3A_168, %dma_start3A_169] : memref<10000x40xf32, #tpu.memory_space<vmem_shared>> -> memref<10000x40xf32, #tpu.memory_space<vmem_shared>>
      tpu.enqueue_indirect_dma source(%arg9 : memref<80x40xf32, #tpu.memory_space<vmem>>) target(%dma_start3A_170 : memref<10000x40xf32, #tpu.memory_space<vmem_shared>>) offsets(%dma_start3A_167 : memref<80xi32, #tpu.memory_space<vmem>>) semaphore(%arg26 : memref<!tpu.dma_semaphore, #tpu.memory_space<semaphore_mem>>) {add = true}
      %add3A_171 = arith.constant 3 : i32
      %add3A_172 = arith.addi %mul3A_122, %add3A_171 : i32
      %dma_wait3A_173 = arith.constant 0 : i32
      %dma_wait3A_174 = tpu.memref_slice %arg5[%add3A_172, %dma_wait3A_173] : memref<125x80xi32, #tpu.memory_space<vmem>> -> memref<1x80xi32, #tpu.memory_space<vmem>>
      %dma_wait3A_175 = tpu.memref_squeeze %dma_wait3A_174 : memref<1x80xi32, #tpu.memory_space<vmem>> -> memref<80xi32, #tpu.memory_space<vmem>>
      %dma_wait3A_176 = arith.constant 0 : i32
      %dma_wait3A_177 = arith.constant 0 : i32
      %dma_wait3A_178 = tpu.memref_slice %arg2[%dma_wait3A_176, %dma_wait3A_177] : memref<10000x40xf32, #tpu.memory_space<hbm>> -> memref<10000x40xf32, #tpu.memory_space<hbm>>
      tpu.wait_indirect_dma semaphore(%arg19 : memref<!tpu.dma_semaphore, #tpu.memory_space<semaphore_mem>>) src(%dma_wait3A_178 : memref<10000x40xf32, #tpu.memory_space<hbm>>) dst(%arg10 : memref<80x40xf32, #tpu.memory_space<vmem>>)
      %add3A_179 = arith.constant 3 : i32
      %add3A_180 = arith.addi %mul3A_122, %add3A_179 : i32
      %dma_start3A_181 = arith.constant 0 : i32
      %dma_start3A_182 = tpu.memref_slice %arg6[%add3A_180, %dma_start3A_181] : memref<125x80xi32, #tpu.memory_space<vmem>> -> memref<1x80xi32, #tpu.memory_space<vmem>>
      %dma_start3A_183 = tpu.memref_squeeze %dma_start3A_182 : memref<1x80xi32, #tpu.memory_space<vmem>> -> memref<80xi32, #tpu.memory_space<vmem>>
      %dma_start3A_184 = arith.constant 0 : i32
      %dma_start3A_185 = arith.constant 0 : i32
      %dma_start3A_186 = tpu.memref_slice %arg15[%dma_start3A_184, %dma_start3A_185] : memref<10000x40xf32, #tpu.memory_space<vmem_shared>> -> memref<10000x40xf32, #tpu.memory_space<vmem_shared>>
      tpu.enqueue_indirect_dma source(%arg10 : memref<80x40xf32, #tpu.memory_space<vmem>>) target(%dma_start3A_186 : memref<10000x40xf32, #tpu.memory_space<vmem_shared>>) offsets(%dma_start3A_183 : memref<80xi32, #tpu.memory_space<vmem>>) semaphore(%arg27 : memref<!tpu.dma_semaphore, #tpu.memory_space<semaphore_mem>>) {add = true}
      %add3A_187 = arith.constant 4 : i32
      %add3A_188 = arith.addi %mul3A_122, %add3A_187 : i32
      %dma_wait3A_189 = arith.constant 0 : i32
      %dma_wait3A_190 = tpu.memref_slice %arg5[%add3A_188, %dma_wait3A_189] : memref<125x80xi32, #tpu.memory_space<vmem>> -> memref<1x80xi32, #tpu.memory_space<vmem>>
      %dma_wait3A_191 = tpu.memref_squeeze %dma_wait3A_190 : memref<1x80xi32, #tpu.memory_space<vmem>> -> memref<80xi32, #tpu.memory_space<vmem>>
      %dma_wait3A_192 = arith.constant 0 : i32
      %dma_wait3A_193 = arith.constant 0 : i32
      %dma_wait3A_194 = tpu.memref_slice %arg2[%dma_wait3A_192, %dma_wait3A_193] : memref<10000x40xf32, #tpu.memory_space<hbm>> -> memref<10000x40xf32, #tpu.memory_space<hbm>>
      tpu.wait_indirect_dma semaphore(%arg20 : memref<!tpu.dma_semaphore, #tpu.memory_space<semaphore_mem>>) src(%dma_wait3A_194 : memref<10000x40xf32, #tpu.memory_space<hbm>>) dst(%arg11 : memref<80x40xf32, #tpu.memory_space<vmem>>)
      %add3A_195 = arith.constant 4 : i32
      %add3A_196 = arith.addi %mul3A_122, %add3A_195 : i32
      %dma_start3A_197 = arith.constant 0 : i32
      %dma_start3A_198 = tpu.memref_slice %arg6[%add3A_196, %dma_start3A_197] : memref<125x80xi32, #tpu.memory_space<vmem>> -> memref<1x80xi32, #tpu.memory_space<vmem>>
      %dma_start3A_199 = tpu.memref_squeeze %dma_start3A_198 : memref<1x80xi32, #tpu.memory_space<vmem>> -> memref<80xi32, #tpu.memory_space<vmem>>
      %dma_start3A_200 = arith.constant 0 : i32
      %dma_start3A_201 = arith.constant 0 : i32
      %dma_start3A_202 = tpu.memref_slice %arg15[%dma_start3A_200, %dma_start3A_201] : memref<10000x40xf32, #tpu.memory_space<vmem_shared>> -> memref<10000x40xf32, #tpu.memory_space<vmem_shared>>
      tpu.enqueue_indirect_dma source(%arg11 : memref<80x40xf32, #tpu.memory_space<vmem>>) target(%dma_start3A_202 : memref<10000x40xf32, #tpu.memory_space<vmem_shared>>) offsets(%dma_start3A_199 : memref<80xi32, #tpu.memory_space<vmem>>) semaphore(%arg28 : memref<!tpu.dma_semaphore, #tpu.memory_space<semaphore_mem>>) {add = true}
      %add3A_203 = arith.constant 5 : i32
      %add3A_204 = arith.addi %mul3A_122, %add3A_203 : i32
      %dma_wait3A_205 = arith.constant 0 : i32
      %dma_wait3A_206 = tpu.memref_slice %arg5[%add3A_204, %dma_wait3A_205] : memref<125x80xi32, #tpu.memory_space<vmem>> -> memref<1x80xi32, #tpu.memory_space<vmem>>
      %dma_wait3A_207 = tpu.memref_squeeze %dma_wait3A_206 : memref<1x80xi32, #tpu.memory_space<vmem>> -> memref<80xi32, #tpu.memory_space<vmem>>
      %dma_wait3A_208 = arith.constant 0 : i32
      %dma_wait3A_209 = arith.constant 0 : i32
      %dma_wait3A_210 = tpu.memref_slice %arg2[%dma_wait3A_208, %dma_wait3A_209] : memref<10000x40xf32, #tpu.memory_space<hbm>> -> memref<10000x40xf32, #tpu.memory_space<hbm>>
      tpu.wait_indirect_dma semaphore(%arg21 : memref<!tpu.dma_semaphore, #tpu.memory_space<semaphore_mem>>) src(%dma_wait3A_210 : memref<10000x40xf32, #tpu.memory_space<hbm>>) dst(%arg12 : memref<80x40xf32, #tpu.memory_space<vmem>>)
      %add3A_211 = arith.constant 5 : i32
      %add3A_212 = arith.addi %mul3A_122, %add3A_211 : i32
      %dma_start3A_213 = arith.constant 0 : i32
      %dma_start3A_214 = tpu.memref_slice %arg6[%add3A_212, %dma_start3A_213] : memref<125x80xi32, #tpu.memory_space<vmem>> -> memref<1x80xi32, #tpu.memory_space<vmem>>
      %dma_start3A_215 = tpu.memref_squeeze %dma_start3A_214 : memref<1x80xi32, #tpu.memory_space<vmem>> -> memref<80xi32, #tpu.memory_space<vmem>>
      %dma_start3A_216 = arith.constant 0 : i32
      %dma_start3A_217 = arith.constant 0 : i32
      %dma_start3A_218 = tpu.memref_slice %arg15[%dma_start3A_216, %dma_start3A_217] : memref<10000x40xf32, #tpu.memory_space<vmem_shared>> -> memref<10000x40xf32, #tpu.memory_space<vmem_shared>>
      tpu.enqueue_indirect_dma source(%arg12 : memref<80x40xf32, #tpu.memory_space<vmem>>) target(%dma_start3A_218 : memref<10000x40xf32, #tpu.memory_space<vmem_shared>>) offsets(%dma_start3A_215 : memref<80xi32, #tpu.memory_space<vmem>>) semaphore(%arg29 : memref<!tpu.dma_semaphore, #tpu.memory_space<semaphore_mem>>) {add = true}
      %add3A_219 = arith.constant 6 : i32
      %add3A_220 = arith.addi %mul3A_122, %add3A_219 : i32
      %dma_wait3A_221 = arith.constant 0 : i32
      %dma_wait3A_222 = tpu.memref_slice %arg5[%add3A_220, %dma_wait3A_221] : memref<125x80xi32, #tpu.memory_space<vmem>> -> memref<1x80xi32, #tpu.memory_space<vmem>>
      %dma_wait3A_223 = tpu.memref_squeeze %dma_wait3A_222 : memref<1x80xi32, #tpu.memory_space<vmem>> -> memref<80xi32, #tpu.memory_space<vmem>>
      %dma_wait3A_224 = arith.constant 0 : i32
      %dma_wait3A_225 = arith.constant 0 : i32
      %dma_wait3A_226 = tpu.memref_slice %arg2[%dma_wait3A_224, %dma_wait3A_225] : memref<10000x40xf32, #tpu.memory_space<hbm>> -> memref<10000x40xf32, #tpu.memory_space<hbm>>
      tpu.wait_indirect_dma semaphore(%arg22 : memref<!tpu.dma_semaphore, #tpu.memory_space<semaphore_mem>>) src(%dma_wait3A_226 : memref<10000x40xf32, #tpu.memory_space<hbm>>) dst(%arg13 : memref<80x40xf32, #tpu.memory_space<vmem>>)
      %add3A_227 = arith.constant 6 : i32
      %add3A_228 = arith.addi %mul3A_122, %add3A_227 : i32
      %dma_start3A_229 = arith.constant 0 : i32
      %dma_start3A_230 = tpu.memref_slice %arg6[%add3A_228, %dma_start3A_229] : memref<125x80xi32, #tpu.memory_space<vmem>> -> memref<1x80xi32, #tpu.memory_space<vmem>>
      %dma_start3A_231 = tpu.memref_squeeze %dma_start3A_230 : memref<1x80xi32, #tpu.memory_space<vmem>> -> memref<80xi32, #tpu.memory_space<vmem>>
      %dma_start3A_232 = arith.constant 0 : i32
      %dma_start3A_233 = arith.constant 0 : i32
      %dma_start3A_234 = tpu.memref_slice %arg15[%dma_start3A_232, %dma_start3A_233] : memref<10000x40xf32, #tpu.memory_space<vmem_shared>> -> memref<10000x40xf32, #tpu.memory_space<vmem_shared>>
      tpu.enqueue_indirect_dma source(%arg13 : memref<80x40xf32, #tpu.memory_space<vmem>>) target(%dma_start3A_234 : memref<10000x40xf32, #tpu.memory_space<vmem_shared>>) offsets(%dma_start3A_231 : memref<80xi32, #tpu.memory_space<vmem>>) semaphore(%arg30 : memref<!tpu.dma_semaphore, #tpu.memory_space<semaphore_mem>>) {add = true}
      %add3A_235 = arith.constant 7 : i32
      %add3A_236 = arith.addi %mul3A_122, %add3A_235 : i32
      %dma_wait3A_237 = arith.constant 0 : i32
      %dma_wait3A_238 = tpu.memref_slice %arg5[%add3A_236, %dma_wait3A_237] : memref<125x80xi32, #tpu.memory_space<vmem>> -> memref<1x80xi32, #tpu.memory_space<vmem>>
      %dma_wait3A_239 = tpu.memref_squeeze %dma_wait3A_238 : memref<1x80xi32, #tpu.memory_space<vmem>> -> memref<80xi32, #tpu.memory_space<vmem>>
      %dma_wait3A_240 = arith.constant 0 : i32
      %dma_wait3A_241 = arith.constant 0 : i32
      %dma_wait3A_242 = tpu.memref_slice %arg2[%dma_wait3A_240, %dma_wait3A_241] : memref<10000x40xf32, #tpu.memory_space<hbm>> -> memref<10000x40xf32, #tpu.memory_space<hbm>>
      tpu.wait_indirect_dma semaphore(%arg23 : memref<!tpu.dma_semaphore, #tpu.memory_space<semaphore_mem>>) src(%dma_wait3A_242 : memref<10000x40xf32, #tpu.memory_space<hbm>>) dst(%arg14 : memref<80x40xf32, #tpu.memory_space<vmem>>)
      %add3A_243 = arith.constant 7 : i32
      %add3A_244 = arith.addi %mul3A_122, %add3A_243 : i32
      %dma_start3A_245 = arith.constant 0 : i32
      %dma_start3A_246 = tpu.memref_slice %arg6[%add3A_244, %dma_start3A_245] : memref<125x80xi32, #tpu.memory_space<vmem>> -> memref<1x80xi32, #tpu.memory_space<vmem>>
      %dma_start3A_247 = tpu.memref_squeeze %dma_start3A_246 : memref<1x80xi32, #tpu.memory_space<vmem>> -> memref<80xi32, #tpu.memory_space<vmem>>
      %dma_start3A_248 = arith.constant 0 : i32
      %dma_start3A_249 = arith.constant 0 : i32
      %dma_start3A_250 = tpu.memref_slice %arg15[%dma_start3A_248, %dma_start3A_249] : memref<10000x40xf32, #tpu.memory_space<vmem_shared>> -> memref<10000x40xf32, #tpu.memory_space<vmem_shared>>
      tpu.enqueue_indirect_dma source(%arg14 : memref<80x40xf32, #tpu.memory_space<vmem>>) target(%dma_start3A_250 : memref<10000x40xf32, #tpu.memory_space<vmem_shared>>) offsets(%dma_start3A_247 : memref<80xi32, #tpu.memory_space<vmem>>) semaphore(%arg31 : memref<!tpu.dma_semaphore, #tpu.memory_space<semaphore_mem>>) {add = true}
      %add3A_251 = arith.constant 0 : i32
      %add3A_252 = arith.addi %mul3A_122, %add3A_251 : i32
      %dma_wait3A_253 = arith.constant 0 : i32
      %dma_wait3A_254 = tpu.memref_slice %arg6[%add3A_252, %dma_wait3A_253] : memref<125x80xi32, #tpu.memory_space<vmem>> -> memref<1x80xi32, #tpu.memory_space<vmem>>
      %dma_wait3A_255 = tpu.memref_squeeze %dma_wait3A_254 : memref<1x80xi32, #tpu.memory_space<vmem>> -> memref<80xi32, #tpu.memory_space<vmem>>
      %dma_wait3A_256 = arith.constant 0 : i32
      %dma_wait3A_257 = arith.constant 0 : i32
      %dma_wait3A_258 = tpu.memref_slice %arg15[%dma_wait3A_256, %dma_wait3A_257] : memref<10000x40xf32, #tpu.memory_space<vmem_shared>> -> memref<10000x40xf32, #tpu.memory_space<vmem_shared>>
      tpu.wait_indirect_dma semaphore(%arg24 : memref<!tpu.dma_semaphore, #tpu.memory_space<semaphore_mem>>) src(%arg7 : memref<80x40xf32, #tpu.memory_space<vmem>>) dst(%dma_wait3A_258 : memref<10000x40xf32, #tpu.memory_space<vmem_shared>>)
      %add3A_259 = arith.constant 8 : i32
      %add3A_260 = arith.addi %mul3A_122, %add3A_259 : i32
      %add3A_261 = arith.constant 0 : i32
      %add3A_262 = arith.addi %add3A_260, %add3A_261 : i32
      %dma_start3A_263 = arith.constant 0 : i32
      %dma_start3A_264 = tpu.memref_slice %arg5[%add3A_262, %dma_start3A_263] : memref<125x80xi32, #tpu.memory_space<vmem>> -> memref<1x80xi32, #tpu.memory_space<vmem>>
      %dma_start3A_265 = tpu.memref_squeeze %dma_start3A_264 : memref<1x80xi32, #tpu.memory_space<vmem>> -> memref<80xi32, #tpu.memory_space<vmem>>
      %dma_start3A_266 = arith.constant 0 : i32
      %dma_start3A_267 = arith.constant 0 : i32
      %dma_start3A_268 = tpu.memref_slice %arg2[%dma_start3A_266, %dma_start3A_267] : memref<10000x40xf32, #tpu.memory_space<hbm>> -> memref<10000x40xf32, #tpu.memory_space<hbm>>
      tpu.enqueue_indirect_dma source(%dma_start3A_268 : memref<10000x40xf32, #tpu.memory_space<hbm>>) target(%arg7 : memref<80x40xf32, #tpu.memory_space<vmem>>) offsets(%dma_start3A_265 : memref<80xi32, #tpu.memory_space<vmem>>) semaphore(%arg16 : memref<!tpu.dma_semaphore, #tpu.memory_space<semaphore_mem>>)
      %add3A_269 = arith.constant 1 : i32
      %add3A_270 = arith.addi %mul3A_122, %add3A_269 : i32
      %dma_wait3A_271 = arith.constant 0 : i32
      %dma_wait3A_272 = tpu.memref_slice %arg6[%add3A_270, %dma_wait3A_271] : memref<125x80xi32, #tpu.memory_space<vmem>> -> memref<1x80xi32, #tpu.memory_space<vmem>>
      %dma_wait3A_273 = tpu.memref_squeeze %dma_wait3A_272 : memref<1x80xi32, #tpu.memory_space<vmem>> -> memref<80xi32, #tpu.memory_space<vmem>>
      %dma_wait3A_274 = arith.constant 0 : i32
      %dma_wait3A_275 = arith.constant 0 : i32
      %dma_wait3A_276 = tpu.memref_slice %arg15[%dma_wait3A_274, %dma_wait3A_275] : memref<10000x40xf32, #tpu.memory_space<vmem_shared>> -> memref<10000x40xf32, #tpu.memory_space<vmem_shared>>
      tpu.wait_indirect_dma semaphore(%arg25 : memref<!tpu.dma_semaphore, #tpu.memory_space<semaphore_mem>>) src(%arg8 : memref<80x40xf32, #tpu.memory_space<vmem>>) dst(%dma_wait3A_276 : memref<10000x40xf32, #tpu.memory_space<vmem_shared>>)
      %add3A_277 = arith.constant 8 : i32
      %add3A_278 = arith.addi %mul3A_122, %add3A_277 : i32
      %add3A_279 = arith.constant 1 : i32
      %add3A_280 = arith.addi %add3A_278, %add3A_279 : i32
      %dma_start3A_281 = arith.constant 0 : i32
      %dma_start3A_282 = tpu.memref_slice %arg5[%add3A_280, %dma_start3A_281] : memref<125x80xi32, #tpu.memory_space<vmem>> -> memref<1x80xi32, #tpu.memory_space<vmem>>
      %dma_start3A_283 = tpu.memref_squeeze %dma_start3A_282 : memref<1x80xi32, #tpu.memory_space<vmem>> -> memref<80xi32, #tpu.memory_space<vmem>>
      %dma_start3A_284 = arith.constant 0 : i32
      %dma_start3A_285 = arith.constant 0 : i32
      %dma_start3A_286 = tpu.memref_slice %arg2[%dma_start3A_284, %dma_start3A_285] : memref<10000x40xf32, #tpu.memory_space<hbm>> -> memref<10000x40xf32, #tpu.memory_space<hbm>>
      tpu.enqueue_indirect_dma source(%dma_start3A_286 : memref<10000x40xf32, #tpu.memory_space<hbm>>) target(%arg8 : memref<80x40xf32, #tpu.memory_space<vmem>>) offsets(%dma_start3A_283 : memref<80xi32, #tpu.memory_space<vmem>>) semaphore(%arg17 : memref<!tpu.dma_semaphore, #tpu.memory_space<semaphore_mem>>)
      %add3A_287 = arith.constant 2 : i32
      %add3A_288 = arith.addi %mul3A_122, %add3A_287 : i32
      %dma_wait3A_289 = arith.constant 0 : i32
      %dma_wait3A_290 = tpu.memref_slice %arg6[%add3A_288, %dma_wait3A_289] : memref<125x80xi32, #tpu.memory_space<vmem>> -> memref<1x80xi32, #tpu.memory_space<vmem>>
      %dma_wait3A_291 = tpu.memref_squeeze %dma_wait3A_290 : memref<1x80xi32, #tpu.memory_space<vmem>> -> memref<80xi32, #tpu.memory_space<vmem>>
      %dma_wait3A_292 = arith.constant 0 : i32
      %dma_wait3A_293 = arith.constant 0 : i32
      %dma_wait3A_294 = tpu.memref_slice %arg15[%dma_wait3A_292, %dma_wait3A_293] : memref<10000x40xf32, #tpu.memory_space<vmem_shared>> -> memref<10000x40xf32, #tpu.memory_space<vmem_shared>>
      tpu.wait_indirect_dma semaphore(%arg26 : memref<!tpu.dma_semaphore, #tpu.memory_space<semaphore_mem>>) src(%arg9 : memref<80x40xf32, #tpu.memory_space<vmem>>) dst(%dma_wait3A_294 : memref<10000x40xf32, #tpu.memory_space<vmem_shared>>)
      %add3A_295 = arith.constant 8 : i32
      %add3A_296 = arith.addi %mul3A_122, %add3A_295 : i32
      %add3A_297 = arith.constant 2 : i32
      %add3A_298 = arith.addi %add3A_296, %add3A_297 : i32
      %dma_start3A_299 = arith.constant 0 : i32
      %dma_start3A_300 = tpu.memref_slice %arg5[%add3A_298, %dma_start3A_299] : memref<125x80xi32, #tpu.memory_space<vmem>> -> memref<1x80xi32, #tpu.memory_space<vmem>>
      %dma_start3A_301 = tpu.memref_squeeze %dma_start3A_300 : memref<1x80xi32, #tpu.memory_space<vmem>> -> memref<80xi32, #tpu.memory_space<vmem>>
      %dma_start3A_302 = arith.constant 0 : i32
      %dma_start3A_303 = arith.constant 0 : i32
      %dma_start3A_304 = tpu.memref_slice %arg2[%dma_start3A_302, %dma_start3A_303] : memref<10000x40xf32, #tpu.memory_space<hbm>> -> memref<10000x40xf32, #tpu.memory_space<hbm>>
      tpu.enqueue_indirect_dma source(%dma_start3A_304 : memref<10000x40xf32, #tpu.memory_space<hbm>>) target(%arg9 : memref<80x40xf32, #tpu.memory_space<vmem>>) offsets(%dma_start3A_301 : memref<80xi32, #tpu.memory_space<vmem>>) semaphore(%arg18 : memref<!tpu.dma_semaphore, #tpu.memory_space<semaphore_mem>>)
      %add3A_305 = arith.constant 3 : i32
      %add3A_306 = arith.addi %mul3A_122, %add3A_305 : i32
      %dma_wait3A_307 = arith.constant 0 : i32
      %dma_wait3A_308 = tpu.memref_slice %arg6[%add3A_306, %dma_wait3A_307] : memref<125x80xi32, #tpu.memory_space<vmem>> -> memref<1x80xi32, #tpu.memory_space<vmem>>
      %dma_wait3A_309 = tpu.memref_squeeze %dma_wait3A_308 : memref<1x80xi32, #tpu.memory_space<vmem>> -> memref<80xi32, #tpu.memory_space<vmem>>
      %dma_wait3A_310 = arith.constant 0 : i32
      %dma_wait3A_311 = arith.constant 0 : i32
      %dma_wait3A_312 = tpu.memref_slice %arg15[%dma_wait3A_310, %dma_wait3A_311] : memref<10000x40xf32, #tpu.memory_space<vmem_shared>> -> memref<10000x40xf32, #tpu.memory_space<vmem_shared>>
      tpu.wait_indirect_dma semaphore(%arg27 : memref<!tpu.dma_semaphore, #tpu.memory_space<semaphore_mem>>) src(%arg10 : memref<80x40xf32, #tpu.memory_space<vmem>>) dst(%dma_wait3A_312 : memref<10000x40xf32, #tpu.memory_space<vmem_shared>>)
      %add3A_313 = arith.constant 8 : i32
      %add3A_314 = arith.addi %mul3A_122, %add3A_313 : i32
      %add3A_315 = arith.constant 3 : i32
      %add3A_316 = arith.addi %add3A_314, %add3A_315 : i32
      %dma_start3A_317 = arith.constant 0 : i32
      %dma_start3A_318 = tpu.memref_slice %arg5[%add3A_316, %dma_start3A_317] : memref<125x80xi32, #tpu.memory_space<vmem>> -> memref<1x80xi32, #tpu.memory_space<vmem>>
      %dma_start3A_319 = tpu.memref_squeeze %dma_start3A_318 : memref<1x80xi32, #tpu.memory_space<vmem>> -> memref<80xi32, #tpu.memory_space<vmem>>
      %dma_start3A_320 = arith.constant 0 : i32
      %dma_start3A_321 = arith.constant 0 : i32
      %dma_start3A_322 = tpu.memref_slice %arg2[%dma_start3A_320, %dma_start3A_321] : memref<10000x40xf32, #tpu.memory_space<hbm>> -> memref<10000x40xf32, #tpu.memory_space<hbm>>
      tpu.enqueue_indirect_dma source(%dma_start3A_322 : memref<10000x40xf32, #tpu.memory_space<hbm>>) target(%arg10 : memref<80x40xf32, #tpu.memory_space<vmem>>) offsets(%dma_start3A_319 : memref<80xi32, #tpu.memory_space<vmem>>) semaphore(%arg19 : memref<!tpu.dma_semaphore, #tpu.memory_space<semaphore_mem>>)
      %add3A_323 = arith.constant 4 : i32
      %add3A_324 = arith.addi %mul3A_122, %add3A_323 : i32
      %dma_wait3A_325 = arith.constant 0 : i32
      %dma_wait3A_326 = tpu.memref_slice %arg6[%add3A_324, %dma_wait3A_325] : memref<125x80xi32, #tpu.memory_space<vmem>> -> memref<1x80xi32, #tpu.memory_space<vmem>>
      %dma_wait3A_327 = tpu.memref_squeeze %dma_wait3A_326 : memref<1x80xi32, #tpu.memory_space<vmem>> -> memref<80xi32, #tpu.memory_space<vmem>>
      %dma_wait3A_328 = arith.constant 0 : i32
      %dma_wait3A_329 = arith.constant 0 : i32
      %dma_wait3A_330 = tpu.memref_slice %arg15[%dma_wait3A_328, %dma_wait3A_329] : memref<10000x40xf32, #tpu.memory_space<vmem_shared>> -> memref<10000x40xf32, #tpu.memory_space<vmem_shared>>
      tpu.wait_indirect_dma semaphore(%arg28 : memref<!tpu.dma_semaphore, #tpu.memory_space<semaphore_mem>>) src(%arg11 : memref<80x40xf32, #tpu.memory_space<vmem>>) dst(%dma_wait3A_330 : memref<10000x40xf32, #tpu.memory_space<vmem_shared>>)
      %add3A_331 = arith.constant 8 : i32
      %add3A_332 = arith.addi %mul3A_122, %add3A_331 : i32
      %add3A_333 = arith.constant 4 : i32
      %add3A_334 = arith.addi %add3A_332, %add3A_333 : i32
      %dma_start3A_335 = arith.constant 0 : i32
      %dma_start3A_336 = tpu.memref_slice %arg5[%add3A_334, %dma_start3A_335] : memref<125x80xi32, #tpu.memory_space<vmem>> -> memref<1x80xi32, #tpu.memory_space<vmem>>
      %dma_start3A_337 = tpu.memref_squeeze %dma_start3A_336 : memref<1x80xi32, #tpu.memory_space<vmem>> -> memref<80xi32, #tpu.memory_space<vmem>>
      %dma_start3A_338 = arith.constant 0 : i32
      %dma_start3A_339 = arith.constant 0 : i32
      %dma_start3A_340 = tpu.memref_slice %arg2[%dma_start3A_338, %dma_start3A_339] : memref<10000x40xf32, #tpu.memory_space<hbm>> -> memref<10000x40xf32, #tpu.memory_space<hbm>>
      tpu.enqueue_indirect_dma source(%dma_start3A_340 : memref<10000x40xf32, #tpu.memory_space<hbm>>) target(%arg11 : memref<80x40xf32, #tpu.memory_space<vmem>>) offsets(%dma_start3A_337 : memref<80xi32, #tpu.memory_space<vmem>>) semaphore(%arg20 : memref<!tpu.dma_semaphore, #tpu.memory_space<semaphore_mem>>)
      %add3A_341 = arith.constant 5 : i32
      %add3A_342 = arith.addi %mul3A_122, %add3A_341 : i32
      %dma_wait3A_343 = arith.constant 0 : i32
      %dma_wait3A_344 = tpu.memref_slice %arg6[%add3A_342, %dma_wait3A_343] : memref<125x80xi32, #tpu.memory_space<vmem>> -> memref<1x80xi32, #tpu.memory_space<vmem>>
      %dma_wait3A_345 = tpu.memref_squeeze %dma_wait3A_344 : memref<1x80xi32, #tpu.memory_space<vmem>> -> memref<80xi32, #tpu.memory_space<vmem>>
      %dma_wait3A_346 = arith.constant 0 : i32
      %dma_wait3A_347 = arith.constant 0 : i32
      %dma_wait3A_348 = tpu.memref_slice %arg15[%dma_wait3A_346, %dma_wait3A_347] : memref<10000x40xf32, #tpu.memory_space<vmem_shared>> -> memref<10000x40xf32, #tpu.memory_space<vmem_shared>>
      tpu.wait_indirect_dma semaphore(%arg29 : memref<!tpu.dma_semaphore, #tpu.memory_space<semaphore_mem>>) src(%arg12 : memref<80x40xf32, #tpu.memory_space<vmem>>) dst(%dma_wait3A_348 : memref<10000x40xf32, #tpu.memory_space<vmem_shared>>)
      %lt3A_349 = arith.constant 14 : i32
      %lt3A_350 = arith.cmpi slt, %scan3A_120, %lt3A_349 : i32
      %convert_element_type3A_351 = arith.extui %lt3A_350 : i1 to i32
      %cond3A_352 = arith.constant 0 : i32
      %cond3A_353 = arith.cmpi ne, %convert_element_type3A_351, %cond3A_352 : i32
      scf.if %cond3A_353 {
        %add3A_380 = arith.constant 8 : i32
        %add3A_381 = arith.addi %mul3A_122, %add3A_380 : i32
        %add3A_382 = arith.constant 5 : i32
        %add3A_383 = arith.addi %add3A_381, %add3A_382 : i32
        %dma_start3A_384 = arith.constant 0 : i32
        %dma_start3A_385 = tpu.memref_slice %arg5[%add3A_383, %dma_start3A_384] : memref<125x80xi32, #tpu.memory_space<vmem>> -> memref<1x80xi32, #tpu.memory_space<vmem>>
        %dma_start3A_386 = tpu.memref_squeeze %dma_start3A_385 : memref<1x80xi32, #tpu.memory_space<vmem>> -> memref<80xi32, #tpu.memory_space<vmem>>
        %dma_start3A_387 = arith.constant 0 : i32
        %dma_start3A_388 = arith.constant 0 : i32
        %dma_start3A_389 = tpu.memref_slice %arg2[%dma_start3A_387, %dma_start3A_388] : memref<10000x40xf32, #tpu.memory_space<hbm>> -> memref<10000x40xf32, #tpu.memory_space<hbm>>
        tpu.enqueue_indirect_dma source(%dma_start3A_389 : memref<10000x40xf32, #tpu.memory_space<hbm>>) target(%arg12 : memref<80x40xf32, #tpu.memory_space<vmem>>) offsets(%dma_start3A_386 : memref<80xi32, #tpu.memory_space<vmem>>) semaphore(%arg21 : memref<!tpu.dma_semaphore, #tpu.memory_space<semaphore_mem>>)
      } else {
      }
      %add3A_354 = arith.constant 6 : i32
      %add3A_355 = arith.addi %mul3A_122, %add3A_354 : i32
      %dma_wait3A_356 = arith.constant 0 : i32
      %dma_wait3A_357 = tpu.memref_slice %arg6[%add3A_355, %dma_wait3A_356] : memref<125x80xi32, #tpu.memory_space<vmem>> -> memref<1x80xi32, #tpu.memory_space<vmem>>
      %dma_wait3A_358 = tpu.memref_squeeze %dma_wait3A_357 : memref<1x80xi32, #tpu.memory_space<vmem>> -> memref<80xi32, #tpu.memory_space<vmem>>
      %dma_wait3A_359 = arith.constant 0 : i32
      %dma_wait3A_360 = arith.constant 0 : i32
      %dma_wait3A_361 = tpu.memref_slice %arg15[%dma_wait3A_359, %dma_wait3A_360] : memref<10000x40xf32, #tpu.memory_space<vmem_shared>> -> memref<10000x40xf32, #tpu.memory_space<vmem_shared>>
      tpu.wait_indirect_dma semaphore(%arg30 : memref<!tpu.dma_semaphore, #tpu.memory_space<semaphore_mem>>) src(%arg13 : memref<80x40xf32, #tpu.memory_space<vmem>>) dst(%dma_wait3A_361 : memref<10000x40xf32, #tpu.memory_space<vmem_shared>>)
      %lt3A_362 = arith.constant 14 : i32
      %lt3A_363 = arith.cmpi slt, %scan3A_120, %lt3A_362 : i32
      %convert_element_type3A_364 = arith.extui %lt3A_363 : i1 to i32
      %cond3A_365 = arith.constant 0 : i32
      %cond3A_366 = arith.cmpi ne, %convert_element_type3A_364, %cond3A_365 : i32
      scf.if %cond3A_366 {
        %add3A_380 = arith.constant 8 : i32
        %add3A_381 = arith.addi %mul3A_122, %add3A_380 : i32
        %add3A_382 = arith.constant 6 : i32
        %add3A_383 = arith.addi %add3A_381, %add3A_382 : i32
        %dma_start3A_384 = arith.constant 0 : i32
        %dma_start3A_385 = tpu.memref_slice %arg5[%add3A_383, %dma_start3A_384] : memref<125x80xi32, #tpu.memory_space<vmem>> -> memref<1x80xi32, #tpu.memory_space<vmem>>
        %dma_start3A_386 = tpu.memref_squeeze %dma_start3A_385 : memref<1x80xi32, #tpu.memory_space<vmem>> -> memref<80xi32, #tpu.memory_space<vmem>>
        %dma_start3A_387 = arith.constant 0 : i32
        %dma_start3A_388 = arith.constant 0 : i32
        %dma_start3A_389 = tpu.memref_slice %arg2[%dma_start3A_387, %dma_start3A_388] : memref<10000x40xf32, #tpu.memory_space<hbm>> -> memref<10000x40xf32, #tpu.memory_space<hbm>>
        tpu.enqueue_indirect_dma source(%dma_start3A_389 : memref<10000x40xf32, #tpu.memory_space<hbm>>) target(%arg13 : memref<80x40xf32, #tpu.memory_space<vmem>>) offsets(%dma_start3A_386 : memref<80xi32, #tpu.memory_space<vmem>>) semaphore(%arg22 : memref<!tpu.dma_semaphore, #tpu.memory_space<semaphore_mem>>)
      } else {
      }
      %add3A_367 = arith.constant 7 : i32
      %add3A_368 = arith.addi %mul3A_122, %add3A_367 : i32
      %dma_wait3A_369 = arith.constant 0 : i32
      %dma_wait3A_370 = tpu.memref_slice %arg6[%add3A_368, %dma_wait3A_369] : memref<125x80xi32, #tpu.memory_space<vmem>> -> memref<1x80xi32, #tpu.memory_space<vmem>>
      %dma_wait3A_371 = tpu.memref_squeeze %dma_wait3A_370 : memref<1x80xi32, #tpu.memory_space<vmem>> -> memref<80xi32, #tpu.memory_space<vmem>>
      %dma_wait3A_372 = arith.constant 0 : i32
      %dma_wait3A_373 = arith.constant 0 : i32
      %dma_wait3A_374 = tpu.memref_slice %arg15[%dma_wait3A_372, %dma_wait3A_373] : memref<10000x40xf32, #tpu.memory_space<vmem_shared>> -> memref<10000x40xf32, #tpu.memory_space<vmem_shared>>
      tpu.wait_indirect_dma semaphore(%arg31 : memref<!tpu.dma_semaphore, #tpu.memory_space<semaphore_mem>>) src(%arg14 : memref<80x40xf32, #tpu.memory_space<vmem>>) dst(%dma_wait3A_374 : memref<10000x40xf32, #tpu.memory_space<vmem_shared>>)
      %lt3A_375 = arith.constant 14 : i32
      %lt3A_376 = arith.cmpi slt, %scan3A_120, %lt3A_375 : i32
      %convert_element_type3A_377 = arith.extui %lt3A_376 : i1 to i32
      %cond3A_378 = arith.constant 0 : i32
      %cond3A_379 = arith.cmpi ne, %convert_element_type3A_377, %cond3A_378 : i32
      scf.if %cond3A_379 {
        %add3A_380 = arith.constant 8 : i32
        %add3A_381 = arith.addi %mul3A_122, %add3A_380 : i32
        %add3A_382 = arith.constant 7 : i32
        %add3A_383 = arith.addi %add3A_381, %add3A_382 : i32
        %dma_start3A_384 = arith.constant 0 : i32
        %dma_start3A_385 = tpu.memref_slice %arg5[%add3A_383, %dma_start3A_384] : memref<125x80xi32, #tpu.memory_space<vmem>> -> memref<1x80xi32, #tpu.memory_space<vmem>>
        %dma_start3A_386 = tpu.memref_squeeze %dma_start3A_385 : memref<1x80xi32, #tpu.memory_space<vmem>> -> memref<80xi32, #tpu.memory_space<vmem>>
        %dma_start3A_387 = arith.constant 0 : i32
        %dma_start3A_388 = arith.constant 0 : i32
        %dma_start3A_389 = tpu.memref_slice %arg2[%dma_start3A_387, %dma_start3A_388] : memref<10000x40xf32, #tpu.memory_space<hbm>> -> memref<10000x40xf32, #tpu.memory_space<hbm>>
        tpu.enqueue_indirect_dma source(%dma_start3A_389 : memref<10000x40xf32, #tpu.memory_space<hbm>>) target(%arg14 : memref<80x40xf32, #tpu.memory_space<vmem>>) offsets(%dma_start3A_386 : memref<80xi32, #tpu.memory_space<vmem>>) semaphore(%arg23 : memref<!tpu.dma_semaphore, #tpu.memory_space<semaphore_mem>>)
      } else {
      }
    }
    %scan3A_69 = arith.constant 15 : i32
    %dma_wait3A = arith.constant 120 : i32
    %dma_wait3A_70 = arith.constant 0 : i32
    %dma_wait3A_71 = tpu.memref_slice %arg5[%dma_wait3A, %dma_wait3A_70] : memref<125x80xi32, #tpu.memory_space<vmem>> -> memref<1x80xi32, #tpu.memory_space<vmem>>
    %dma_wait3A_72 = tpu.memref_squeeze %dma_wait3A_71 : memref<1x80xi32, #tpu.memory_space<vmem>> -> memref<80xi32, #tpu.memory_space<vmem>>
    %dma_wait3A_73 = arith.constant 0 : i32
    %dma_wait3A_74 = arith.constant 0 : i32
    %dma_wait3A_75 = tpu.memref_slice %arg2[%dma_wait3A_73, %dma_wait3A_74] : memref<10000x40xf32, #tpu.memory_space<hbm>> -> memref<10000x40xf32, #tpu.memory_space<hbm>>
    tpu.wait_indirect_dma semaphore(%arg16 : memref<!tpu.dma_semaphore, #tpu.memory_space<semaphore_mem>>) src(%dma_wait3A_75 : memref<10000x40xf32, #tpu.memory_space<hbm>>) dst(%arg7 : memref<80x40xf32, #tpu.memory_space<vmem>>)
    %run_scoped3A_76 = arith.constant 120 : i32
    "tpu.region"() ({
      %run_scoped3A_120 = tpu.sem_alloc : memref<!tpu.dma_semaphore, #tpu.memory_space<semaphore_mem>>
      %dma_start3A_121 = arith.constant 0 : i32
      %dma_start3A_122 = tpu.memref_slice %arg6[%run_scoped3A_76, %dma_start3A_121] : memref<125x80xi32, #tpu.memory_space<vmem>> -> memref<1x80xi32, #tpu.memory_space<vmem>>
      %dma_start3A_123 = tpu.memref_squeeze %dma_start3A_122 : memref<1x80xi32, #tpu.memory_space<vmem>> -> memref<80xi32, #tpu.memory_space<vmem>>
      %dma_start3A_124 = arith.constant 0 : i32
      %dma_start3A_125 = arith.constant 0 : i32
      %dma_start3A_126 = tpu.memref_slice %arg15[%dma_start3A_124, %dma_start3A_125] : memref<10000x40xf32, #tpu.memory_space<vmem_shared>> -> memref<10000x40xf32, #tpu.memory_space<vmem_shared>>
      tpu.enqueue_indirect_dma source(%arg7 : memref<80x40xf32, #tpu.memory_space<vmem>>) target(%dma_start3A_126 : memref<10000x40xf32, #tpu.memory_space<vmem_shared>>) offsets(%dma_start3A_123 : memref<80xi32, #tpu.memory_space<vmem>>) semaphore(%run_scoped3A_120 : memref<!tpu.dma_semaphore, #tpu.memory_space<semaphore_mem>>) {add = true}
      %dma_wait3A_127 = arith.constant 0 : i32
      %dma_wait3A_128 = tpu.memref_slice %arg6[%run_scoped3A_76, %dma_wait3A_127] : memref<125x80xi32, #tpu.memory_space<vmem>> -> memref<1x80xi32, #tpu.memory_space<vmem>>
      %dma_wait3A_129 = tpu.memref_squeeze %dma_wait3A_128 : memref<1x80xi32, #tpu.memory_space<vmem>> -> memref<80xi32, #tpu.memory_space<vmem>>
      %dma_wait3A_130 = arith.constant 0 : i32
      %dma_wait3A_131 = arith.constant 0 : i32
      %dma_wait3A_132 = tpu.memref_slice %arg15[%dma_wait3A_130, %dma_wait3A_131] : memref<10000x40xf32, #tpu.memory_space<vmem_shared>> -> memref<10000x40xf32, #tpu.memory_space<vmem_shared>>
      tpu.wait_indirect_dma semaphore(%run_scoped3A_120 : memref<!tpu.dma_semaphore, #tpu.memory_space<semaphore_mem>>) src(%arg7 : memref<80x40xf32, #tpu.memory_space<vmem>>) dst(%dma_wait3A_132 : memref<10000x40xf32, #tpu.memory_space<vmem_shared>>)
      tpu.yield
    }) : () -> ()
    %dma_wait3A_77 = arith.constant 121 : i32
    %dma_wait3A_78 = arith.constant 0 : i32
    %dma_wait3A_79 = tpu.memref_slice %arg5[%dma_wait3A_77, %dma_wait3A_78] : memref<125x80xi32, #tpu.memory_space<vmem>> -> memref<1x80xi32, #tpu.memory_space<vmem>>
    %dma_wait3A_80 = tpu.memref_squeeze %dma_wait3A_79 : memref<1x80xi32, #tpu.memory_space<vmem>> -> memref<80xi32, #tpu.memory_space<vmem>>
    %dma_wait3A_81 = arith.constant 0 : i32
    %dma_wait3A_82 = arith.constant 0 : i32
    %dma_wait3A_83 = tpu.memref_slice %arg2[%dma_wait3A_81, %dma_wait3A_82] : memref<10000x40xf32, #tpu.memory_space<hbm>> -> memref<10000x40xf32, #tpu.memory_space<hbm>>
    tpu.wait_indirect_dma semaphore(%arg17 : memref<!tpu.dma_semaphore, #tpu.memory_space<semaphore_mem>>) src(%dma_wait3A_83 : memref<10000x40xf32, #tpu.memory_space<hbm>>) dst(%arg8 : memref<80x40xf32, #tpu.memory_space<vmem>>)
    %run_scoped3A_84 = arith.constant 121 : i32
    "tpu.region"() ({
      %run_scoped3A_120 = tpu.sem_alloc : memref<!tpu.dma_semaphore, #tpu.memory_space<semaphore_mem>>
      %dma_start3A_121 = arith.constant 0 : i32
      %dma_start3A_122 = tpu.memref_slice %arg6[%run_scoped3A_84, %dma_start3A_121] : memref<125x80xi32, #tpu.memory_space<vmem>> -> memref<1x80xi32, #tpu.memory_space<vmem>>
      %dma_start3A_123 = tpu.memref_squeeze %dma_start3A_122 : memref<1x80xi32, #tpu.memory_space<vmem>> -> memref<80xi32, #tpu.memory_space<vmem>>
      %dma_start3A_124 = arith.constant 0 : i32
      %dma_start3A_125 = arith.constant 0 : i32
      %dma_start3A_126 = tpu.memref_slice %arg15[%dma_start3A_124, %dma_start3A_125] : memref<10000x40xf32, #tpu.memory_space<vmem_shared>> -> memref<10000x40xf32, #tpu.memory_space<vmem_shared>>
      tpu.enqueue_indirect_dma source(%arg8 : memref<80x40xf32, #tpu.memory_space<vmem>>) target(%dma_start3A_126 : memref<10000x40xf32, #tpu.memory_space<vmem_shared>>) offsets(%dma_start3A_123 : memref<80xi32, #tpu.memory_space<vmem>>) semaphore(%run_scoped3A_120 : memref<!tpu.dma_semaphore, #tpu.memory_space<semaphore_mem>>) {add = true}
      %dma_wait3A_127 = arith.constant 0 : i32
      %dma_wait3A_128 = tpu.memref_slice %arg6[%run_scoped3A_84, %dma_wait3A_127] : memref<125x80xi32, #tpu.memory_space<vmem>> -> memref<1x80xi32, #tpu.memory_space<vmem>>
      %dma_wait3A_129 = tpu.memref_squeeze %dma_wait3A_128 : memref<1x80xi32, #tpu.memory_space<vmem>> -> memref<80xi32, #tpu.memory_space<vmem>>
      %dma_wait3A_130 = arith.constant 0 : i32
      %dma_wait3A_131 = arith.constant 0 : i32
      %dma_wait3A_132 = tpu.memref_slice %arg15[%dma_wait3A_130, %dma_wait3A_131] : memref<10000x40xf32, #tpu.memory_space<vmem_shared>> -> memref<10000x40xf32, #tpu.memory_space<vmem_shared>>
      tpu.wait_indirect_dma semaphore(%run_scoped3A_120 : memref<!tpu.dma_semaphore, #tpu.memory_space<semaphore_mem>>) src(%arg8 : memref<80x40xf32, #tpu.memory_space<vmem>>) dst(%dma_wait3A_132 : memref<10000x40xf32, #tpu.memory_space<vmem_shared>>)
      tpu.yield
    }) : () -> ()
    %dma_wait3A_85 = arith.constant 122 : i32
    %dma_wait3A_86 = arith.constant 0 : i32
    %dma_wait3A_87 = tpu.memref_slice %arg5[%dma_wait3A_85, %dma_wait3A_86] : memref<125x80xi32, #tpu.memory_space<vmem>> -> memref<1x80xi32, #tpu.memory_space<vmem>>
    %dma_wait3A_88 = tpu.memref_squeeze %dma_wait3A_87 : memref<1x80xi32, #tpu.memory_space<vmem>> -> memref<80xi32, #tpu.memory_space<vmem>>
    %dma_wait3A_89 = arith.constant 0 : i32
    %dma_wait3A_90 = arith.constant 0 : i32
    %dma_wait3A_91 = tpu.memref_slice %arg2[%dma_wait3A_89, %dma_wait3A_90] : memref<10000x40xf32, #tpu.memory_space<hbm>> -> memref<10000x40xf32, #tpu.memory_space<hbm>>
    tpu.wait_indirect_dma semaphore(%arg18 : memref<!tpu.dma_semaphore, #tpu.memory_space<semaphore_mem>>) src(%dma_wait3A_91 : memref<10000x40xf32, #tpu.memory_space<hbm>>) dst(%arg9 : memref<80x40xf32, #tpu.memory_space<vmem>>)
    %run_scoped3A_92 = arith.constant 122 : i32
    "tpu.region"() ({
      %run_scoped3A_120 = tpu.sem_alloc : memref<!tpu.dma_semaphore, #tpu.memory_space<semaphore_mem>>
      %dma_start3A_121 = arith.constant 0 : i32
      %dma_start3A_122 = tpu.memref_slice %arg6[%run_scoped3A_92, %dma_start3A_121] : memref<125x80xi32, #tpu.memory_space<vmem>> -> memref<1x80xi32, #tpu.memory_space<vmem>>
      %dma_start3A_123 = tpu.memref_squeeze %dma_start3A_122 : memref<1x80xi32, #tpu.memory_space<vmem>> -> memref<80xi32, #tpu.memory_space<vmem>>
      %dma_start3A_124 = arith.constant 0 : i32
      %dma_start3A_125 = arith.constant 0 : i32
      %dma_start3A_126 = tpu.memref_slice %arg15[%dma_start3A_124, %dma_start3A_125] : memref<10000x40xf32, #tpu.memory_space<vmem_shared>> -> memref<10000x40xf32, #tpu.memory_space<vmem_shared>>
      tpu.enqueue_indirect_dma source(%arg9 : memref<80x40xf32, #tpu.memory_space<vmem>>) target(%dma_start3A_126 : memref<10000x40xf32, #tpu.memory_space<vmem_shared>>) offsets(%dma_start3A_123 : memref<80xi32, #tpu.memory_space<vmem>>) semaphore(%run_scoped3A_120 : memref<!tpu.dma_semaphore, #tpu.memory_space<semaphore_mem>>) {add = true}
      %dma_wait3A_127 = arith.constant 0 : i32
      %dma_wait3A_128 = tpu.memref_slice %arg6[%run_scoped3A_92, %dma_wait3A_127] : memref<125x80xi32, #tpu.memory_space<vmem>> -> memref<1x80xi32, #tpu.memory_space<vmem>>
      %dma_wait3A_129 = tpu.memref_squeeze %dma_wait3A_128 : memref<1x80xi32, #tpu.memory_space<vmem>> -> memref<80xi32, #tpu.memory_space<vmem>>
      %dma_wait3A_130 = arith.constant 0 : i32
      %dma_wait3A_131 = arith.constant 0 : i32
      %dma_wait3A_132 = tpu.memref_slice %arg15[%dma_wait3A_130, %dma_wait3A_131] : memref<10000x40xf32, #tpu.memory_space<vmem_shared>> -> memref<10000x40xf32, #tpu.memory_space<vmem_shared>>
      tpu.wait_indirect_dma semaphore(%run_scoped3A_120 : memref<!tpu.dma_semaphore, #tpu.memory_space<semaphore_mem>>) src(%arg9 : memref<80x40xf32, #tpu.memory_space<vmem>>) dst(%dma_wait3A_132 : memref<10000x40xf32, #tpu.memory_space<vmem_shared>>)
      tpu.yield
    }) : () -> ()
    %dma_wait3A_93 = arith.constant 123 : i32
    %dma_wait3A_94 = arith.constant 0 : i32
    %dma_wait3A_95 = tpu.memref_slice %arg5[%dma_wait3A_93, %dma_wait3A_94] : memref<125x80xi32, #tpu.memory_space<vmem>> -> memref<1x80xi32, #tpu.memory_space<vmem>>
    %dma_wait3A_96 = tpu.memref_squeeze %dma_wait3A_95 : memref<1x80xi32, #tpu.memory_space<vmem>> -> memref<80xi32, #tpu.memory_space<vmem>>
    %dma_wait3A_97 = arith.constant 0 : i32
    %dma_wait3A_98 = arith.constant 0 : i32
    %dma_wait3A_99 = tpu.memref_slice %arg2[%dma_wait3A_97, %dma_wait3A_98] : memref<10000x40xf32, #tpu.memory_space<hbm>> -> memref<10000x40xf32, #tpu.memory_space<hbm>>
    tpu.wait_indirect_dma semaphore(%arg19 : memref<!tpu.dma_semaphore, #tpu.memory_space<semaphore_mem>>) src(%dma_wait3A_99 : memref<10000x40xf32, #tpu.memory_space<hbm>>) dst(%arg10 : memref<80x40xf32, #tpu.memory_space<vmem>>)
    %run_scoped3A_100 = arith.constant 123 : i32
    "tpu.region"() ({
      %run_scoped3A_120 = tpu.sem_alloc : memref<!tpu.dma_semaphore, #tpu.memory_space<semaphore_mem>>
      %dma_start3A_121 = arith.constant 0 : i32
      %dma_start3A_122 = tpu.memref_slice %arg6[%run_scoped3A_100, %dma_start3A_121] : memref<125x80xi32, #tpu.memory_space<vmem>> -> memref<1x80xi32, #tpu.memory_space<vmem>>
      %dma_start3A_123 = tpu.memref_squeeze %dma_start3A_122 : memref<1x80xi32, #tpu.memory_space<vmem>> -> memref<80xi32, #tpu.memory_space<vmem>>
      %dma_start3A_124 = arith.constant 0 : i32
      %dma_start3A_125 = arith.constant 0 : i32
      %dma_start3A_126 = tpu.memref_slice %arg15[%dma_start3A_124, %dma_start3A_125] : memref<10000x40xf32, #tpu.memory_space<vmem_shared>> -> memref<10000x40xf32, #tpu.memory_space<vmem_shared>>
      tpu.enqueue_indirect_dma source(%arg10 : memref<80x40xf32, #tpu.memory_space<vmem>>) target(%dma_start3A_126 : memref<10000x40xf32, #tpu.memory_space<vmem_shared>>) offsets(%dma_start3A_123 : memref<80xi32, #tpu.memory_space<vmem>>) semaphore(%run_scoped3A_120 : memref<!tpu.dma_semaphore, #tpu.memory_space<semaphore_mem>>) {add = true}
      %dma_wait3A_127 = arith.constant 0 : i32
      %dma_wait3A_128 = tpu.memref_slice %arg6[%run_scoped3A_100, %dma_wait3A_127] : memref<125x80xi32, #tpu.memory_space<vmem>> -> memref<1x80xi32, #tpu.memory_space<vmem>>
      %dma_wait3A_129 = tpu.memref_squeeze %dma_wait3A_128 : memref<1x80xi32, #tpu.memory_space<vmem>> -> memref<80xi32, #tpu.memory_space<vmem>>
      %dma_wait3A_130 = arith.constant 0 : i32
      %dma_wait3A_131 = arith.constant 0 : i32
      %dma_wait3A_132 = tpu.memref_slice %arg15[%dma_wait3A_130, %dma_wait3A_131] : memref<10000x40xf32, #tpu.memory_space<vmem_shared>> -> memref<10000x40xf32, #tpu.memory_space<vmem_shared>>
      tpu.wait_indirect_dma semaphore(%run_scoped3A_120 : memref<!tpu.dma_semaphore, #tpu.memory_space<semaphore_mem>>) src(%arg10 : memref<80x40xf32, #tpu.memory_space<vmem>>) dst(%dma_wait3A_132 : memref<10000x40xf32, #tpu.memory_space<vmem_shared>>)
      tpu.yield
    }) : () -> ()
    %dma_wait3A_101 = arith.constant 124 : i32
    %dma_wait3A_102 = arith.constant 0 : i32
    %dma_wait3A_103 = tpu.memref_slice %arg5[%dma_wait3A_101, %dma_wait3A_102] : memref<125x80xi32, #tpu.memory_space<vmem>> -> memref<1x80xi32, #tpu.memory_space<vmem>>
    %dma_wait3A_104 = tpu.memref_squeeze %dma_wait3A_103 : memref<1x80xi32, #tpu.memory_space<vmem>> -> memref<80xi32, #tpu.memory_space<vmem>>
    %dma_wait3A_105 = arith.constant 0 : i32
    %dma_wait3A_106 = arith.constant 0 : i32
    %dma_wait3A_107 = tpu.memref_slice %arg2[%dma_wait3A_105, %dma_wait3A_106] : memref<10000x40xf32, #tpu.memory_space<hbm>> -> memref<10000x40xf32, #tpu.memory_space<hbm>>
    tpu.wait_indirect_dma semaphore(%arg20 : memref<!tpu.dma_semaphore, #tpu.memory_space<semaphore_mem>>) src(%dma_wait3A_107 : memref<10000x40xf32, #tpu.memory_space<hbm>>) dst(%arg11 : memref<80x40xf32, #tpu.memory_space<vmem>>)
    %run_scoped3A_108 = arith.constant 124 : i32
    "tpu.region"() ({
      %run_scoped3A_120 = tpu.sem_alloc : memref<!tpu.dma_semaphore, #tpu.memory_space<semaphore_mem>>
      %dma_start3A_121 = arith.constant 0 : i32
      %dma_start3A_122 = tpu.memref_slice %arg6[%run_scoped3A_108, %dma_start3A_121] : memref<125x80xi32, #tpu.memory_space<vmem>> -> memref<1x80xi32, #tpu.memory_space<vmem>>
      %dma_start3A_123 = tpu.memref_squeeze %dma_start3A_122 : memref<1x80xi32, #tpu.memory_space<vmem>> -> memref<80xi32, #tpu.memory_space<vmem>>
      %dma_start3A_124 = arith.constant 0 : i32
      %dma_start3A_125 = arith.constant 0 : i32
      %dma_start3A_126 = tpu.memref_slice %arg15[%dma_start3A_124, %dma_start3A_125] : memref<10000x40xf32, #tpu.memory_space<vmem_shared>> -> memref<10000x40xf32, #tpu.memory_space<vmem_shared>>
      tpu.enqueue_indirect_dma source(%arg11 : memref<80x40xf32, #tpu.memory_space<vmem>>) target(%dma_start3A_126 : memref<10000x40xf32, #tpu.memory_space<vmem_shared>>) offsets(%dma_start3A_123 : memref<80xi32, #tpu.memory_space<vmem>>) semaphore(%run_scoped3A_120 : memref<!tpu.dma_semaphore, #tpu.memory_space<semaphore_mem>>) {add = true}
      %dma_wait3A_127 = arith.constant 0 : i32
      %dma_wait3A_128 = tpu.memref_slice %arg6[%run_scoped3A_108, %dma_wait3A_127] : memref<125x80xi32, #tpu.memory_space<vmem>> -> memref<1x80xi32, #tpu.memory_space<vmem>>
      %dma_wait3A_129 = tpu.memref_squeeze %dma_wait3A_128 : memref<1x80xi32, #tpu.memory_space<vmem>> -> memref<80xi32, #tpu.memory_space<vmem>>
      %dma_wait3A_130 = arith.constant 0 : i32
      %dma_wait3A_131 = arith.constant 0 : i32
      %dma_wait3A_132 = tpu.memref_slice %arg15[%dma_wait3A_130, %dma_wait3A_131] : memref<10000x40xf32, #tpu.memory_space<vmem_shared>> -> memref<10000x40xf32, #tpu.memory_space<vmem_shared>>
      tpu.wait_indirect_dma semaphore(%run_scoped3A_120 : memref<!tpu.dma_semaphore, #tpu.memory_space<semaphore_mem>>) src(%arg11 : memref<80x40xf32, #tpu.memory_space<vmem>>) dst(%dma_wait3A_132 : memref<10000x40xf32, #tpu.memory_space<vmem_shared>>)
      tpu.yield
    }) : () -> ()
    %barrier3A_109 = arith.constant 0 : index
    tpu.barrier barrier_id(%barrier3A_109)
    %lt3A_110 = arith.constant 15 : i32
    %lt3A_111 = arith.cmpi slt, %arg1, %lt3A_110 : i32
    %convert_element_type3A_112 = arith.extui %lt3A_111 : i1 to i32
    %cond3A_113 = arith.constant 0 : i32
    %cond3A_114 = arith.cmpi ne, %convert_element_type3A_112, %cond3A_113 : i32
    scf.if %cond3A_114 {
      %mul3A_120 = arith.constant 10000 : i32
      %mul3A_121 = arith.muli %arg0, %mul3A_120 : i32
      %add3A_122 = arith.addi %mul3A_121, %mul3A_2 : i32
      "tpu.region"() ({
        %run_scoped3A_123 = tpu.sem_alloc : memref<!tpu.dma_semaphore, #tpu.memory_space<semaphore_mem>>
        %dma_start3A_124 = arith.constant 0 : i32
        %dma_start3A_125 = tpu.memref_slice %arg4[%add3A_122, %dma_start3A_124] : memref<20000x40xf32, #tpu.memory_space<hbm>> -> memref<632x40xf32, #tpu.memory_space<hbm>>
        %dma_start3A_126 = arith.constant 0 : i32
        %dma_start3A_127 = tpu.memref_slice %arg15[%mul3A_2, %dma_start3A_126] : memref<10000x40xf32, #tpu.memory_space<vmem_shared>> -> memref<632x40xf32, #tpu.memory_space<vmem_shared>>
        tpu.enqueue_dma source(%dma_start3A_127 : memref<632x40xf32, #tpu.memory_space<vmem_shared>>) target(%dma_start3A_125 : memref<632x40xf32, #tpu.memory_space<hbm>>) target_semaphore(%run_scoped3A_123 : memref<!tpu.dma_semaphore, #tpu.memory_space<semaphore_mem>>)
        %dma_wait3A_128 = arith.constant 0 : i32
        %dma_wait3A_129 = tpu.memref_slice %arg4[%add3A_122, %dma_wait3A_128] : memref<20000x40xf32, #tpu.memory_space<hbm>> -> memref<632x40xf32, #tpu.memory_space<hbm>>
        %dma_wait3A_130 = arith.constant 0 : i32
        %dma_wait3A_131 = tpu.memref_slice %arg15[%mul3A_2, %dma_wait3A_130] : memref<10000x40xf32, #tpu.memory_space<vmem_shared>> -> memref<632x40xf32, #tpu.memory_space<vmem_shared>>
        tpu.wait_dma2 semaphore(%run_scoped3A_123 : memref<!tpu.dma_semaphore, #tpu.memory_space<semaphore_mem>>) src(%dma_wait3A_131 : memref<632x40xf32, #tpu.memory_space<vmem_shared>>) dst(%dma_wait3A_129 : memref<632x40xf32, #tpu.memory_space<hbm>>)
        tpu.yield
      }) : () -> ()
    } else {
    }
    %eq3A_115 = arith.constant 15 : i32
    %eq3A_116 = arith.cmpi eq, %arg1, %eq3A_115 : i32
    %convert_element_type3A_117 = arith.extui %eq3A_116 : i1 to i32
    %cond3A_118 = arith.constant 0 : i32
    %cond3A_119 = arith.cmpi ne, %convert_element_type3A_117, %cond3A_118 : i32
    scf.if %cond3A_119 {
      %mul3A_120 = arith.constant 10000 : i32
      %mul3A_121 = arith.muli %arg0, %mul3A_120 : i32
      %add3A_122 = arith.constant 9480 : i32
      %add3A_123 = arith.addi %mul3A_121, %add3A_122 : i32
      "tpu.region"() ({
        %run_scoped3A_124 = tpu.sem_alloc : memref<!tpu.dma_semaphore, #tpu.memory_space<semaphore_mem>>
        %dma_start3A_125 = arith.constant 0 : i32
        %dma_start3A_126 = tpu.memref_slice %arg4[%add3A_123, %dma_start3A_125] : memref<20000x40xf32, #tpu.memory_space<hbm>> -> memref<520x40xf32, #tpu.memory_space<hbm>>
        %dma_start3A_127 = arith.constant 9480 : i32
        %dma_start3A_128 = arith.constant 0 : i32
        %dma_start3A_129 = tpu.memref_slice %arg15[%dma_start3A_127, %dma_start3A_128] : memref<10000x40xf32, #tpu.memory_space<vmem_shared>> -> memref<520x40xf32, #tpu.memory_space<vmem_shared>>
        tpu.enqueue_dma source(%dma_start3A_129 : memref<520x40xf32, #tpu.memory_space<vmem_shared>>) target(%dma_start3A_126 : memref<520x40xf32, #tpu.memory_space<hbm>>) target_semaphore(%run_scoped3A_124 : memref<!tpu.dma_semaphore, #tpu.memory_space<semaphore_mem>>)
        %dma_wait3A_130 = arith.constant 0 : i32
        %dma_wait3A_131 = tpu.memref_slice %arg4[%add3A_123, %dma_wait3A_130] : memref<20000x40xf32, #tpu.memory_space<hbm>> -> memref<520x40xf32, #tpu.memory_space<hbm>>
        %dma_wait3A_132 = arith.constant 9480 : i32
        %dma_wait3A_133 = arith.constant 0 : i32
        %dma_wait3A_134 = tpu.memref_slice %arg15[%dma_wait3A_132, %dma_wait3A_133] : memref<10000x40xf32, #tpu.memory_space<vmem_shared>> -> memref<520x40xf32, #tpu.memory_space<vmem_shared>>
        tpu.wait_dma2 semaphore(%run_scoped3A_124 : memref<!tpu.dma_semaphore, #tpu.memory_space<semaphore_mem>>) src(%dma_wait3A_134 : memref<520x40xf32, #tpu.memory_space<vmem_shared>>) dst(%dma_wait3A_131 : memref<520x40xf32, #tpu.memory_space<hbm>>)
        tpu.yield
      }) : () -> ()
    } else {
    }
    return
  }
}

#map = affine_map<(d0, d1) -> (0, 0, 0, 0)>
#map1 = affine_map<(d0, d1) -> (0)>
module attributes {stable_mosaic.version = 14 : i64} {
  func.func @deg_kernel(%arg0: i32, %arg1: i32, %arg2: memref<2x32x125x80xi32, #tpu.memory_space<hbm>>, %arg3: memref<20480xf32, #tpu.memory_space<hbm>>, %arg4: memref<125x80xi32, #tpu.memory_space<vmem>>, %arg5: memref<80xf32, #tpu.memory_space<vmem>>, %arg6: memref<640xf32, #tpu.memory_space<vmem>>, %arg7: memref<10240xf32, #tpu.memory_space<vmem_shared>>, %arg8: memref<!tpu.dma_semaphore, #tpu.memory_space<semaphore_mem>>, %arg9: memref<!tpu.dma_semaphore, #tpu.memory_space<semaphore_mem>>) attributes {dimension_semantics = [#tpu.dimension_semantics<core_parallel>, #tpu.dimension_semantics<subcore_parallel>], iteration_bounds = array<i64: 2, 16>, scalar_prefetch = 0 : i64, scratch_operands = 6 : i64, tpu.core_type = #tpu.core_type<sc_vector_subcore>, window_params = [{transform_indices = #map}, {transform_indices = #map1}]} {
    %mul3A = arith.constant 16 : i32
    %mul3A_0 = arith.muli %arg0, %mul3A : i32
    %add3A = arith.addi %mul3A_0, %arg1 : i32
    %broadcast_in_dim3A = arith.constant 1.000000e+00 : f32
    %broadcast_in_dim3A_1 = vector.broadcast %broadcast_in_dim3A : f32 to vector<16xf32>
    %swap3A = arith.constant 0 : index
    %swap3A_2 = tpu.vector_load %arg5[%swap3A] {strides = array<i32>} : memref<80xf32, #tpu.memory_space<vmem>>, vector<16xf32>,
    %swap3A_3 = vector.shape_cast %swap3A_2 : vector<16xf32> to vector<16xf32>
    %swap3A_4 = vector.shape_cast %broadcast_in_dim3A_1 : vector<16xf32> to vector<16xf32>
    tpu.vector_store %arg5[%swap3A], %swap3A_4 {strides = array<i32>} : memref<80xf32, #tpu.memory_space<vmem>>, vector<16xf32>,
    %broadcast_in_dim3A_5 = arith.constant 1.000000e+00 : f32
    %broadcast_in_dim3A_6 = vector.broadcast %broadcast_in_dim3A_5 : f32 to vector<16xf32>
    %swap3A_7 = arith.constant 16 : index
    %swap3A_8 = tpu.vector_load %arg5[%swap3A_7] {strides = array<i32>} : memref<80xf32, #tpu.memory_space<vmem>>, vector<16xf32>,
    %swap3A_9 = vector.shape_cast %swap3A_8 : vector<16xf32> to vector<16xf32>
    %swap3A_10 = vector.shape_cast %broadcast_in_dim3A_6 : vector<16xf32> to vector<16xf32>
    tpu.vector_store %arg5[%swap3A_7], %swap3A_10 {strides = array<i32>} : memref<80xf32, #tpu.memory_space<vmem>>, vector<16xf32>,
    %broadcast_in_dim3A_11 = arith.constant 1.000000e+00 : f32
    %broadcast_in_dim3A_12 = vector.broadcast %broadcast_in_dim3A_11 : f32 to vector<16xf32>
    %swap3A_13 = arith.constant 32 : index
    %swap3A_14 = tpu.vector_load %arg5[%swap3A_13] {strides = array<i32>} : memref<80xf32, #tpu.memory_space<vmem>>, vector<16xf32>,
    %swap3A_15 = vector.shape_cast %swap3A_14 : vector<16xf32> to vector<16xf32>
    %swap3A_16 = vector.shape_cast %broadcast_in_dim3A_12 : vector<16xf32> to vector<16xf32>
    tpu.vector_store %arg5[%swap3A_13], %swap3A_16 {strides = array<i32>} : memref<80xf32, #tpu.memory_space<vmem>>, vector<16xf32>,
    %broadcast_in_dim3A_17 = arith.constant 1.000000e+00 : f32
    %broadcast_in_dim3A_18 = vector.broadcast %broadcast_in_dim3A_17 : f32 to vector<16xf32>
    %swap3A_19 = arith.constant 48 : index
    %swap3A_20 = tpu.vector_load %arg5[%swap3A_19] {strides = array<i32>} : memref<80xf32, #tpu.memory_space<vmem>>, vector<16xf32>,
    %swap3A_21 = vector.shape_cast %swap3A_20 : vector<16xf32> to vector<16xf32>
    %swap3A_22 = vector.shape_cast %broadcast_in_dim3A_18 : vector<16xf32> to vector<16xf32>
    tpu.vector_store %arg5[%swap3A_19], %swap3A_22 {strides = array<i32>} : memref<80xf32, #tpu.memory_space<vmem>>, vector<16xf32>,
    %broadcast_in_dim3A_23 = arith.constant 1.000000e+00 : f32
    %broadcast_in_dim3A_24 = vector.broadcast %broadcast_in_dim3A_23 : f32 to vector<16xf32>
    %swap3A_25 = arith.constant 64 : index
    %swap3A_26 = tpu.vector_load %arg5[%swap3A_25] {strides = array<i32>} : memref<80xf32, #tpu.memory_space<vmem>>, vector<16xf32>,
    %swap3A_27 = vector.shape_cast %swap3A_26 : vector<16xf32> to vector<16xf32>
    %swap3A_28 = vector.shape_cast %broadcast_in_dim3A_24 : vector<16xf32> to vector<16xf32>
    tpu.vector_store %arg5[%swap3A_25], %swap3A_28 {strides = array<i32>} : memref<80xf32, #tpu.memory_space<vmem>>, vector<16xf32>,
    %broadcast_in_dim3A_29 = arith.constant 0.000000e+00 : f32
    %broadcast_in_dim3A_30 = vector.broadcast %broadcast_in_dim3A_29 : f32 to vector<16xf32>
    %swap3A_31 = arith.constant 0 : index
    %swap3A_32 = tpu.vector_load %arg6[%swap3A_31] {strides = array<i32>} : memref<640xf32, #tpu.memory_space<vmem>>, vector<16xf32>,
    %swap3A_33 = vector.shape_cast %swap3A_32 : vector<16xf32> to vector<16xf32>
    %swap3A_34 = vector.shape_cast %broadcast_in_dim3A_30 : vector<16xf32> to vector<16xf32>
    tpu.vector_store %arg6[%swap3A_31], %swap3A_34 {strides = array<i32>} : memref<640xf32, #tpu.memory_space<vmem>>, vector<16xf32>,
    %broadcast_in_dim3A_35 = arith.constant 0.000000e+00 : f32
    %broadcast_in_dim3A_36 = vector.broadcast %broadcast_in_dim3A_35 : f32 to vector<16xf32>
    %swap3A_37 = arith.constant 16 : index
    %swap3A_38 = tpu.vector_load %arg6[%swap3A_37] {strides = array<i32>} : memref<640xf32, #tpu.memory_space<vmem>>, vector<16xf32>,
    %swap3A_39 = vector.shape_cast %swap3A_38 : vector<16xf32> to vector<16xf32>
    %swap3A_40 = vector.shape_cast %broadcast_in_dim3A_36 : vector<16xf32> to vector<16xf32>
    tpu.vector_store %arg6[%swap3A_37], %swap3A_40 {strides = array<i32>} : memref<640xf32, #tpu.memory_space<vmem>>, vector<16xf32>,
    %broadcast_in_dim3A_41 = arith.constant 0.000000e+00 : f32
    %broadcast_in_dim3A_42 = vector.broadcast %broadcast_in_dim3A_41 : f32 to vector<16xf32>
    %swap3A_43 = arith.constant 32 : index
    %swap3A_44 = tpu.vector_load %arg6[%swap3A_43] {strides = array<i32>} : memref<640xf32, #tpu.memory_space<vmem>>, vector<16xf32>,
    %swap3A_45 = vector.shape_cast %swap3A_44 : vector<16xf32> to vector<16xf32>
    %swap3A_46 = vector.shape_cast %broadcast_in_dim3A_42 : vector<16xf32> to vector<16xf32>
    tpu.vector_store %arg6[%swap3A_43], %swap3A_46 {strides = array<i32>} : memref<640xf32, #tpu.memory_space<vmem>>, vector<16xf32>,
    %broadcast_in_dim3A_47 = arith.constant 0.000000e+00 : f32
    %broadcast_in_dim3A_48 = vector.broadcast %broadcast_in_dim3A_47 : f32 to vector<16xf32>
    %swap3A_49 = arith.constant 48 : index
    %swap3A_50 = tpu.vector_load %arg6[%swap3A_49] {strides = array<i32>} : memref<640xf32, #tpu.memory_space<vmem>>, vector<16xf32>,
    %swap3A_51 = vector.shape_cast %swap3A_50 : vector<16xf32> to vector<16xf32>
    %swap3A_52 = vector.shape_cast %broadcast_in_dim3A_48 : vector<16xf32> to vector<16xf32>
    tpu.vector_store %arg6[%swap3A_49], %swap3A_52 {strides = array<i32>} : memref<640xf32, #tpu.memory_space<vmem>>, vector<16xf32>,
    %broadcast_in_dim3A_53 = arith.constant 0.000000e+00 : f32
    %broadcast_in_dim3A_54 = vector.broadcast %broadcast_in_dim3A_53 : f32 to vector<16xf32>
    %swap3A_55 = arith.constant 64 : index
    %swap3A_56 = tpu.vector_load %arg6[%swap3A_55] {strides = array<i32>} : memref<640xf32, #tpu.memory_space<vmem>>, vector<16xf32>,
    %swap3A_57 = vector.shape_cast %swap3A_56 : vector<16xf32> to vector<16xf32>
    %swap3A_58 = vector.shape_cast %broadcast_in_dim3A_54 : vector<16xf32> to vector<16xf32>
    tpu.vector_store %arg6[%swap3A_55], %swap3A_58 {strides = array<i32>} : memref<640xf32, #tpu.memory_space<vmem>>, vector<16xf32>,
    %broadcast_in_dim3A_59 = arith.constant 0.000000e+00 : f32
    %broadcast_in_dim3A_60 = vector.broadcast %broadcast_in_dim3A_59 : f32 to vector<16xf32>
    %swap3A_61 = arith.constant 80 : index
    %swap3A_62 = tpu.vector_load %arg6[%swap3A_61] {strides = array<i32>} : memref<640xf32, #tpu.memory_space<vmem>>, vector<16xf32>,
    %swap3A_63 = vector.shape_cast %swap3A_62 : vector<16xf32> to vector<16xf32>
    %swap3A_64 = vector.shape_cast %broadcast_in_dim3A_60 : vector<16xf32> to vector<16xf32>
    tpu.vector_store %arg6[%swap3A_61], %swap3A_64 {strides = array<i32>} : memref<640xf32, #tpu.memory_space<vmem>>, vector<16xf32>,
    %broadcast_in_dim3A_65 = arith.constant 0.000000e+00 : f32
    %broadcast_in_dim3A_66 = vector.broadcast %broadcast_in_dim3A_65 : f32 to vector<16xf32>
    %swap3A_67 = arith.constant 96 : index
    %swap3A_68 = tpu.vector_load %arg6[%swap3A_67] {strides = array<i32>} : memref<640xf32, #tpu.memory_space<vmem>>, vector<16xf32>,
    %swap3A_69 = vector.shape_cast %swap3A_68 : vector<16xf32> to vector<16xf32>
    %swap3A_70 = vector.shape_cast %broadcast_in_dim3A_66 : vector<16xf32> to vector<16xf32>
    tpu.vector_store %arg6[%swap3A_67], %swap3A_70 {strides = array<i32>} : memref<640xf32, #tpu.memory_space<vmem>>, vector<16xf32>,
    %broadcast_in_dim3A_71 = arith.constant 0.000000e+00 : f32
    %broadcast_in_dim3A_72 = vector.broadcast %broadcast_in_dim3A_71 : f32 to vector<16xf32>
    %swap3A_73 = arith.constant 112 : index
    %swap3A_74 = tpu.vector_load %arg6[%swap3A_73] {strides = array<i32>} : memref<640xf32, #tpu.memory_space<vmem>>, vector<16xf32>,
    %swap3A_75 = vector.shape_cast %swap3A_74 : vector<16xf32> to vector<16xf32>
    %swap3A_76 = vector.shape_cast %broadcast_in_dim3A_72 : vector<16xf32> to vector<16xf32>
    tpu.vector_store %arg6[%swap3A_73], %swap3A_76 {strides = array<i32>} : memref<640xf32, #tpu.memory_space<vmem>>, vector<16xf32>,
    %broadcast_in_dim3A_77 = arith.constant 0.000000e+00 : f32
    %broadcast_in_dim3A_78 = vector.broadcast %broadcast_in_dim3A_77 : f32 to vector<16xf32>
    %swap3A_79 = arith.constant 128 : index
    %swap3A_80 = tpu.vector_load %arg6[%swap3A_79] {strides = array<i32>} : memref<640xf32, #tpu.memory_space<vmem>>, vector<16xf32>,
    %swap3A_81 = vector.shape_cast %swap3A_80 : vector<16xf32> to vector<16xf32>
    %swap3A_82 = vector.shape_cast %broadcast_in_dim3A_78 : vector<16xf32> to vector<16xf32>
    tpu.vector_store %arg6[%swap3A_79], %swap3A_82 {strides = array<i32>} : memref<640xf32, #tpu.memory_space<vmem>>, vector<16xf32>,
    %broadcast_in_dim3A_83 = arith.constant 0.000000e+00 : f32
    %broadcast_in_dim3A_84 = vector.broadcast %broadcast_in_dim3A_83 : f32 to vector<16xf32>
    %swap3A_85 = arith.constant 144 : index
    %swap3A_86 = tpu.vector_load %arg6[%swap3A_85] {strides = array<i32>} : memref<640xf32, #tpu.memory_space<vmem>>, vector<16xf32>,
    %swap3A_87 = vector.shape_cast %swap3A_86 : vector<16xf32> to vector<16xf32>
    %swap3A_88 = vector.shape_cast %broadcast_in_dim3A_84 : vector<16xf32> to vector<16xf32>
    tpu.vector_store %arg6[%swap3A_85], %swap3A_88 {strides = array<i32>} : memref<640xf32, #tpu.memory_space<vmem>>, vector<16xf32>,
    %broadcast_in_dim3A_89 = arith.constant 0.000000e+00 : f32
    %broadcast_in_dim3A_90 = vector.broadcast %broadcast_in_dim3A_89 : f32 to vector<16xf32>
    %swap3A_91 = arith.constant 160 : index
    %swap3A_92 = tpu.vector_load %arg6[%swap3A_91] {strides = array<i32>} : memref<640xf32, #tpu.memory_space<vmem>>, vector<16xf32>,
    %swap3A_93 = vector.shape_cast %swap3A_92 : vector<16xf32> to vector<16xf32>
    %swap3A_94 = vector.shape_cast %broadcast_in_dim3A_90 : vector<16xf32> to vector<16xf32>
    tpu.vector_store %arg6[%swap3A_91], %swap3A_94 {strides = array<i32>} : memref<640xf32, #tpu.memory_space<vmem>>, vector<16xf32>,
    %broadcast_in_dim3A_95 = arith.constant 0.000000e+00 : f32
    %broadcast_in_dim3A_96 = vector.broadcast %broadcast_in_dim3A_95 : f32 to vector<16xf32>
    %swap3A_97 = arith.constant 176 : index
    %swap3A_98 = tpu.vector_load %arg6[%swap3A_97] {strides = array<i32>} : memref<640xf32, #tpu.memory_space<vmem>>, vector<16xf32>,
    %swap3A_99 = vector.shape_cast %swap3A_98 : vector<16xf32> to vector<16xf32>
    %swap3A_100 = vector.shape_cast %broadcast_in_dim3A_96 : vector<16xf32> to vector<16xf32>
    tpu.vector_store %arg6[%swap3A_97], %swap3A_100 {strides = array<i32>} : memref<640xf32, #tpu.memory_space<vmem>>, vector<16xf32>,
    %broadcast_in_dim3A_101 = arith.constant 0.000000e+00 : f32
    %broadcast_in_dim3A_102 = vector.broadcast %broadcast_in_dim3A_101 : f32 to vector<16xf32>
    %swap3A_103 = arith.constant 192 : index
    %swap3A_104 = tpu.vector_load %arg6[%swap3A_103] {strides = array<i32>} : memref<640xf32, #tpu.memory_space<vmem>>, vector<16xf32>,
    %swap3A_105 = vector.shape_cast %swap3A_104 : vector<16xf32> to vector<16xf32>
    %swap3A_106 = vector.shape_cast %broadcast_in_dim3A_102 : vector<16xf32> to vector<16xf32>
    tpu.vector_store %arg6[%swap3A_103], %swap3A_106 {strides = array<i32>} : memref<640xf32, #tpu.memory_space<vmem>>, vector<16xf32>,
    %broadcast_in_dim3A_107 = arith.constant 0.000000e+00 : f32
    %broadcast_in_dim3A_108 = vector.broadcast %broadcast_in_dim3A_107 : f32 to vector<16xf32>
    %swap3A_109 = arith.constant 208 : index
    %swap3A_110 = tpu.vector_load %arg6[%swap3A_109] {strides = array<i32>} : memref<640xf32, #tpu.memory_space<vmem>>, vector<16xf32>,
    %swap3A_111 = vector.shape_cast %swap3A_110 : vector<16xf32> to vector<16xf32>
    %swap3A_112 = vector.shape_cast %broadcast_in_dim3A_108 : vector<16xf32> to vector<16xf32>
    tpu.vector_store %arg6[%swap3A_109], %swap3A_112 {strides = array<i32>} : memref<640xf32, #tpu.memory_space<vmem>>, vector<16xf32>,
    %broadcast_in_dim3A_113 = arith.constant 0.000000e+00 : f32
    %broadcast_in_dim3A_114 = vector.broadcast %broadcast_in_dim3A_113 : f32 to vector<16xf32>
    %swap3A_115 = arith.constant 224 : index
    %swap3A_116 = tpu.vector_load %arg6[%swap3A_115] {strides = array<i32>} : memref<640xf32, #tpu.memory_space<vmem>>, vector<16xf32>,
    %swap3A_117 = vector.shape_cast %swap3A_116 : vector<16xf32> to vector<16xf32>
    %swap3A_118 = vector.shape_cast %broadcast_in_dim3A_114 : vector<16xf32> to vector<16xf32>
    tpu.vector_store %arg6[%swap3A_115], %swap3A_118 {strides = array<i32>} : memref<640xf32, #tpu.memory_space<vmem>>, vector<16xf32>,
    %broadcast_in_dim3A_119 = arith.constant 0.000000e+00 : f32
    %broadcast_in_dim3A_120 = vector.broadcast %broadcast_in_dim3A_119 : f32 to vector<16xf32>
    %swap3A_121 = arith.constant 240 : index
    %swap3A_122 = tpu.vector_load %arg6[%swap3A_121] {strides = array<i32>} : memref<640xf32, #tpu.memory_space<vmem>>, vector<16xf32>,
    %swap3A_123 = vector.shape_cast %swap3A_122 : vector<16xf32> to vector<16xf32>
    %swap3A_124 = vector.shape_cast %broadcast_in_dim3A_120 : vector<16xf32> to vector<16xf32>
    tpu.vector_store %arg6[%swap3A_121], %swap3A_124 {strides = array<i32>} : memref<640xf32, #tpu.memory_space<vmem>>, vector<16xf32>,
    %broadcast_in_dim3A_125 = arith.constant 0.000000e+00 : f32
    %broadcast_in_dim3A_126 = vector.broadcast %broadcast_in_dim3A_125 : f32 to vector<16xf32>
    %swap3A_127 = arith.constant 256 : index
    %swap3A_128 = tpu.vector_load %arg6[%swap3A_127] {strides = array<i32>} : memref<640xf32, #tpu.memory_space<vmem>>, vector<16xf32>,
    %swap3A_129 = vector.shape_cast %swap3A_128 : vector<16xf32> to vector<16xf32>
    %swap3A_130 = vector.shape_cast %broadcast_in_dim3A_126 : vector<16xf32> to vector<16xf32>
    tpu.vector_store %arg6[%swap3A_127], %swap3A_130 {strides = array<i32>} : memref<640xf32, #tpu.memory_space<vmem>>, vector<16xf32>,
    %broadcast_in_dim3A_131 = arith.constant 0.000000e+00 : f32
    %broadcast_in_dim3A_132 = vector.broadcast %broadcast_in_dim3A_131 : f32 to vector<16xf32>
    %swap3A_133 = arith.constant 272 : index
    %swap3A_134 = tpu.vector_load %arg6[%swap3A_133] {strides = array<i32>} : memref<640xf32, #tpu.memory_space<vmem>>, vector<16xf32>,
    %swap3A_135 = vector.shape_cast %swap3A_134 : vector<16xf32> to vector<16xf32>
    %swap3A_136 = vector.shape_cast %broadcast_in_dim3A_132 : vector<16xf32> to vector<16xf32>
    tpu.vector_store %arg6[%swap3A_133], %swap3A_136 {strides = array<i32>} : memref<640xf32, #tpu.memory_space<vmem>>, vector<16xf32>,
    %broadcast_in_dim3A_137 = arith.constant 0.000000e+00 : f32
    %broadcast_in_dim3A_138 = vector.broadcast %broadcast_in_dim3A_137 : f32 to vector<16xf32>
    %swap3A_139 = arith.constant 288 : index
    %swap3A_140 = tpu.vector_load %arg6[%swap3A_139] {strides = array<i32>} : memref<640xf32, #tpu.memory_space<vmem>>, vector<16xf32>,
    %swap3A_141 = vector.shape_cast %swap3A_140 : vector<16xf32> to vector<16xf32>
    %swap3A_142 = vector.shape_cast %broadcast_in_dim3A_138 : vector<16xf32> to vector<16xf32>
    tpu.vector_store %arg6[%swap3A_139], %swap3A_142 {strides = array<i32>} : memref<640xf32, #tpu.memory_space<vmem>>, vector<16xf32>,
    %broadcast_in_dim3A_143 = arith.constant 0.000000e+00 : f32
    %broadcast_in_dim3A_144 = vector.broadcast %broadcast_in_dim3A_143 : f32 to vector<16xf32>
    %swap3A_145 = arith.constant 304 : index
    %swap3A_146 = tpu.vector_load %arg6[%swap3A_145] {strides = array<i32>} : memref<640xf32, #tpu.memory_space<vmem>>, vector<16xf32>,
    %swap3A_147 = vector.shape_cast %swap3A_146 : vector<16xf32> to vector<16xf32>
    %swap3A_148 = vector.shape_cast %broadcast_in_dim3A_144 : vector<16xf32> to vector<16xf32>
    tpu.vector_store %arg6[%swap3A_145], %swap3A_148 {strides = array<i32>} : memref<640xf32, #tpu.memory_space<vmem>>, vector<16xf32>,
    %broadcast_in_dim3A_149 = arith.constant 0.000000e+00 : f32
    %broadcast_in_dim3A_150 = vector.broadcast %broadcast_in_dim3A_149 : f32 to vector<16xf32>
    %swap3A_151 = arith.constant 320 : index
    %swap3A_152 = tpu.vector_load %arg6[%swap3A_151] {strides = array<i32>} : memref<640xf32, #tpu.memory_space<vmem>>, vector<16xf32>,
    %swap3A_153 = vector.shape_cast %swap3A_152 : vector<16xf32> to vector<16xf32>
    %swap3A_154 = vector.shape_cast %broadcast_in_dim3A_150 : vector<16xf32> to vector<16xf32>
    tpu.vector_store %arg6[%swap3A_151], %swap3A_154 {strides = array<i32>} : memref<640xf32, #tpu.memory_space<vmem>>, vector<16xf32>,
    %broadcast_in_dim3A_155 = arith.constant 0.000000e+00 : f32
    %broadcast_in_dim3A_156 = vector.broadcast %broadcast_in_dim3A_155 : f32 to vector<16xf32>
    %swap3A_157 = arith.constant 336 : index
    %swap3A_158 = tpu.vector_load %arg6[%swap3A_157] {strides = array<i32>} : memref<640xf32, #tpu.memory_space<vmem>>, vector<16xf32>,
    %swap3A_159 = vector.shape_cast %swap3A_158 : vector<16xf32> to vector<16xf32>
    %swap3A_160 = vector.shape_cast %broadcast_in_dim3A_156 : vector<16xf32> to vector<16xf32>
    tpu.vector_store %arg6[%swap3A_157], %swap3A_160 {strides = array<i32>} : memref<640xf32, #tpu.memory_space<vmem>>, vector<16xf32>,
    %broadcast_in_dim3A_161 = arith.constant 0.000000e+00 : f32
    %broadcast_in_dim3A_162 = vector.broadcast %broadcast_in_dim3A_161 : f32 to vector<16xf32>
    %swap3A_163 = arith.constant 352 : index
    %swap3A_164 = tpu.vector_load %arg6[%swap3A_163] {strides = array<i32>} : memref<640xf32, #tpu.memory_space<vmem>>, vector<16xf32>,
    %swap3A_165 = vector.shape_cast %swap3A_164 : vector<16xf32> to vector<16xf32>
    %swap3A_166 = vector.shape_cast %broadcast_in_dim3A_162 : vector<16xf32> to vector<16xf32>
    tpu.vector_store %arg6[%swap3A_163], %swap3A_166 {strides = array<i32>} : memref<640xf32, #tpu.memory_space<vmem>>, vector<16xf32>,
    %broadcast_in_dim3A_167 = arith.constant 0.000000e+00 : f32
    %broadcast_in_dim3A_168 = vector.broadcast %broadcast_in_dim3A_167 : f32 to vector<16xf32>
    %swap3A_169 = arith.constant 368 : index
    %swap3A_170 = tpu.vector_load %arg6[%swap3A_169] {strides = array<i32>} : memref<640xf32, #tpu.memory_space<vmem>>, vector<16xf32>,
    %swap3A_171 = vector.shape_cast %swap3A_170 : vector<16xf32> to vector<16xf32>
    %swap3A_172 = vector.shape_cast %broadcast_in_dim3A_168 : vector<16xf32> to vector<16xf32>
    tpu.vector_store %arg6[%swap3A_169], %swap3A_172 {strides = array<i32>} : memref<640xf32, #tpu.memory_space<vmem>>, vector<16xf32>,
    %broadcast_in_dim3A_173 = arith.constant 0.000000e+00 : f32
    %broadcast_in_dim3A_174 = vector.broadcast %broadcast_in_dim3A_173 : f32 to vector<16xf32>
    %swap3A_175 = arith.constant 384 : index
    %swap3A_176 = tpu.vector_load %arg6[%swap3A_175] {strides = array<i32>} : memref<640xf32, #tpu.memory_space<vmem>>, vector<16xf32>,
    %swap3A_177 = vector.shape_cast %swap3A_176 : vector<16xf32> to vector<16xf32>
    %swap3A_178 = vector.shape_cast %broadcast_in_dim3A_174 : vector<16xf32> to vector<16xf32>
    tpu.vector_store %arg6[%swap3A_175], %swap3A_178 {strides = array<i32>} : memref<640xf32, #tpu.memory_space<vmem>>, vector<16xf32>,
    %broadcast_in_dim3A_179 = arith.constant 0.000000e+00 : f32
    %broadcast_in_dim3A_180 = vector.broadcast %broadcast_in_dim3A_179 : f32 to vector<16xf32>
    %swap3A_181 = arith.constant 400 : index
    %swap3A_182 = tpu.vector_load %arg6[%swap3A_181] {strides = array<i32>} : memref<640xf32, #tpu.memory_space<vmem>>, vector<16xf32>,
    %swap3A_183 = vector.shape_cast %swap3A_182 : vector<16xf32> to vector<16xf32>
    %swap3A_184 = vector.shape_cast %broadcast_in_dim3A_180 : vector<16xf32> to vector<16xf32>
    tpu.vector_store %arg6[%swap3A_181], %swap3A_184 {strides = array<i32>} : memref<640xf32, #tpu.memory_space<vmem>>, vector<16xf32>,
    %broadcast_in_dim3A_185 = arith.constant 0.000000e+00 : f32
    %broadcast_in_dim3A_186 = vector.broadcast %broadcast_in_dim3A_185 : f32 to vector<16xf32>
    %swap3A_187 = arith.constant 416 : index
    %swap3A_188 = tpu.vector_load %arg6[%swap3A_187] {strides = array<i32>} : memref<640xf32, #tpu.memory_space<vmem>>, vector<16xf32>,
    %swap3A_189 = vector.shape_cast %swap3A_188 : vector<16xf32> to vector<16xf32>
    %swap3A_190 = vector.shape_cast %broadcast_in_dim3A_186 : vector<16xf32> to vector<16xf32>
    tpu.vector_store %arg6[%swap3A_187], %swap3A_190 {strides = array<i32>} : memref<640xf32, #tpu.memory_space<vmem>>, vector<16xf32>,
    %broadcast_in_dim3A_191 = arith.constant 0.000000e+00 : f32
    %broadcast_in_dim3A_192 = vector.broadcast %broadcast_in_dim3A_191 : f32 to vector<16xf32>
    %swap3A_193 = arith.constant 432 : index
    %swap3A_194 = tpu.vector_load %arg6[%swap3A_193] {strides = array<i32>} : memref<640xf32, #tpu.memory_space<vmem>>, vector<16xf32>,
    %swap3A_195 = vector.shape_cast %swap3A_194 : vector<16xf32> to vector<16xf32>
    %swap3A_196 = vector.shape_cast %broadcast_in_dim3A_192 : vector<16xf32> to vector<16xf32>
    tpu.vector_store %arg6[%swap3A_193], %swap3A_196 {strides = array<i32>} : memref<640xf32, #tpu.memory_space<vmem>>, vector<16xf32>,
    %broadcast_in_dim3A_197 = arith.constant 0.000000e+00 : f32
    %broadcast_in_dim3A_198 = vector.broadcast %broadcast_in_dim3A_197 : f32 to vector<16xf32>
    %swap3A_199 = arith.constant 448 : index
    %swap3A_200 = tpu.vector_load %arg6[%swap3A_199] {strides = array<i32>} : memref<640xf32, #tpu.memory_space<vmem>>, vector<16xf32>,
    %swap3A_201 = vector.shape_cast %swap3A_200 : vector<16xf32> to vector<16xf32>
    %swap3A_202 = vector.shape_cast %broadcast_in_dim3A_198 : vector<16xf32> to vector<16xf32>
    tpu.vector_store %arg6[%swap3A_199], %swap3A_202 {strides = array<i32>} : memref<640xf32, #tpu.memory_space<vmem>>, vector<16xf32>,
    %broadcast_in_dim3A_203 = arith.constant 0.000000e+00 : f32
    %broadcast_in_dim3A_204 = vector.broadcast %broadcast_in_dim3A_203 : f32 to vector<16xf32>
    %swap3A_205 = arith.constant 464 : index
    %swap3A_206 = tpu.vector_load %arg6[%swap3A_205] {strides = array<i32>} : memref<640xf32, #tpu.memory_space<vmem>>, vector<16xf32>,
    %swap3A_207 = vector.shape_cast %swap3A_206 : vector<16xf32> to vector<16xf32>
    %swap3A_208 = vector.shape_cast %broadcast_in_dim3A_204 : vector<16xf32> to vector<16xf32>
    tpu.vector_store %arg6[%swap3A_205], %swap3A_208 {strides = array<i32>} : memref<640xf32, #tpu.memory_space<vmem>>, vector<16xf32>,
    %broadcast_in_dim3A_209 = arith.constant 0.000000e+00 : f32
    %broadcast_in_dim3A_210 = vector.broadcast %broadcast_in_dim3A_209 : f32 to vector<16xf32>
    %swap3A_211 = arith.constant 480 : index
    %swap3A_212 = tpu.vector_load %arg6[%swap3A_211] {strides = array<i32>} : memref<640xf32, #tpu.memory_space<vmem>>, vector<16xf32>,
    %swap3A_213 = vector.shape_cast %swap3A_212 : vector<16xf32> to vector<16xf32>
    %swap3A_214 = vector.shape_cast %broadcast_in_dim3A_210 : vector<16xf32> to vector<16xf32>
    tpu.vector_store %arg6[%swap3A_211], %swap3A_214 {strides = array<i32>} : memref<640xf32, #tpu.memory_space<vmem>>, vector<16xf32>,
    %broadcast_in_dim3A_215 = arith.constant 0.000000e+00 : f32
    %broadcast_in_dim3A_216 = vector.broadcast %broadcast_in_dim3A_215 : f32 to vector<16xf32>
    %swap3A_217 = arith.constant 496 : index
    %swap3A_218 = tpu.vector_load %arg6[%swap3A_217] {strides = array<i32>} : memref<640xf32, #tpu.memory_space<vmem>>, vector<16xf32>,
    %swap3A_219 = vector.shape_cast %swap3A_218 : vector<16xf32> to vector<16xf32>
    %swap3A_220 = vector.shape_cast %broadcast_in_dim3A_216 : vector<16xf32> to vector<16xf32>
    tpu.vector_store %arg6[%swap3A_217], %swap3A_220 {strides = array<i32>} : memref<640xf32, #tpu.memory_space<vmem>>, vector<16xf32>,
    %broadcast_in_dim3A_221 = arith.constant 0.000000e+00 : f32
    %broadcast_in_dim3A_222 = vector.broadcast %broadcast_in_dim3A_221 : f32 to vector<16xf32>
    %swap3A_223 = arith.constant 512 : index
    %swap3A_224 = tpu.vector_load %arg6[%swap3A_223] {strides = array<i32>} : memref<640xf32, #tpu.memory_space<vmem>>, vector<16xf32>,
    %swap3A_225 = vector.shape_cast %swap3A_224 : vector<16xf32> to vector<16xf32>
    %swap3A_226 = vector.shape_cast %broadcast_in_dim3A_222 : vector<16xf32> to vector<16xf32>
    tpu.vector_store %arg6[%swap3A_223], %swap3A_226 {strides = array<i32>} : memref<640xf32, #tpu.memory_space<vmem>>, vector<16xf32>,
    %broadcast_in_dim3A_227 = arith.constant 0.000000e+00 : f32
    %broadcast_in_dim3A_228 = vector.broadcast %broadcast_in_dim3A_227 : f32 to vector<16xf32>
    %swap3A_229 = arith.constant 528 : index
    %swap3A_230 = tpu.vector_load %arg6[%swap3A_229] {strides = array<i32>} : memref<640xf32, #tpu.memory_space<vmem>>, vector<16xf32>,
    %swap3A_231 = vector.shape_cast %swap3A_230 : vector<16xf32> to vector<16xf32>
    %swap3A_232 = vector.shape_cast %broadcast_in_dim3A_228 : vector<16xf32> to vector<16xf32>
    tpu.vector_store %arg6[%swap3A_229], %swap3A_232 {strides = array<i32>} : memref<640xf32, #tpu.memory_space<vmem>>, vector<16xf32>,
    %broadcast_in_dim3A_233 = arith.constant 0.000000e+00 : f32
    %broadcast_in_dim3A_234 = vector.broadcast %broadcast_in_dim3A_233 : f32 to vector<16xf32>
    %swap3A_235 = arith.constant 544 : index
    %swap3A_236 = tpu.vector_load %arg6[%swap3A_235] {strides = array<i32>} : memref<640xf32, #tpu.memory_space<vmem>>, vector<16xf32>,
    %swap3A_237 = vector.shape_cast %swap3A_236 : vector<16xf32> to vector<16xf32>
    %swap3A_238 = vector.shape_cast %broadcast_in_dim3A_234 : vector<16xf32> to vector<16xf32>
    tpu.vector_store %arg6[%swap3A_235], %swap3A_238 {strides = array<i32>} : memref<640xf32, #tpu.memory_space<vmem>>, vector<16xf32>,
    %broadcast_in_dim3A_239 = arith.constant 0.000000e+00 : f32
    %broadcast_in_dim3A_240 = vector.broadcast %broadcast_in_dim3A_239 : f32 to vector<16xf32>
    %swap3A_241 = arith.constant 560 : index
    %swap3A_242 = tpu.vector_load %arg6[%swap3A_241] {strides = array<i32>} : memref<640xf32, #tpu.memory_space<vmem>>, vector<16xf32>,
    %swap3A_243 = vector.shape_cast %swap3A_242 : vector<16xf32> to vector<16xf32>
    %swap3A_244 = vector.shape_cast %broadcast_in_dim3A_240 : vector<16xf32> to vector<16xf32>
    tpu.vector_store %arg6[%swap3A_241], %swap3A_244 {strides = array<i32>} : memref<640xf32, #tpu.memory_space<vmem>>, vector<16xf32>,
    %broadcast_in_dim3A_245 = arith.constant 0.000000e+00 : f32
    %broadcast_in_dim3A_246 = vector.broadcast %broadcast_in_dim3A_245 : f32 to vector<16xf32>
    %swap3A_247 = arith.constant 576 : index
    %swap3A_248 = tpu.vector_load %arg6[%swap3A_247] {strides = array<i32>} : memref<640xf32, #tpu.memory_space<vmem>>, vector<16xf32>,
    %swap3A_249 = vector.shape_cast %swap3A_248 : vector<16xf32> to vector<16xf32>
    %swap3A_250 = vector.shape_cast %broadcast_in_dim3A_246 : vector<16xf32> to vector<16xf32>
    tpu.vector_store %arg6[%swap3A_247], %swap3A_250 {strides = array<i32>} : memref<640xf32, #tpu.memory_space<vmem>>, vector<16xf32>,
    %broadcast_in_dim3A_251 = arith.constant 0.000000e+00 : f32
    %broadcast_in_dim3A_252 = vector.broadcast %broadcast_in_dim3A_251 : f32 to vector<16xf32>
    %swap3A_253 = arith.constant 592 : index
    %swap3A_254 = tpu.vector_load %arg6[%swap3A_253] {strides = array<i32>} : memref<640xf32, #tpu.memory_space<vmem>>, vector<16xf32>,
    %swap3A_255 = vector.shape_cast %swap3A_254 : vector<16xf32> to vector<16xf32>
    %swap3A_256 = vector.shape_cast %broadcast_in_dim3A_252 : vector<16xf32> to vector<16xf32>
    tpu.vector_store %arg6[%swap3A_253], %swap3A_256 {strides = array<i32>} : memref<640xf32, #tpu.memory_space<vmem>>, vector<16xf32>,
    %broadcast_in_dim3A_257 = arith.constant 0.000000e+00 : f32
    %broadcast_in_dim3A_258 = vector.broadcast %broadcast_in_dim3A_257 : f32 to vector<16xf32>
    %swap3A_259 = arith.constant 608 : index
    %swap3A_260 = tpu.vector_load %arg6[%swap3A_259] {strides = array<i32>} : memref<640xf32, #tpu.memory_space<vmem>>, vector<16xf32>,
    %swap3A_261 = vector.shape_cast %swap3A_260 : vector<16xf32> to vector<16xf32>
    %swap3A_262 = vector.shape_cast %broadcast_in_dim3A_258 : vector<16xf32> to vector<16xf32>
    tpu.vector_store %arg6[%swap3A_259], %swap3A_262 {strides = array<i32>} : memref<640xf32, #tpu.memory_space<vmem>>, vector<16xf32>,
    %broadcast_in_dim3A_263 = arith.constant 0.000000e+00 : f32
    %broadcast_in_dim3A_264 = vector.broadcast %broadcast_in_dim3A_263 : f32 to vector<16xf32>
    %swap3A_265 = arith.constant 624 : index
    %swap3A_266 = tpu.vector_load %arg6[%swap3A_265] {strides = array<i32>} : memref<640xf32, #tpu.memory_space<vmem>>, vector<16xf32>,
    %swap3A_267 = vector.shape_cast %swap3A_266 : vector<16xf32> to vector<16xf32>
    %swap3A_268 = vector.shape_cast %broadcast_in_dim3A_264 : vector<16xf32> to vector<16xf32>
    tpu.vector_store %arg6[%swap3A_265], %swap3A_268 {strides = array<i32>} : memref<640xf32, #tpu.memory_space<vmem>>, vector<16xf32>,
    %mul3A_269 = arith.constant 640 : i32
    %mul3A_270 = arith.muli %arg1, %mul3A_269 : i32
    "tpu.region"() ({
      %run_scoped3A_294 = tpu.sem_alloc : memref<!tpu.dma_semaphore, #tpu.memory_space<semaphore_mem>>
      %dma_start3A_295 = tpu.memref_slice %arg7[%mul3A_270] : memref<10240xf32, #tpu.memory_space<vmem_shared>> -> memref<640xf32, #tpu.memory_space<vmem_shared>>
      %dma_start3A_296 = tpu.memref_slice %arg7[%mul3A_270] : memref<10240xf32, #tpu.memory_space<vmem_shared>> -> memref<640xf32, #tpu.memory_space<vmem_shared>>
      tpu.enqueue_dma source(%arg6 : memref<640xf32, #tpu.memory_space<vmem>>) target(%dma_start3A_296 : memref<640xf32, #tpu.memory_space<vmem_shared>>) target_semaphore(%run_scoped3A_294 : memref<!tpu.dma_semaphore, #tpu.memory_space<semaphore_mem>>)
      %dma_wait3A_297 = tpu.memref_slice %arg7[%mul3A_270] : memref<10240xf32, #tpu.memory_space<vmem_shared>> -> memref<640xf32, #tpu.memory_space<vmem_shared>>
      %dma_wait3A_298 = tpu.memref_slice %arg7[%mul3A_270] : memref<10240xf32, #tpu.memory_space<vmem_shared>> -> memref<640xf32, #tpu.memory_space<vmem_shared>>
      tpu.wait_dma2 semaphore(%run_scoped3A_294 : memref<!tpu.dma_semaphore, #tpu.memory_space<semaphore_mem>>) src(%arg6 : memref<640xf32, #tpu.memory_space<vmem>>) dst(%dma_wait3A_298 : memref<640xf32, #tpu.memory_space<vmem_shared>>)
      tpu.yield
    }) : () -> ()
    %run_scoped3A = arith.constant 1 : i32
    "tpu.region"() ({
      %run_scoped3A_294 = tpu.sem_alloc : memref<!tpu.dma_semaphore, #tpu.memory_space<semaphore_mem>>
      %dma_start3A_295 = arith.constant 0 : i32
      %dma_start3A_296 = arith.constant 0 : i32
      %dma_start3A_297 = tpu.memref_slice %arg2[%run_scoped3A, %add3A, %dma_start3A_295, %dma_start3A_296] : memref<2x32x125x80xi32, #tpu.memory_space<hbm>> -> memref<1x1x125x80xi32, #tpu.memory_space<hbm>>
      %dma_start3A_298 = tpu.memref_squeeze %dma_start3A_297 : memref<1x1x125x80xi32, #tpu.memory_space<hbm>> -> memref<125x80xi32, #tpu.memory_space<hbm>>
      %dma_start3A_299 = arith.constant 0 : i32
      %dma_start3A_300 = arith.constant 0 : i32
      %dma_start3A_301 = tpu.memref_slice %arg2[%run_scoped3A, %add3A, %dma_start3A_299, %dma_start3A_300] : memref<2x32x125x80xi32, #tpu.memory_space<hbm>> -> memref<1x1x125x80xi32, #tpu.memory_space<hbm>>
      %dma_start3A_302 = tpu.memref_squeeze %dma_start3A_301 : memref<1x1x125x80xi32, #tpu.memory_space<hbm>> -> memref<125x80xi32, #tpu.memory_space<hbm>>
      tpu.enqueue_dma source(%dma_start3A_302 : memref<125x80xi32, #tpu.memory_space<hbm>>) target(%arg4 : memref<125x80xi32, #tpu.memory_space<vmem>>) target_semaphore(%run_scoped3A_294 : memref<!tpu.dma_semaphore, #tpu.memory_space<semaphore_mem>>)
      %dma_wait3A_303 = arith.constant 0 : i32
      %dma_wait3A_304 = arith.constant 0 : i32
      %dma_wait3A_305 = tpu.memref_slice %arg2[%run_scoped3A, %add3A, %dma_wait3A_303, %dma_wait3A_304] : memref<2x32x125x80xi32, #tpu.memory_space<hbm>> -> memref<1x1x125x80xi32, #tpu.memory_space<hbm>>
      %dma_wait3A_306 = tpu.memref_squeeze %dma_wait3A_305 : memref<1x1x125x80xi32, #tpu.memory_space<hbm>> -> memref<125x80xi32, #tpu.memory_space<hbm>>
      %dma_wait3A_307 = arith.constant 0 : i32
      %dma_wait3A_308 = arith.constant 0 : i32
      %dma_wait3A_309 = tpu.memref_slice %arg2[%run_scoped3A, %add3A, %dma_wait3A_307, %dma_wait3A_308] : memref<2x32x125x80xi32, #tpu.memory_space<hbm>> -> memref<1x1x125x80xi32, #tpu.memory_space<hbm>>
      %dma_wait3A_310 = tpu.memref_squeeze %dma_wait3A_309 : memref<1x1x125x80xi32, #tpu.memory_space<hbm>> -> memref<125x80xi32, #tpu.memory_space<hbm>>
      tpu.wait_dma2 semaphore(%run_scoped3A_294 : memref<!tpu.dma_semaphore, #tpu.memory_space<semaphore_mem>>) src(%dma_wait3A_310 : memref<125x80xi32, #tpu.memory_space<hbm>>) dst(%arg4 : memref<125x80xi32, #tpu.memory_space<vmem>>)
      tpu.yield
    }) : () -> ()
    %barrier3A = arith.constant 0 : index
    tpu.barrier barrier_id(%barrier3A)
    %dma_start3A = arith.constant 0 : i32
    %dma_start3A_271 = arith.constant 0 : i32
    %dma_start3A_272 = tpu.memref_slice %arg4[%dma_start3A, %dma_start3A_271] : memref<125x80xi32, #tpu.memory_space<vmem>> -> memref<1x80xi32, #tpu.memory_space<vmem>>
    %dma_start3A_273 = tpu.memref_squeeze %dma_start3A_272 : memref<1x80xi32, #tpu.memory_space<vmem>> -> memref<80xi32, #tpu.memory_space<vmem>>
    %dma_start3A_274 = arith.constant 0 : i32
    %dma_start3A_275 = tpu.memref_slice %arg7[%dma_start3A_274] : memref<10240xf32, #tpu.memory_space<vmem_shared>> -> memref<10240xf32, #tpu.memory_space<vmem_shared>>
    tpu.enqueue_indirect_dma source(%arg5 : memref<80xf32, #tpu.memory_space<vmem>>) target(%dma_start3A_275 : memref<10240xf32, #tpu.memory_space<vmem_shared>>) offsets(%dma_start3A_273 : memref<80xi32, #tpu.memory_space<vmem>>) semaphore(%arg8 : memref<!tpu.dma_semaphore, #tpu.memory_space<semaphore_mem>>) {add = true}
    %scan3A = arith.constant 0 : i32
    %scan3A_276 = arith.constant 0 : i32
    %scan3A_277 = arith.constant 62 : i32
    %scan3A_278 = arith.addi %scan3A_276, %scan3A_277 : i32
    %scan3A_279 = arith.constant 1 : i32
    scf.for %scan3A_294 = %scan3A_276 to %scan3A_278 step %scan3A_279  : i32 {
      %mul3A_295 = arith.constant 2 : i32
      %mul3A_296 = arith.muli %mul3A_295, %scan3A_294 : i32
      %add3A_297 = arith.constant 1 : i32
      %add3A_298 = arith.addi %mul3A_296, %add3A_297 : i32
      %dma_start3A_299 = arith.constant 0 : i32
      %dma_start3A_300 = tpu.memref_slice %arg4[%add3A_298, %dma_start3A_299] : memref<125x80xi32, #tpu.memory_space<vmem>> -> memref<1x80xi32, #tpu.memory_space<vmem>>
      %dma_start3A_301 = tpu.memref_squeeze %dma_start3A_300 : memref<1x80xi32, #tpu.memory_space<vmem>> -> memref<80xi32, #tpu.memory_space<vmem>>
      %dma_start3A_302 = arith.constant 0 : i32
      %dma_start3A_303 = tpu.memref_slice %arg7[%dma_start3A_302] : memref<10240xf32, #tpu.memory_space<vmem_shared>> -> memref<10240xf32, #tpu.memory_space<vmem_shared>>
      tpu.enqueue_indirect_dma source(%arg5 : memref<80xf32, #tpu.memory_space<vmem>>) target(%dma_start3A_303 : memref<10240xf32, #tpu.memory_space<vmem_shared>>) offsets(%dma_start3A_301 : memref<80xi32, #tpu.memory_space<vmem>>) semaphore(%arg9 : memref<!tpu.dma_semaphore, #tpu.memory_space<semaphore_mem>>) {add = true}
      %dma_wait3A_304 = arith.constant 0 : i32
      %dma_wait3A_305 = tpu.memref_slice %arg4[%mul3A_296, %dma_wait3A_304] : memref<125x80xi32, #tpu.memory_space<vmem>> -> memref<1x80xi32, #tpu.memory_space<vmem>>
      %dma_wait3A_306 = tpu.memref_squeeze %dma_wait3A_305 : memref<1x80xi32, #tpu.memory_space<vmem>> -> memref<80xi32, #tpu.memory_space<vmem>>
      %dma_wait3A_307 = arith.constant 0 : i32
      %dma_wait3A_308 = tpu.memref_slice %arg7[%dma_wait3A_307] : memref<10240xf32, #tpu.memory_space<vmem_shared>> -> memref<10240xf32, #tpu.memory_space<vmem_shared>>
      tpu.wait_indirect_dma semaphore(%arg8 : memref<!tpu.dma_semaphore, #tpu.memory_space<semaphore_mem>>) src(%arg5 : memref<80xf32, #tpu.memory_space<vmem>>) dst(%dma_wait3A_308 : memref<10240xf32, #tpu.memory_space<vmem_shared>>)
      %add3A_309 = arith.constant 2 : i32
      %add3A_310 = arith.addi %mul3A_296, %add3A_309 : i32
      %dma_start3A_311 = arith.constant 0 : i32
      %dma_start3A_312 = tpu.memref_slice %arg4[%add3A_310, %dma_start3A_311] : memref<125x80xi32, #tpu.memory_space<vmem>> -> memref<1x80xi32, #tpu.memory_space<vmem>>
      %dma_start3A_313 = tpu.memref_squeeze %dma_start3A_312 : memref<1x80xi32, #tpu.memory_space<vmem>> -> memref<80xi32, #tpu.memory_space<vmem>>
      %dma_start3A_314 = arith.constant 0 : i32
      %dma_start3A_315 = tpu.memref_slice %arg7[%dma_start3A_314] : memref<10240xf32, #tpu.memory_space<vmem_shared>> -> memref<10240xf32, #tpu.memory_space<vmem_shared>>
      tpu.enqueue_indirect_dma source(%arg5 : memref<80xf32, #tpu.memory_space<vmem>>) target(%dma_start3A_315 : memref<10240xf32, #tpu.memory_space<vmem_shared>>) offsets(%dma_start3A_313 : memref<80xi32, #tpu.memory_space<vmem>>) semaphore(%arg8 : memref<!tpu.dma_semaphore, #tpu.memory_space<semaphore_mem>>) {add = true}
      %add3A_316 = arith.constant 1 : i32
      %add3A_317 = arith.addi %mul3A_296, %add3A_316 : i32
      %dma_wait3A_318 = arith.constant 0 : i32
      %dma_wait3A_319 = tpu.memref_slice %arg4[%add3A_317, %dma_wait3A_318] : memref<125x80xi32, #tpu.memory_space<vmem>> -> memref<1x80xi32, #tpu.memory_space<vmem>>
      %dma_wait3A_320 = tpu.memref_squeeze %dma_wait3A_319 : memref<1x80xi32, #tpu.memory_space<vmem>> -> memref<80xi32, #tpu.memory_space<vmem>>
      %dma_wait3A_321 = arith.constant 0 : i32
      %dma_wait3A_322 = tpu.memref_slice %arg7[%dma_wait3A_321] : memref<10240xf32, #tpu.memory_space<vmem_shared>> -> memref<10240xf32, #tpu.memory_space<vmem_shared>>
      tpu.wait_indirect_dma semaphore(%arg9 : memref<!tpu.dma_semaphore, #tpu.memory_space<semaphore_mem>>) src(%arg5 : memref<80xf32, #tpu.memory_space<vmem>>) dst(%dma_wait3A_322 : memref<10240xf32, #tpu.memory_space<vmem_shared>>)
    }
    %scan3A_280 = arith.constant 62 : i32
    %dma_wait3A = arith.constant 124 : i32
    %dma_wait3A_281 = arith.constant 0 : i32
    %dma_wait3A_282 = tpu.memref_slice %arg4[%dma_wait3A, %dma_wait3A_281] : memref<125x80xi32, #tpu.memory_space<vmem>> -> memref<1x80xi32, #tpu.memory_space<vmem>>
    %dma_wait3A_283 = tpu.memref_squeeze %dma_wait3A_282 : memref<1x80xi32, #tpu.memory_space<vmem>> -> memref<80xi32, #tpu.memory_space<vmem>>
    %dma_wait3A_284 = arith.constant 0 : i32
    %dma_wait3A_285 = tpu.memref_slice %arg7[%dma_wait3A_284] : memref<10240xf32, #tpu.memory_space<vmem_shared>> -> memref<10240xf32, #tpu.memory_space<vmem_shared>>
    tpu.wait_indirect_dma semaphore(%arg8 : memref<!tpu.dma_semaphore, #tpu.memory_space<semaphore_mem>>) src(%arg5 : memref<80xf32, #tpu.memory_space<vmem>>) dst(%dma_wait3A_285 : memref<10240xf32, #tpu.memory_space<vmem_shared>>)
    %barrier3A_286 = arith.constant 0 : index
    tpu.barrier barrier_id(%barrier3A_286)
    %mul3A_287 = arith.constant 640 : i32
    %mul3A_288 = arith.muli %arg1, %mul3A_287 : i32
    %mul3A_289 = arith.constant 10240 : i32
    %mul3A_290 = arith.muli %arg0, %mul3A_289 : i32
    %mul3A_291 = arith.constant 640 : i32
    %mul3A_292 = arith.muli %arg1, %mul3A_291 : i32
    %add3A_293 = arith.addi %mul3A_290, %mul3A_292 : i32
    "tpu.region"() ({
      %run_scoped3A_294 = tpu.sem_alloc : memref<!tpu.dma_semaphore, #tpu.memory_space<semaphore_mem>>
      %dma_start3A_295 = tpu.memref_slice %arg3[%add3A_293] : memref<20480xf32, #tpu.memory_space<hbm>> -> memref<640xf32, #tpu.memory_space<hbm>>
      %dma_start3A_296 = tpu.memref_slice %arg7[%mul3A_288] : memref<10240xf32, #tpu.memory_space<vmem_shared>> -> memref<640xf32, #tpu.memory_space<vmem_shared>>
      tpu.enqueue_dma source(%dma_start3A_296 : memref<640xf32, #tpu.memory_space<vmem_shared>>) target(%dma_start3A_295 : memref<640xf32, #tpu.memory_space<hbm>>) target_semaphore(%run_scoped3A_294 : memref<!tpu.dma_semaphore, #tpu.memory_space<semaphore_mem>>)
      %dma_wait3A_297 = tpu.memref_slice %arg3[%add3A_293] : memref<20480xf32, #tpu.memory_space<hbm>> -> memref<640xf32, #tpu.memory_space<hbm>>
      %dma_wait3A_298 = tpu.memref_slice %arg7[%mul3A_288] : memref<10240xf32, #tpu.memory_space<vmem_shared>> -> memref<640xf32, #tpu.memory_space<vmem_shared>>
      tpu.wait_dma2 semaphore(%run_scoped3A_294 : memref<!tpu.dma_semaphore, #tpu.memory_space<semaphore_mem>>) src(%dma_wait3A_298 : memref<640xf32, #tpu.memory_space<vmem_shared>>) dst(%dma_wait3A_297 : memref<640xf32, #tpu.memory_space<hbm>>)
      tpu.yield
    }) : () -> ()
    return
  }
}

#map = affine_map<(d0, d1) -> (0, 0)>
#map1 = affine_map<(d0, d1) -> (0, 0, 0, 0)>
module attributes {stable_mosaic.version = 14 : i64} {
  func.func @agg_kernel(%arg0: i32, %arg1: i32, %arg2: memref<10000x128xf32, #tpu.memory_space<hbm>>, %arg3: memref<2x32x125x80xi32, #tpu.memory_space<hbm>>, %arg4: memref<20000x128xf32, #tpu.memory_space<hbm>>, %arg5: memref<125x80xi32, #tpu.memory_space<vmem>>, %arg6: memref<125x80xi32, #tpu.memory_space<vmem>>, %arg7: memref<80x128xf32, #tpu.memory_space<vmem>>, %arg8: memref<80x128xf32, #tpu.memory_space<vmem>>, %arg9: memref<80x128xf32, #tpu.memory_space<vmem>>, %arg10: memref<10000x128xf32, #tpu.memory_space<vmem_shared>>, %arg11: memref<!tpu.dma_semaphore, #tpu.memory_space<semaphore_mem>>, %arg12: memref<!tpu.dma_semaphore, #tpu.memory_space<semaphore_mem>>, %arg13: memref<!tpu.dma_semaphore, #tpu.memory_space<semaphore_mem>>, %arg14: memref<!tpu.dma_semaphore, #tpu.memory_space<semaphore_mem>>, %arg15: memref<!tpu.dma_semaphore, #tpu.memory_space<semaphore_mem>>, %arg16: memref<!tpu.dma_semaphore, #tpu.memory_space<semaphore_mem>>) attributes {dimension_semantics = [#tpu.dimension_semantics<core_parallel>, #tpu.dimension_semantics<subcore_parallel>], iteration_bounds = array<i64: 2, 16>, scalar_prefetch = 0 : i64, scratch_operands = 12 : i64, tpu.core_type = #tpu.core_type<sc_vector_subcore>, window_params = [{transform_indices = #map}, {transform_indices = #map1}, {transform_indices = #map}]} {
    %mul3A = arith.constant 16 : i32
    %mul3A_0 = arith.muli %arg0, %mul3A : i32
    %add3A = arith.addi %mul3A_0, %arg1 : i32
    %mul3A_1 = arith.constant 632 : i32
    %mul3A_2 = arith.muli %arg1, %mul3A_1 : i32
    %run_scoped3A = arith.constant 0 : i32
    "tpu.region"() ({
      %run_scoped3A_61 = tpu.sem_alloc : memref<!tpu.dma_semaphore, #tpu.memory_space<semaphore_mem>>
      %dma_start3A_62 = arith.constant 0 : i32
      %dma_start3A_63 = arith.constant 0 : i32
      %dma_start3A_64 = tpu.memref_slice %arg3[%run_scoped3A, %add3A, %dma_start3A_62, %dma_start3A_63] : memref<2x32x125x80xi32, #tpu.memory_space<hbm>> -> memref<1x1x125x80xi32, #tpu.memory_space<hbm>>
      %dma_start3A_65 = tpu.memref_squeeze %dma_start3A_64 : memref<1x1x125x80xi32, #tpu.memory_space<hbm>> -> memref<125x80xi32, #tpu.memory_space<hbm>>
      %dma_start3A_66 = arith.constant 0 : i32
      %dma_start3A_67 = arith.constant 0 : i32
      %dma_start3A_68 = tpu.memref_slice %arg3[%run_scoped3A, %add3A, %dma_start3A_66, %dma_start3A_67] : memref<2x32x125x80xi32, #tpu.memory_space<hbm>> -> memref<1x1x125x80xi32, #tpu.memory_space<hbm>>
      %dma_start3A_69 = tpu.memref_squeeze %dma_start3A_68 : memref<1x1x125x80xi32, #tpu.memory_space<hbm>> -> memref<125x80xi32, #tpu.memory_space<hbm>>
      tpu.enqueue_dma source(%dma_start3A_69 : memref<125x80xi32, #tpu.memory_space<hbm>>) target(%arg5 : memref<125x80xi32, #tpu.memory_space<vmem>>) target_semaphore(%run_scoped3A_61 : memref<!tpu.dma_semaphore, #tpu.memory_space<semaphore_mem>>)
      %dma_wait3A_70 = arith.constant 0 : i32
      %dma_wait3A_71 = arith.constant 0 : i32
      %dma_wait3A_72 = tpu.memref_slice %arg3[%run_scoped3A, %add3A, %dma_wait3A_70, %dma_wait3A_71] : memref<2x32x125x80xi32, #tpu.memory_space<hbm>> -> memref<1x1x125x80xi32, #tpu.memory_space<hbm>>
      %dma_wait3A_73 = tpu.memref_squeeze %dma_wait3A_72 : memref<1x1x125x80xi32, #tpu.memory_space<hbm>> -> memref<125x80xi32, #tpu.memory_space<hbm>>
      %dma_wait3A_74 = arith.constant 0 : i32
      %dma_wait3A_75 = arith.constant 0 : i32
      %dma_wait3A_76 = tpu.memref_slice %arg3[%run_scoped3A, %add3A, %dma_wait3A_74, %dma_wait3A_75] : memref<2x32x125x80xi32, #tpu.memory_space<hbm>> -> memref<1x1x125x80xi32, #tpu.memory_space<hbm>>
      %dma_wait3A_77 = tpu.memref_squeeze %dma_wait3A_76 : memref<1x1x125x80xi32, #tpu.memory_space<hbm>> -> memref<125x80xi32, #tpu.memory_space<hbm>>
      tpu.wait_dma2 semaphore(%run_scoped3A_61 : memref<!tpu.dma_semaphore, #tpu.memory_space<semaphore_mem>>) src(%dma_wait3A_77 : memref<125x80xi32, #tpu.memory_space<hbm>>) dst(%arg5 : memref<125x80xi32, #tpu.memory_space<vmem>>)
      tpu.yield
    }) : () -> ()
    %run_scoped3A_3 = arith.constant 1 : i32
    "tpu.region"() ({
      %run_scoped3A_61 = tpu.sem_alloc : memref<!tpu.dma_semaphore, #tpu.memory_space<semaphore_mem>>
      %dma_start3A_62 = arith.constant 0 : i32
      %dma_start3A_63 = arith.constant 0 : i32
      %dma_start3A_64 = tpu.memref_slice %arg3[%run_scoped3A_3, %add3A, %dma_start3A_62, %dma_start3A_63] : memref<2x32x125x80xi32, #tpu.memory_space<hbm>> -> memref<1x1x125x80xi32, #tpu.memory_space<hbm>>
      %dma_start3A_65 = tpu.memref_squeeze %dma_start3A_64 : memref<1x1x125x80xi32, #tpu.memory_space<hbm>> -> memref<125x80xi32, #tpu.memory_space<hbm>>
      %dma_start3A_66 = arith.constant 0 : i32
      %dma_start3A_67 = arith.constant 0 : i32
      %dma_start3A_68 = tpu.memref_slice %arg3[%run_scoped3A_3, %add3A, %dma_start3A_66, %dma_start3A_67] : memref<2x32x125x80xi32, #tpu.memory_space<hbm>> -> memref<1x1x125x80xi32, #tpu.memory_space<hbm>>
      %dma_start3A_69 = tpu.memref_squeeze %dma_start3A_68 : memref<1x1x125x80xi32, #tpu.memory_space<hbm>> -> memref<125x80xi32, #tpu.memory_space<hbm>>
      tpu.enqueue_dma source(%dma_start3A_69 : memref<125x80xi32, #tpu.memory_space<hbm>>) target(%arg6 : memref<125x80xi32, #tpu.memory_space<vmem>>) target_semaphore(%run_scoped3A_61 : memref<!tpu.dma_semaphore, #tpu.memory_space<semaphore_mem>>)
      %dma_wait3A_70 = arith.constant 0 : i32
      %dma_wait3A_71 = arith.constant 0 : i32
      %dma_wait3A_72 = tpu.memref_slice %arg3[%run_scoped3A_3, %add3A, %dma_wait3A_70, %dma_wait3A_71] : memref<2x32x125x80xi32, #tpu.memory_space<hbm>> -> memref<1x1x125x80xi32, #tpu.memory_space<hbm>>
      %dma_wait3A_73 = tpu.memref_squeeze %dma_wait3A_72 : memref<1x1x125x80xi32, #tpu.memory_space<hbm>> -> memref<125x80xi32, #tpu.memory_space<hbm>>
      %dma_wait3A_74 = arith.constant 0 : i32
      %dma_wait3A_75 = arith.constant 0 : i32
      %dma_wait3A_76 = tpu.memref_slice %arg3[%run_scoped3A_3, %add3A, %dma_wait3A_74, %dma_wait3A_75] : memref<2x32x125x80xi32, #tpu.memory_space<hbm>> -> memref<1x1x125x80xi32, #tpu.memory_space<hbm>>
      %dma_wait3A_77 = tpu.memref_squeeze %dma_wait3A_76 : memref<1x1x125x80xi32, #tpu.memory_space<hbm>> -> memref<125x80xi32, #tpu.memory_space<hbm>>
      tpu.wait_dma2 semaphore(%run_scoped3A_61 : memref<!tpu.dma_semaphore, #tpu.memory_space<semaphore_mem>>) src(%dma_wait3A_77 : memref<125x80xi32, #tpu.memory_space<hbm>>) dst(%arg6 : memref<125x80xi32, #tpu.memory_space<vmem>>)
      tpu.yield
    }) : () -> ()
    %dma_start3A = arith.constant 0 : i32
    %dma_start3A_4 = arith.constant 0 : i32
    %dma_start3A_5 = tpu.memref_slice %arg5[%dma_start3A, %dma_start3A_4] : memref<125x80xi32, #tpu.memory_space<vmem>> -> memref<1x80xi32, #tpu.memory_space<vmem>>
    %dma_start3A_6 = tpu.memref_squeeze %dma_start3A_5 : memref<1x80xi32, #tpu.memory_space<vmem>> -> memref<80xi32, #tpu.memory_space<vmem>>
    %dma_start3A_7 = arith.constant 0 : i32
    %dma_start3A_8 = arith.constant 0 : i32
    %dma_start3A_9 = tpu.memref_slice %arg2[%dma_start3A_7, %dma_start3A_8] : memref<10000x128xf32, #tpu.memory_space<hbm>> -> memref<10000x128xf32, #tpu.memory_space<hbm>>
    tpu.enqueue_indirect_dma source(%dma_start3A_9 : memref<10000x128xf32, #tpu.memory_space<hbm>>) target(%arg7 : memref<80x128xf32, #tpu.memory_space<vmem>>) offsets(%dma_start3A_6 : memref<80xi32, #tpu.memory_space<vmem>>) semaphore(%arg11 : memref<!tpu.dma_semaphore, #tpu.memory_space<semaphore_mem>>)
    %dma_start3A_10 = arith.constant 1 : i32
    %dma_start3A_11 = arith.constant 0 : i32
    %dma_start3A_12 = tpu.memref_slice %arg5[%dma_start3A_10, %dma_start3A_11] : memref<125x80xi32, #tpu.memory_space<vmem>> -> memref<1x80xi32, #tpu.memory_space<vmem>>
    %dma_start3A_13 = tpu.memref_squeeze %dma_start3A_12 : memref<1x80xi32, #tpu.memory_space<vmem>> -> memref<80xi32, #tpu.memory_space<vmem>>
    %dma_start3A_14 = arith.constant 0 : i32
    %dma_start3A_15 = arith.constant 0 : i32
    %dma_start3A_16 = tpu.memref_slice %arg2[%dma_start3A_14, %dma_start3A_15] : memref<10000x128xf32, #tpu.memory_space<hbm>> -> memref<10000x128xf32, #tpu.memory_space<hbm>>
    tpu.enqueue_indirect_dma source(%dma_start3A_16 : memref<10000x128xf32, #tpu.memory_space<hbm>>) target(%arg8 : memref<80x128xf32, #tpu.memory_space<vmem>>) offsets(%dma_start3A_13 : memref<80xi32, #tpu.memory_space<vmem>>) semaphore(%arg12 : memref<!tpu.dma_semaphore, #tpu.memory_space<semaphore_mem>>)
    %dma_start3A_17 = arith.constant 2 : i32
    %dma_start3A_18 = arith.constant 0 : i32
    %dma_start3A_19 = tpu.memref_slice %arg5[%dma_start3A_17, %dma_start3A_18] : memref<125x80xi32, #tpu.memory_space<vmem>> -> memref<1x80xi32, #tpu.memory_space<vmem>>
    %dma_start3A_20 = tpu.memref_squeeze %dma_start3A_19 : memref<1x80xi32, #tpu.memory_space<vmem>> -> memref<80xi32, #tpu.memory_space<vmem>>
    %dma_start3A_21 = arith.constant 0 : i32
    %dma_start3A_22 = arith.constant 0 : i32
    %dma_start3A_23 = tpu.memref_slice %arg2[%dma_start3A_21, %dma_start3A_22] : memref<10000x128xf32, #tpu.memory_space<hbm>> -> memref<10000x128xf32, #tpu.memory_space<hbm>>
    tpu.enqueue_indirect_dma source(%dma_start3A_23 : memref<10000x128xf32, #tpu.memory_space<hbm>>) target(%arg9 : memref<80x128xf32, #tpu.memory_space<vmem>>) offsets(%dma_start3A_20 : memref<80xi32, #tpu.memory_space<vmem>>) semaphore(%arg13 : memref<!tpu.dma_semaphore, #tpu.memory_space<semaphore_mem>>)
    %lt3A = arith.constant 15 : i32
    %lt3A_24 = arith.cmpi slt, %arg1, %lt3A : i32
    %convert_element_type3A = arith.extui %lt3A_24 : i1 to i32
    %cond3A = arith.constant 0 : i32
    %cond3A_25 = arith.cmpi ne, %convert_element_type3A, %cond3A : i32
    scf.if %cond3A_25 {
      "tpu.region"() ({
        %run_scoped3A_61 = tpu.sem_alloc : memref<!tpu.dma_semaphore, #tpu.memory_space<semaphore_mem>>
        %dma_start3A_62 = arith.constant 0 : i32
        %dma_start3A_63 = tpu.memref_slice %arg10[%mul3A_2, %dma_start3A_62] : memref<10000x128xf32, #tpu.memory_space<vmem_shared>> -> memref<632x128xf32, #tpu.memory_space<vmem_shared>>
        %dma_start3A_64 = arith.constant 0 : i32
        %dma_start3A_65 = tpu.memref_slice %arg2[%mul3A_2, %dma_start3A_64] : memref<10000x128xf32, #tpu.memory_space<hbm>> -> memref<632x128xf32, #tpu.memory_space<hbm>>
        tpu.enqueue_dma source(%dma_start3A_65 : memref<632x128xf32, #tpu.memory_space<hbm>>) target(%dma_start3A_63 : memref<632x128xf32, #tpu.memory_space<vmem_shared>>) target_semaphore(%run_scoped3A_61 : memref<!tpu.dma_semaphore, #tpu.memory_space<semaphore_mem>>)
        %dma_wait3A_66 = arith.constant 0 : i32
        %dma_wait3A_67 = tpu.memref_slice %arg10[%mul3A_2, %dma_wait3A_66] : memref<10000x128xf32, #tpu.memory_space<vmem_shared>> -> memref<632x128xf32, #tpu.memory_space<vmem_shared>>
        %dma_wait3A_68 = arith.constant 0 : i32
        %dma_wait3A_69 = tpu.memref_slice %arg2[%mul3A_2, %dma_wait3A_68] : memref<10000x128xf32, #tpu.memory_space<hbm>> -> memref<632x128xf32, #tpu.memory_space<hbm>>
        tpu.wait_dma2 semaphore(%run_scoped3A_61 : memref<!tpu.dma_semaphore, #tpu.memory_space<semaphore_mem>>) src(%dma_wait3A_69 : memref<632x128xf32, #tpu.memory_space<hbm>>) dst(%dma_wait3A_67 : memref<632x128xf32, #tpu.memory_space<vmem_shared>>)
        tpu.yield
      }) : () -> ()
    } else {
    }
    %eq3A = arith.constant 15 : i32
    %eq3A_26 = arith.cmpi eq, %arg1, %eq3A : i32
    %convert_element_type3A_27 = arith.extui %eq3A_26 : i1 to i32
    %cond3A_28 = arith.constant 0 : i32
    %cond3A_29 = arith.cmpi ne, %convert_element_type3A_27, %cond3A_28 : i32
    scf.if %cond3A_29 {
      "tpu.region"() ({
        %run_scoped3A_61 = tpu.sem_alloc : memref<!tpu.dma_semaphore, #tpu.memory_space<semaphore_mem>>
        %dma_start3A_62 = arith.constant 9480 : i32
        %dma_start3A_63 = arith.constant 0 : i32
        %dma_start3A_64 = tpu.memref_slice %arg10[%dma_start3A_62, %dma_start3A_63] : memref<10000x128xf32, #tpu.memory_space<vmem_shared>> -> memref<520x128xf32, #tpu.memory_space<vmem_shared>>
        %dma_start3A_65 = arith.constant 9480 : i32
        %dma_start3A_66 = arith.constant 0 : i32
        %dma_start3A_67 = tpu.memref_slice %arg2[%dma_start3A_65, %dma_start3A_66] : memref<10000x128xf32, #tpu.memory_space<hbm>> -> memref<520x128xf32, #tpu.memory_space<hbm>>
        tpu.enqueue_dma source(%dma_start3A_67 : memref<520x128xf32, #tpu.memory_space<hbm>>) target(%dma_start3A_64 : memref<520x128xf32, #tpu.memory_space<vmem_shared>>) target_semaphore(%run_scoped3A_61 : memref<!tpu.dma_semaphore, #tpu.memory_space<semaphore_mem>>)
        %dma_wait3A_68 = arith.constant 9480 : i32
        %dma_wait3A_69 = arith.constant 0 : i32
        %dma_wait3A_70 = tpu.memref_slice %arg10[%dma_wait3A_68, %dma_wait3A_69] : memref<10000x128xf32, #tpu.memory_space<vmem_shared>> -> memref<520x128xf32, #tpu.memory_space<vmem_shared>>
        %dma_wait3A_71 = arith.constant 9480 : i32
        %dma_wait3A_72 = arith.constant 0 : i32
        %dma_wait3A_73 = tpu.memref_slice %arg2[%dma_wait3A_71, %dma_wait3A_72] : memref<10000x128xf32, #tpu.memory_space<hbm>> -> memref<520x128xf32, #tpu.memory_space<hbm>>
        tpu.wait_dma2 semaphore(%run_scoped3A_61 : memref<!tpu.dma_semaphore, #tpu.memory_space<semaphore_mem>>) src(%dma_wait3A_73 : memref<520x128xf32, #tpu.memory_space<hbm>>) dst(%dma_wait3A_70 : memref<520x128xf32, #tpu.memory_space<vmem_shared>>)
        tpu.yield
      }) : () -> ()
    } else {
    }
    %barrier3A = arith.constant 0 : index
    tpu.barrier barrier_id(%barrier3A)
    %scan3A = arith.constant 0 : i32
    %scan3A_30 = arith.constant 0 : i32
    %scan3A_31 = arith.constant 41 : i32
    %scan3A_32 = arith.addi %scan3A_30, %scan3A_31 : i32
    %scan3A_33 = arith.constant 1 : i32
    scf.for %scan3A_61 = %scan3A_30 to %scan3A_32 step %scan3A_33  : i32 {
      %mul3A_62 = arith.constant 3 : i32
      %mul3A_63 = arith.muli %mul3A_62, %scan3A_61 : i32
      %add3A_64 = arith.constant 0 : i32
      %add3A_65 = arith.addi %mul3A_63, %add3A_64 : i32
      %dma_wait3A_66 = arith.constant 0 : i32
      %dma_wait3A_67 = tpu.memref_slice %arg5[%add3A_65, %dma_wait3A_66] : memref<125x80xi32, #tpu.memory_space<vmem>> -> memref<1x80xi32, #tpu.memory_space<vmem>>
      %dma_wait3A_68 = tpu.memref_squeeze %dma_wait3A_67 : memref<1x80xi32, #tpu.memory_space<vmem>> -> memref<80xi32, #tpu.memory_space<vmem>>
      %dma_wait3A_69 = arith.constant 0 : i32
      %dma_wait3A_70 = arith.constant 0 : i32
      %dma_wait3A_71 = tpu.memref_slice %arg2[%dma_wait3A_69, %dma_wait3A_70] : memref<10000x128xf32, #tpu.memory_space<hbm>> -> memref<10000x128xf32, #tpu.memory_space<hbm>>
      tpu.wait_indirect_dma semaphore(%arg11 : memref<!tpu.dma_semaphore, #tpu.memory_space<semaphore_mem>>) src(%dma_wait3A_71 : memref<10000x128xf32, #tpu.memory_space<hbm>>) dst(%arg7 : memref<80x128xf32, #tpu.memory_space<vmem>>)
      %add3A_72 = arith.constant 0 : i32
      %add3A_73 = arith.addi %mul3A_63, %add3A_72 : i32
      %dma_start3A_74 = arith.constant 0 : i32
      %dma_start3A_75 = tpu.memref_slice %arg6[%add3A_73, %dma_start3A_74] : memref<125x80xi32, #tpu.memory_space<vmem>> -> memref<1x80xi32, #tpu.memory_space<vmem>>
      %dma_start3A_76 = tpu.memref_squeeze %dma_start3A_75 : memref<1x80xi32, #tpu.memory_space<vmem>> -> memref<80xi32, #tpu.memory_space<vmem>>
      %dma_start3A_77 = arith.constant 0 : i32
      %dma_start3A_78 = arith.constant 0 : i32
      %dma_start3A_79 = tpu.memref_slice %arg10[%dma_start3A_77, %dma_start3A_78] : memref<10000x128xf32, #tpu.memory_space<vmem_shared>> -> memref<10000x128xf32, #tpu.memory_space<vmem_shared>>
      tpu.enqueue_indirect_dma source(%arg7 : memref<80x128xf32, #tpu.memory_space<vmem>>) target(%dma_start3A_79 : memref<10000x128xf32, #tpu.memory_space<vmem_shared>>) offsets(%dma_start3A_76 : memref<80xi32, #tpu.memory_space<vmem>>) semaphore(%arg14 : memref<!tpu.dma_semaphore, #tpu.memory_space<semaphore_mem>>) {add = true}
      %add3A_80 = arith.constant 1 : i32
      %add3A_81 = arith.addi %mul3A_63, %add3A_80 : i32
      %dma_wait3A_82 = arith.constant 0 : i32
      %dma_wait3A_83 = tpu.memref_slice %arg5[%add3A_81, %dma_wait3A_82] : memref<125x80xi32, #tpu.memory_space<vmem>> -> memref<1x80xi32, #tpu.memory_space<vmem>>
      %dma_wait3A_84 = tpu.memref_squeeze %dma_wait3A_83 : memref<1x80xi32, #tpu.memory_space<vmem>> -> memref<80xi32, #tpu.memory_space<vmem>>
      %dma_wait3A_85 = arith.constant 0 : i32
      %dma_wait3A_86 = arith.constant 0 : i32
      %dma_wait3A_87 = tpu.memref_slice %arg2[%dma_wait3A_85, %dma_wait3A_86] : memref<10000x128xf32, #tpu.memory_space<hbm>> -> memref<10000x128xf32, #tpu.memory_space<hbm>>
      tpu.wait_indirect_dma semaphore(%arg12 : memref<!tpu.dma_semaphore, #tpu.memory_space<semaphore_mem>>) src(%dma_wait3A_87 : memref<10000x128xf32, #tpu.memory_space<hbm>>) dst(%arg8 : memref<80x128xf32, #tpu.memory_space<vmem>>)
      %add3A_88 = arith.constant 1 : i32
      %add3A_89 = arith.addi %mul3A_63, %add3A_88 : i32
      %dma_start3A_90 = arith.constant 0 : i32
      %dma_start3A_91 = tpu.memref_slice %arg6[%add3A_89, %dma_start3A_90] : memref<125x80xi32, #tpu.memory_space<vmem>> -> memref<1x80xi32, #tpu.memory_space<vmem>>
      %dma_start3A_92 = tpu.memref_squeeze %dma_start3A_91 : memref<1x80xi32, #tpu.memory_space<vmem>> -> memref<80xi32, #tpu.memory_space<vmem>>
      %dma_start3A_93 = arith.constant 0 : i32
      %dma_start3A_94 = arith.constant 0 : i32
      %dma_start3A_95 = tpu.memref_slice %arg10[%dma_start3A_93, %dma_start3A_94] : memref<10000x128xf32, #tpu.memory_space<vmem_shared>> -> memref<10000x128xf32, #tpu.memory_space<vmem_shared>>
      tpu.enqueue_indirect_dma source(%arg8 : memref<80x128xf32, #tpu.memory_space<vmem>>) target(%dma_start3A_95 : memref<10000x128xf32, #tpu.memory_space<vmem_shared>>) offsets(%dma_start3A_92 : memref<80xi32, #tpu.memory_space<vmem>>) semaphore(%arg15 : memref<!tpu.dma_semaphore, #tpu.memory_space<semaphore_mem>>) {add = true}
      %add3A_96 = arith.constant 2 : i32
      %add3A_97 = arith.addi %mul3A_63, %add3A_96 : i32
      %dma_wait3A_98 = arith.constant 0 : i32
      %dma_wait3A_99 = tpu.memref_slice %arg5[%add3A_97, %dma_wait3A_98] : memref<125x80xi32, #tpu.memory_space<vmem>> -> memref<1x80xi32, #tpu.memory_space<vmem>>
      %dma_wait3A_100 = tpu.memref_squeeze %dma_wait3A_99 : memref<1x80xi32, #tpu.memory_space<vmem>> -> memref<80xi32, #tpu.memory_space<vmem>>
      %dma_wait3A_101 = arith.constant 0 : i32
      %dma_wait3A_102 = arith.constant 0 : i32
      %dma_wait3A_103 = tpu.memref_slice %arg2[%dma_wait3A_101, %dma_wait3A_102] : memref<10000x128xf32, #tpu.memory_space<hbm>> -> memref<10000x128xf32, #tpu.memory_space<hbm>>
      tpu.wait_indirect_dma semaphore(%arg13 : memref<!tpu.dma_semaphore, #tpu.memory_space<semaphore_mem>>) src(%dma_wait3A_103 : memref<10000x128xf32, #tpu.memory_space<hbm>>) dst(%arg9 : memref<80x128xf32, #tpu.memory_space<vmem>>)
      %add3A_104 = arith.constant 2 : i32
      %add3A_105 = arith.addi %mul3A_63, %add3A_104 : i32
      %dma_start3A_106 = arith.constant 0 : i32
      %dma_start3A_107 = tpu.memref_slice %arg6[%add3A_105, %dma_start3A_106] : memref<125x80xi32, #tpu.memory_space<vmem>> -> memref<1x80xi32, #tpu.memory_space<vmem>>
      %dma_start3A_108 = tpu.memref_squeeze %dma_start3A_107 : memref<1x80xi32, #tpu.memory_space<vmem>> -> memref<80xi32, #tpu.memory_space<vmem>>
      %dma_start3A_109 = arith.constant 0 : i32
      %dma_start3A_110 = arith.constant 0 : i32
      %dma_start3A_111 = tpu.memref_slice %arg10[%dma_start3A_109, %dma_start3A_110] : memref<10000x128xf32, #tpu.memory_space<vmem_shared>> -> memref<10000x128xf32, #tpu.memory_space<vmem_shared>>
      tpu.enqueue_indirect_dma source(%arg9 : memref<80x128xf32, #tpu.memory_space<vmem>>) target(%dma_start3A_111 : memref<10000x128xf32, #tpu.memory_space<vmem_shared>>) offsets(%dma_start3A_108 : memref<80xi32, #tpu.memory_space<vmem>>) semaphore(%arg16 : memref<!tpu.dma_semaphore, #tpu.memory_space<semaphore_mem>>) {add = true}
      %add3A_112 = arith.constant 0 : i32
      %add3A_113 = arith.addi %mul3A_63, %add3A_112 : i32
      %dma_wait3A_114 = arith.constant 0 : i32
      %dma_wait3A_115 = tpu.memref_slice %arg6[%add3A_113, %dma_wait3A_114] : memref<125x80xi32, #tpu.memory_space<vmem>> -> memref<1x80xi32, #tpu.memory_space<vmem>>
      %dma_wait3A_116 = tpu.memref_squeeze %dma_wait3A_115 : memref<1x80xi32, #tpu.memory_space<vmem>> -> memref<80xi32, #tpu.memory_space<vmem>>
      %dma_wait3A_117 = arith.constant 0 : i32
      %dma_wait3A_118 = arith.constant 0 : i32
      %dma_wait3A_119 = tpu.memref_slice %arg10[%dma_wait3A_117, %dma_wait3A_118] : memref<10000x128xf32, #tpu.memory_space<vmem_shared>> -> memref<10000x128xf32, #tpu.memory_space<vmem_shared>>
      tpu.wait_indirect_dma semaphore(%arg14 : memref<!tpu.dma_semaphore, #tpu.memory_space<semaphore_mem>>) src(%arg7 : memref<80x128xf32, #tpu.memory_space<vmem>>) dst(%dma_wait3A_119 : memref<10000x128xf32, #tpu.memory_space<vmem_shared>>)
      %add3A_120 = arith.constant 3 : i32
      %add3A_121 = arith.addi %mul3A_63, %add3A_120 : i32
      %add3A_122 = arith.constant 0 : i32
      %add3A_123 = arith.addi %add3A_121, %add3A_122 : i32
      %dma_start3A_124 = arith.constant 0 : i32
      %dma_start3A_125 = tpu.memref_slice %arg5[%add3A_123, %dma_start3A_124] : memref<125x80xi32, #tpu.memory_space<vmem>> -> memref<1x80xi32, #tpu.memory_space<vmem>>
      %dma_start3A_126 = tpu.memref_squeeze %dma_start3A_125 : memref<1x80xi32, #tpu.memory_space<vmem>> -> memref<80xi32, #tpu.memory_space<vmem>>
      %dma_start3A_127 = arith.constant 0 : i32
      %dma_start3A_128 = arith.constant 0 : i32
      %dma_start3A_129 = tpu.memref_slice %arg2[%dma_start3A_127, %dma_start3A_128] : memref<10000x128xf32, #tpu.memory_space<hbm>> -> memref<10000x128xf32, #tpu.memory_space<hbm>>
      tpu.enqueue_indirect_dma source(%dma_start3A_129 : memref<10000x128xf32, #tpu.memory_space<hbm>>) target(%arg7 : memref<80x128xf32, #tpu.memory_space<vmem>>) offsets(%dma_start3A_126 : memref<80xi32, #tpu.memory_space<vmem>>) semaphore(%arg11 : memref<!tpu.dma_semaphore, #tpu.memory_space<semaphore_mem>>)
      %add3A_130 = arith.constant 1 : i32
      %add3A_131 = arith.addi %mul3A_63, %add3A_130 : i32
      %dma_wait3A_132 = arith.constant 0 : i32
      %dma_wait3A_133 = tpu.memref_slice %arg6[%add3A_131, %dma_wait3A_132] : memref<125x80xi32, #tpu.memory_space<vmem>> -> memref<1x80xi32, #tpu.memory_space<vmem>>
      %dma_wait3A_134 = tpu.memref_squeeze %dma_wait3A_133 : memref<1x80xi32, #tpu.memory_space<vmem>> -> memref<80xi32, #tpu.memory_space<vmem>>
      %dma_wait3A_135 = arith.constant 0 : i32
      %dma_wait3A_136 = arith.constant 0 : i32
      %dma_wait3A_137 = tpu.memref_slice %arg10[%dma_wait3A_135, %dma_wait3A_136] : memref<10000x128xf32, #tpu.memory_space<vmem_shared>> -> memref<10000x128xf32, #tpu.memory_space<vmem_shared>>
      tpu.wait_indirect_dma semaphore(%arg15 : memref<!tpu.dma_semaphore, #tpu.memory_space<semaphore_mem>>) src(%arg8 : memref<80x128xf32, #tpu.memory_space<vmem>>) dst(%dma_wait3A_137 : memref<10000x128xf32, #tpu.memory_space<vmem_shared>>)
      %add3A_138 = arith.constant 3 : i32
      %add3A_139 = arith.addi %mul3A_63, %add3A_138 : i32
      %add3A_140 = arith.constant 1 : i32
      %add3A_141 = arith.addi %add3A_139, %add3A_140 : i32
      %dma_start3A_142 = arith.constant 0 : i32
      %dma_start3A_143 = tpu.memref_slice %arg5[%add3A_141, %dma_start3A_142] : memref<125x80xi32, #tpu.memory_space<vmem>> -> memref<1x80xi32, #tpu.memory_space<vmem>>
      %dma_start3A_144 = tpu.memref_squeeze %dma_start3A_143 : memref<1x80xi32, #tpu.memory_space<vmem>> -> memref<80xi32, #tpu.memory_space<vmem>>
      %dma_start3A_145 = arith.constant 0 : i32
      %dma_start3A_146 = arith.constant 0 : i32
      %dma_start3A_147 = tpu.memref_slice %arg2[%dma_start3A_145, %dma_start3A_146] : memref<10000x128xf32, #tpu.memory_space<hbm>> -> memref<10000x128xf32, #tpu.memory_space<hbm>>
      tpu.enqueue_indirect_dma source(%dma_start3A_147 : memref<10000x128xf32, #tpu.memory_space<hbm>>) target(%arg8 : memref<80x128xf32, #tpu.memory_space<vmem>>) offsets(%dma_start3A_144 : memref<80xi32, #tpu.memory_space<vmem>>) semaphore(%arg12 : memref<!tpu.dma_semaphore, #tpu.memory_space<semaphore_mem>>)
      %add3A_148 = arith.constant 2 : i32
      %add3A_149 = arith.addi %mul3A_63, %add3A_148 : i32
      %dma_wait3A_150 = arith.constant 0 : i32
      %dma_wait3A_151 = tpu.memref_slice %arg6[%add3A_149, %dma_wait3A_150] : memref<125x80xi32, #tpu.memory_space<vmem>> -> memref<1x80xi32, #tpu.memory_space<vmem>>
      %dma_wait3A_152 = tpu.memref_squeeze %dma_wait3A_151 : memref<1x80xi32, #tpu.memory_space<vmem>> -> memref<80xi32, #tpu.memory_space<vmem>>
      %dma_wait3A_153 = arith.constant 0 : i32
      %dma_wait3A_154 = arith.constant 0 : i32
      %dma_wait3A_155 = tpu.memref_slice %arg10[%dma_wait3A_153, %dma_wait3A_154] : memref<10000x128xf32, #tpu.memory_space<vmem_shared>> -> memref<10000x128xf32, #tpu.memory_space<vmem_shared>>
      tpu.wait_indirect_dma semaphore(%arg16 : memref<!tpu.dma_semaphore, #tpu.memory_space<semaphore_mem>>) src(%arg9 : memref<80x128xf32, #tpu.memory_space<vmem>>) dst(%dma_wait3A_155 : memref<10000x128xf32, #tpu.memory_space<vmem_shared>>)
      %lt3A_156 = arith.constant 40 : i32
      %lt3A_157 = arith.cmpi slt, %scan3A_61, %lt3A_156 : i32
      %convert_element_type3A_158 = arith.extui %lt3A_157 : i1 to i32
      %cond3A_159 = arith.constant 0 : i32
      %cond3A_160 = arith.cmpi ne, %convert_element_type3A_158, %cond3A_159 : i32
      scf.if %cond3A_160 {
        %add3A_161 = arith.constant 3 : i32
        %add3A_162 = arith.addi %mul3A_63, %add3A_161 : i32
        %add3A_163 = arith.constant 2 : i32
        %add3A_164 = arith.addi %add3A_162, %add3A_163 : i32
        %dma_start3A_165 = arith.constant 0 : i32
        %dma_start3A_166 = tpu.memref_slice %arg5[%add3A_164, %dma_start3A_165] : memref<125x80xi32, #tpu.memory_space<vmem>> -> memref<1x80xi32, #tpu.memory_space<vmem>>
        %dma_start3A_167 = tpu.memref_squeeze %dma_start3A_166 : memref<1x80xi32, #tpu.memory_space<vmem>> -> memref<80xi32, #tpu.memory_space<vmem>>
        %dma_start3A_168 = arith.constant 0 : i32
        %dma_start3A_169 = arith.constant 0 : i32
        %dma_start3A_170 = tpu.memref_slice %arg2[%dma_start3A_168, %dma_start3A_169] : memref<10000x128xf32, #tpu.memory_space<hbm>> -> memref<10000x128xf32, #tpu.memory_space<hbm>>
        tpu.enqueue_indirect_dma source(%dma_start3A_170 : memref<10000x128xf32, #tpu.memory_space<hbm>>) target(%arg9 : memref<80x128xf32, #tpu.memory_space<vmem>>) offsets(%dma_start3A_167 : memref<80xi32, #tpu.memory_space<vmem>>) semaphore(%arg13 : memref<!tpu.dma_semaphore, #tpu.memory_space<semaphore_mem>>)
      } else {
      }
    }
    %scan3A_34 = arith.constant 41 : i32
    %dma_wait3A = arith.constant 123 : i32
    %dma_wait3A_35 = arith.constant 0 : i32
    %dma_wait3A_36 = tpu.memref_slice %arg5[%dma_wait3A, %dma_wait3A_35] : memref<125x80xi32, #tpu.memory_space<vmem>> -> memref<1x80xi32, #tpu.memory_space<vmem>>
    %dma_wait3A_37 = tpu.memref_squeeze %dma_wait3A_36 : memref<1x80xi32, #tpu.memory_space<vmem>> -> memref<80xi32, #tpu.memory_space<vmem>>
    %dma_wait3A_38 = arith.constant 0 : i32
    %dma_wait3A_39 = arith.constant 0 : i32
    %dma_wait3A_40 = tpu.memref_slice %arg2[%dma_wait3A_38, %dma_wait3A_39] : memref<10000x128xf32, #tpu.memory_space<hbm>> -> memref<10000x128xf32, #tpu.memory_space<hbm>>
    tpu.wait_indirect_dma semaphore(%arg11 : memref<!tpu.dma_semaphore, #tpu.memory_space<semaphore_mem>>) src(%dma_wait3A_40 : memref<10000x128xf32, #tpu.memory_space<hbm>>) dst(%arg7 : memref<80x128xf32, #tpu.memory_space<vmem>>)
    %run_scoped3A_41 = arith.constant 123 : i32
    "tpu.region"() ({
      %run_scoped3A_61 = tpu.sem_alloc : memref<!tpu.dma_semaphore, #tpu.memory_space<semaphore_mem>>
      %dma_start3A_62 = arith.constant 0 : i32
      %dma_start3A_63 = tpu.memref_slice %arg6[%run_scoped3A_41, %dma_start3A_62] : memref<125x80xi32, #tpu.memory_space<vmem>> -> memref<1x80xi32, #tpu.memory_space<vmem>>
      %dma_start3A_64 = tpu.memref_squeeze %dma_start3A_63 : memref<1x80xi32, #tpu.memory_space<vmem>> -> memref<80xi32, #tpu.memory_space<vmem>>
      %dma_start3A_65 = arith.constant 0 : i32
      %dma_start3A_66 = arith.constant 0 : i32
      %dma_start3A_67 = tpu.memref_slice %arg10[%dma_start3A_65, %dma_start3A_66] : memref<10000x128xf32, #tpu.memory_space<vmem_shared>> -> memref<10000x128xf32, #tpu.memory_space<vmem_shared>>
      tpu.enqueue_indirect_dma source(%arg7 : memref<80x128xf32, #tpu.memory_space<vmem>>) target(%dma_start3A_67 : memref<10000x128xf32, #tpu.memory_space<vmem_shared>>) offsets(%dma_start3A_64 : memref<80xi32, #tpu.memory_space<vmem>>) semaphore(%run_scoped3A_61 : memref<!tpu.dma_semaphore, #tpu.memory_space<semaphore_mem>>) {add = true}
      %dma_wait3A_68 = arith.constant 0 : i32
      %dma_wait3A_69 = tpu.memref_slice %arg6[%run_scoped3A_41, %dma_wait3A_68] : memref<125x80xi32, #tpu.memory_space<vmem>> -> memref<1x80xi32, #tpu.memory_space<vmem>>
      %dma_wait3A_70 = tpu.memref_squeeze %dma_wait3A_69 : memref<1x80xi32, #tpu.memory_space<vmem>> -> memref<80xi32, #tpu.memory_space<vmem>>
      %dma_wait3A_71 = arith.constant 0 : i32
      %dma_wait3A_72 = arith.constant 0 : i32
      %dma_wait3A_73 = tpu.memref_slice %arg10[%dma_wait3A_71, %dma_wait3A_72] : memref<10000x128xf32, #tpu.memory_space<vmem_shared>> -> memref<10000x128xf32, #tpu.memory_space<vmem_shared>>
      tpu.wait_indirect_dma semaphore(%run_scoped3A_61 : memref<!tpu.dma_semaphore, #tpu.memory_space<semaphore_mem>>) src(%arg7 : memref<80x128xf32, #tpu.memory_space<vmem>>) dst(%dma_wait3A_73 : memref<10000x128xf32, #tpu.memory_space<vmem_shared>>)
      tpu.yield
    }) : () -> ()
    %dma_wait3A_42 = arith.constant 124 : i32
    %dma_wait3A_43 = arith.constant 0 : i32
    %dma_wait3A_44 = tpu.memref_slice %arg5[%dma_wait3A_42, %dma_wait3A_43] : memref<125x80xi32, #tpu.memory_space<vmem>> -> memref<1x80xi32, #tpu.memory_space<vmem>>
    %dma_wait3A_45 = tpu.memref_squeeze %dma_wait3A_44 : memref<1x80xi32, #tpu.memory_space<vmem>> -> memref<80xi32, #tpu.memory_space<vmem>>
    %dma_wait3A_46 = arith.constant 0 : i32
    %dma_wait3A_47 = arith.constant 0 : i32
    %dma_wait3A_48 = tpu.memref_slice %arg2[%dma_wait3A_46, %dma_wait3A_47] : memref<10000x128xf32, #tpu.memory_space<hbm>> -> memref<10000x128xf32, #tpu.memory_space<hbm>>
    tpu.wait_indirect_dma semaphore(%arg12 : memref<!tpu.dma_semaphore, #tpu.memory_space<semaphore_mem>>) src(%dma_wait3A_48 : memref<10000x128xf32, #tpu.memory_space<hbm>>) dst(%arg8 : memref<80x128xf32, #tpu.memory_space<vmem>>)
    %run_scoped3A_49 = arith.constant 124 : i32
    "tpu.region"() ({
      %run_scoped3A_61 = tpu.sem_alloc : memref<!tpu.dma_semaphore, #tpu.memory_space<semaphore_mem>>
      %dma_start3A_62 = arith.constant 0 : i32
      %dma_start3A_63 = tpu.memref_slice %arg6[%run_scoped3A_49, %dma_start3A_62] : memref<125x80xi32, #tpu.memory_space<vmem>> -> memref<1x80xi32, #tpu.memory_space<vmem>>
      %dma_start3A_64 = tpu.memref_squeeze %dma_start3A_63 : memref<1x80xi32, #tpu.memory_space<vmem>> -> memref<80xi32, #tpu.memory_space<vmem>>
      %dma_start3A_65 = arith.constant 0 : i32
      %dma_start3A_66 = arith.constant 0 : i32
      %dma_start3A_67 = tpu.memref_slice %arg10[%dma_start3A_65, %dma_start3A_66] : memref<10000x128xf32, #tpu.memory_space<vmem_shared>> -> memref<10000x128xf32, #tpu.memory_space<vmem_shared>>
      tpu.enqueue_indirect_dma source(%arg8 : memref<80x128xf32, #tpu.memory_space<vmem>>) target(%dma_start3A_67 : memref<10000x128xf32, #tpu.memory_space<vmem_shared>>) offsets(%dma_start3A_64 : memref<80xi32, #tpu.memory_space<vmem>>) semaphore(%run_scoped3A_61 : memref<!tpu.dma_semaphore, #tpu.memory_space<semaphore_mem>>) {add = true}
      %dma_wait3A_68 = arith.constant 0 : i32
      %dma_wait3A_69 = tpu.memref_slice %arg6[%run_scoped3A_49, %dma_wait3A_68] : memref<125x80xi32, #tpu.memory_space<vmem>> -> memref<1x80xi32, #tpu.memory_space<vmem>>
      %dma_wait3A_70 = tpu.memref_squeeze %dma_wait3A_69 : memref<1x80xi32, #tpu.memory_space<vmem>> -> memref<80xi32, #tpu.memory_space<vmem>>
      %dma_wait3A_71 = arith.constant 0 : i32
      %dma_wait3A_72 = arith.constant 0 : i32
      %dma_wait3A_73 = tpu.memref_slice %arg10[%dma_wait3A_71, %dma_wait3A_72] : memref<10000x128xf32, #tpu.memory_space<vmem_shared>> -> memref<10000x128xf32, #tpu.memory_space<vmem_shared>>
      tpu.wait_indirect_dma semaphore(%run_scoped3A_61 : memref<!tpu.dma_semaphore, #tpu.memory_space<semaphore_mem>>) src(%arg8 : memref<80x128xf32, #tpu.memory_space<vmem>>) dst(%dma_wait3A_73 : memref<10000x128xf32, #tpu.memory_space<vmem_shared>>)
      tpu.yield
    }) : () -> ()
    %barrier3A_50 = arith.constant 0 : index
    tpu.barrier barrier_id(%barrier3A_50)
    %lt3A_51 = arith.constant 15 : i32
    %lt3A_52 = arith.cmpi slt, %arg1, %lt3A_51 : i32
    %convert_element_type3A_53 = arith.extui %lt3A_52 : i1 to i32
    %cond3A_54 = arith.constant 0 : i32
    %cond3A_55 = arith.cmpi ne, %convert_element_type3A_53, %cond3A_54 : i32
    scf.if %cond3A_55 {
      %mul3A_61 = arith.constant 10000 : i32
      %mul3A_62 = arith.muli %arg0, %mul3A_61 : i32
      %add3A_63 = arith.addi %mul3A_62, %mul3A_2 : i32
      "tpu.region"() ({
        %run_scoped3A_64 = tpu.sem_alloc : memref<!tpu.dma_semaphore, #tpu.memory_space<semaphore_mem>>
        %dma_start3A_65 = arith.constant 0 : i32
        %dma_start3A_66 = tpu.memref_slice %arg4[%add3A_63, %dma_start3A_65] : memref<20000x128xf32, #tpu.memory_space<hbm>> -> memref<632x128xf32, #tpu.memory_space<hbm>>
        %dma_start3A_67 = arith.constant 0 : i32
        %dma_start3A_68 = tpu.memref_slice %arg10[%mul3A_2, %dma_start3A_67] : memref<10000x128xf32, #tpu.memory_space<vmem_shared>> -> memref<632x128xf32, #tpu.memory_space<vmem_shared>>
        tpu.enqueue_dma source(%dma_start3A_68 : memref<632x128xf32, #tpu.memory_space<vmem_shared>>) target(%dma_start3A_66 : memref<632x128xf32, #tpu.memory_space<hbm>>) target_semaphore(%run_scoped3A_64 : memref<!tpu.dma_semaphore, #tpu.memory_space<semaphore_mem>>)
        %dma_wait3A_69 = arith.constant 0 : i32
        %dma_wait3A_70 = tpu.memref_slice %arg4[%add3A_63, %dma_wait3A_69] : memref<20000x128xf32, #tpu.memory_space<hbm>> -> memref<632x128xf32, #tpu.memory_space<hbm>>
        %dma_wait3A_71 = arith.constant 0 : i32
        %dma_wait3A_72 = tpu.memref_slice %arg10[%mul3A_2, %dma_wait3A_71] : memref<10000x128xf32, #tpu.memory_space<vmem_shared>> -> memref<632x128xf32, #tpu.memory_space<vmem_shared>>
        tpu.wait_dma2 semaphore(%run_scoped3A_64 : memref<!tpu.dma_semaphore, #tpu.memory_space<semaphore_mem>>) src(%dma_wait3A_72 : memref<632x128xf32, #tpu.memory_space<vmem_shared>>) dst(%dma_wait3A_70 : memref<632x128xf32, #tpu.memory_space<hbm>>)
        tpu.yield
      }) : () -> ()
    } else {
    }
    %eq3A_56 = arith.constant 15 : i32
    %eq3A_57 = arith.cmpi eq, %arg1, %eq3A_56 : i32
    %convert_element_type3A_58 = arith.extui %eq3A_57 : i1 to i32
    %cond3A_59 = arith.constant 0 : i32
    %cond3A_60 = arith.cmpi ne, %convert_element_type3A_58, %cond3A_59 : i32
    scf.if %cond3A_60 {
      %mul3A_61 = arith.constant 10000 : i32
      %mul3A_62 = arith.muli %arg0, %mul3A_61 : i32
      %add3A_63 = arith.constant 9480 : i32
      %add3A_64 = arith.addi %mul3A_62, %add3A_63 : i32
      "tpu.region"() ({
        %run_scoped3A_65 = tpu.sem_alloc : memref<!tpu.dma_semaphore, #tpu.memory_space<semaphore_mem>>
        %dma_start3A_66 = arith.constant 0 : i32
        %dma_start3A_67 = tpu.memref_slice %arg4[%add3A_64, %dma_start3A_66] : memref<20000x128xf32, #tpu.memory_space<hbm>> -> memref<520x128xf32, #tpu.memory_space<hbm>>
        %dma_start3A_68 = arith.constant 9480 : i32
        %dma_start3A_69 = arith.constant 0 : i32
        %dma_start3A_70 = tpu.memref_slice %arg10[%dma_start3A_68, %dma_start3A_69] : memref<10000x128xf32, #tpu.memory_space<vmem_shared>> -> memref<520x128xf32, #tpu.memory_space<vmem_shared>>
        tpu.enqueue_dma source(%dma_start3A_70 : memref<520x128xf32, #tpu.memory_space<vmem_shared>>) target(%dma_start3A_67 : memref<520x128xf32, #tpu.memory_space<hbm>>) target_semaphore(%run_scoped3A_65 : memref<!tpu.dma_semaphore, #tpu.memory_space<semaphore_mem>>)
        %dma_wait3A_71 = arith.constant 0 : i32
        %dma_wait3A_72 = tpu.memref_slice %arg4[%add3A_64, %dma_wait3A_71] : memref<20000x128xf32, #tpu.memory_space<hbm>> -> memref<520x128xf32, #tpu.memory_space<hbm>>
        %dma_wait3A_73 = arith.constant 9480 : i32
        %dma_wait3A_74 = arith.constant 0 : i32
        %dma_wait3A_75 = tpu.memref_slice %arg10[%dma_wait3A_73, %dma_wait3A_74] : memref<10000x128xf32, #tpu.memory_space<vmem_shared>> -> memref<520x128xf32, #tpu.memory_space<vmem_shared>>
        tpu.wait_dma2 semaphore(%run_scoped3A_65 : memref<!tpu.dma_semaphore, #tpu.memory_space<semaphore_mem>>) src(%dma_wait3A_75 : memref<520x128xf32, #tpu.memory_space<vmem_shared>>) dst(%dma_wait3A_72 : memref<520x128xf32, #tpu.memory_space<hbm>>)
        tpu.yield
      }) : () -> ()
    } else {
    }
    return
  }
}

module attributes {stable_mosaic.version = 14 : i64} {
  func.func @body(%arg0: i32, %arg1: memref<2000x2xf32, #tpu.memory_space<vmem>>, %arg2: memref<2000x128xf32, #tpu.memory_space<vmem>>, %arg3: memref<2000x128xf32, #tpu.memory_space<vmem>>) attributes {dimension_semantics = [#tpu.dimension_semantics<arbitrary>], iteration_bounds = array<i64: 5>, scalar_prefetch = 0 : i64, scratch_operands = 0 : i64, tpu.core_type = #tpu.core_type<tc>, window_params = [{transform_indices = @transform_0, window_bounds = array<i64: 2000, 2>}, {transform_indices = @transform_1, window_bounds = array<i64: 2000, 128>}, {transform_indices = @transform_2, window_bounds = array<i64: 2000, 128>}]} {
    %get3A = arith.constant 0 : index
    %get3A_0 = arith.constant 0 : index
    %get3A_1 = vector.load %arg2[%get3A, %get3A_0] : memref<2000x128xf32, #tpu.memory_space<vmem>>, vector<2000x128xf32>
    %get3A_2 = arith.constant 0 : index
    %get3A_3 = arith.constant 0 : index
    %get3A_4 = vector.load %arg1[%get3A_2, %get3A_3] : memref<2000x2xf32, #tpu.memory_space<vmem>>, vector<2000x1xf32>
    %get3A_5 = arith.constant 0 : index
    %get3A_6 = arith.constant 1 : index
    %get3A_7 = vector.load %arg1[%get3A_5, %get3A_6] : memref<2000x2xf32, #tpu.memory_space<vmem>>, vector<2000x1xf32>
    %add3A = arith.addf %get3A_4, %get3A_7 : vector<2000x1xf32>
    %add3A_8 = arith.constant 1.000000e+00 : f32
    %add3A_9 = vector.broadcast %add3A_8 : f32 to vector<2000x1xf32>
    %add3A_10 = arith.addf %add3A, %add3A_9 : vector<2000x1xf32>
    %rsqrt3A = math.rsqrt %add3A_10 : vector<2000x1xf32>
    %mul3A = vector.broadcast %rsqrt3A : vector<2000x1xf32> to vector<2000x128xf32>
    %mul3A_11 = arith.mulf %get3A_1, %mul3A : vector<2000x128xf32>
    %swap3A = arith.constant 0 : index
    %swap3A_12 = arith.constant 0 : index
    %swap3A_13 = vector.load %arg3[%swap3A, %swap3A_12] : memref<2000x128xf32, #tpu.memory_space<vmem>>, vector<2000x128xf32>
    tpu.vector_store %arg3[%swap3A, %swap3A_12], %mul3A_11 {strides = array<i32>} : memref<2000x128xf32, #tpu.memory_space<vmem>>, vector<2000x128xf32>,
    return
  }
  func.func @transform_0(%arg0: i32) -> (i32, i32) {
    %c0_i32 = arith.constant 0 : i32
    %c0_i32_0 = arith.constant 0 : i32
    return %arg0, %c0_i32 : i32, i32
  }
  func.func @transform_1(%arg0: i32) -> (i32, i32) {
    %c0_i32 = arith.constant 0 : i32
    %c0_i32_0 = arith.constant 0 : i32
    return %arg0, %c0_i32 : i32, i32
  }
  func.func @transform_2(%arg0: i32) -> (i32, i32) {
    %c0_i32 = arith.constant 0 : i32
    %c0_i32_0 = arith.constant 0 : i32
    return %arg0, %c0_i32 : i32, i32
  }
}

module attributes {stable_mosaic.version = 14 : i64} {
  func.func @body(%arg0: i32, %arg1: memref<2000x128xf32, #tpu.memory_space<vmem>>, %arg2: memref<2000x128xf32, #tpu.memory_space<vmem>>, %arg3: memref<2000x128xf32, #tpu.memory_space<vmem>>, %arg4: memref<2000x2xf32, #tpu.memory_space<vmem>>, %arg5: memref<128x128xf32, #tpu.memory_space<vmem>>, %arg6: memref<1x128xf32, #tpu.memory_space<vmem>>, %arg7: memref<128x40xf32, #tpu.memory_space<vmem>>, %arg8: memref<2000x40xf32, #tpu.memory_space<vmem>>) attributes {dimension_semantics = [#tpu.dimension_semantics<arbitrary>], iteration_bounds = array<i64: 5>, scalar_prefetch = 0 : i64, scratch_operands = 0 : i64, tpu.core_type = #tpu.core_type<tc>, window_params = [{transform_indices = @transform_0, window_bounds = array<i64: 2000, 128>}, {transform_indices = @transform_1, window_bounds = array<i64: 2000, 128>}, {transform_indices = @transform_2, window_bounds = array<i64: 2000, 128>}, {transform_indices = @transform_3, window_bounds = array<i64: 2000, 2>}, {pipeline_mode = #tpu.pipeline_mode<synchronous>, transform_indices = @transform_4, window_bounds = array<i64: 128, 128>}, {pipeline_mode = #tpu.pipeline_mode<synchronous>, transform_indices = @transform_5, window_bounds = array<i64: 1, 128>}, {pipeline_mode = #tpu.pipeline_mode<synchronous>, transform_indices = @transform_6, window_bounds = array<i64: 128, 40>}, {transform_indices = @transform_7, window_bounds = array<i64: 2000, 40>}]} {
    %get3A = arith.constant 0 : index
    %get3A_0 = arith.constant 0 : index
    %get3A_1 = vector.load %arg4[%get3A, %get3A_0] : memref<2000x2xf32, #tpu.memory_space<vmem>>, vector<2000x1xf32>
    %get3A_2 = arith.constant 0 : index
    %get3A_3 = arith.constant 1 : index
    %get3A_4 = vector.load %arg4[%get3A_2, %get3A_3] : memref<2000x2xf32, #tpu.memory_space<vmem>>, vector<2000x1xf32>
    %add3A = arith.addf %get3A_1, %get3A_4 : vector<2000x1xf32>
    %add3A_5 = arith.constant 1.000000e+00 : f32
    %add3A_6 = vector.broadcast %add3A_5 : f32 to vector<2000x1xf32>
    %add3A_7 = arith.addf %add3A, %add3A_6 : vector<2000x1xf32>
    %rsqrt3A = math.rsqrt %add3A_7 : vector<2000x1xf32>
    %get3A_8 = arith.constant 0 : index
    %get3A_9 = arith.constant 0 : index
    %get3A_10 = vector.load %arg1[%get3A_8, %get3A_9] : memref<2000x128xf32, #tpu.memory_space<vmem>>, vector<2000x128xf32>
    %get3A_11 = arith.constant 0 : index
    %get3A_12 = arith.constant 0 : index
    %get3A_13 = vector.load %arg2[%get3A_11, %get3A_12] : memref<2000x128xf32, #tpu.memory_space<vmem>>, vector<2000x128xf32>
    %add3A_14 = arith.addf %get3A_10, %get3A_13 : vector<2000x128xf32>
    %get3A_15 = arith.constant 0 : index
    %get3A_16 = arith.constant 0 : index
    %get3A_17 = vector.load %arg3[%get3A_15, %get3A_16] : memref<2000x128xf32, #tpu.memory_space<vmem>>, vector<2000x128xf32>
    %sub3A = arith.subf %add3A_14, %get3A_17 : vector<2000x128xf32>
    %get3A_18 = arith.constant 0 : index
    %get3A_19 = arith.constant 0 : index
    %get3A_20 = vector.load %arg5[%get3A_18, %get3A_19] : memref<128x128xf32, #tpu.memory_space<vmem>>, vector<128x128xf32>
    %dot_general3A = arith.constant dense<0.000000e+00> : vector<2000x128xf32>
    %dot_general3A_21 = tpu.matmul %sub3A, %get3A_20, %dot_general3A {dimension_numbers = #tpu.dot_dimension_numbers<[1], [0], [0], [1], [0, 0, 1, 1], [], []>, transpose_lhs_hint = false} : vector<2000x128xf32>, vector<128x128xf32>, vector<2000x128xf32> -> vector<2000x128xf32>
    %mul3A = vector.broadcast %rsqrt3A : vector<2000x1xf32> to vector<2000x128xf32>
    %mul3A_22 = arith.mulf %dot_general3A_21, %mul3A : vector<2000x128xf32>
    %get3A_23 = arith.constant 0 : index
    %get3A_24 = arith.constant 0 : index
    %get3A_25 = vector.load %arg6[%get3A_23, %get3A_24] : memref<1x128xf32, #tpu.memory_space<vmem>>, vector<1x128xf32>
    %add3A_26 = vector.broadcast %get3A_25 : vector<1x128xf32> to vector<2000x128xf32>
    %add3A_27 = arith.addf %mul3A_22, %add3A_26 : vector<2000x128xf32>
    %max3A = arith.constant 0.000000e+00 : f32
    %max3A_28 = vector.broadcast %max3A : f32 to vector<2000x128xf32>
    %max3A_29 = arith.maximumf %add3A_27, %max3A_28 : vector<2000x128xf32>
    %get3A_30 = arith.constant 0 : index
    %get3A_31 = arith.constant 0 : index
    %get3A_32 = vector.load %arg7[%get3A_30, %get3A_31] : memref<128x40xf32, #tpu.memory_space<vmem>>, vector<128x40xf32>
    %dot_general3A_33 = arith.constant dense<0.000000e+00> : vector<2000x40xf32>
    %dot_general3A_34 = tpu.matmul %max3A_29, %get3A_32, %dot_general3A_33 {dimension_numbers = #tpu.dot_dimension_numbers<[1], [0], [0], [1], [0, 0, 1, 1], [], []>, transpose_lhs_hint = false} : vector<2000x128xf32>, vector<128x40xf32>, vector<2000x40xf32> -> vector<2000x40xf32>
    %mul3A_35 = vector.broadcast %rsqrt3A : vector<2000x1xf32> to vector<2000x40xf32>
    %mul3A_36 = arith.mulf %dot_general3A_34, %mul3A_35 : vector<2000x40xf32>
    %swap3A = arith.constant 0 : index
    %swap3A_37 = arith.constant 0 : index
    %swap3A_38 = vector.load %arg8[%swap3A, %swap3A_37] : memref<2000x40xf32, #tpu.memory_space<vmem>>, vector<2000x40xf32>
    tpu.vector_store %arg8[%swap3A, %swap3A_37], %mul3A_36 {strides = array<i32>} : memref<2000x40xf32, #tpu.memory_space<vmem>>, vector<2000x40xf32>,
    return
  }
  func.func @transform_0(%arg0: i32) -> (i32, i32) {
    %c0_i32 = arith.constant 0 : i32
    %c0_i32_0 = arith.constant 0 : i32
    return %arg0, %c0_i32 : i32, i32
  }
  func.func @transform_1(%arg0: i32) -> (i32, i32) {
    %add3A = arith.constant 5 : i32
    %add3A_0 = arith.addi %arg0, %add3A : i32
    %c0_i32 = arith.constant 0 : i32
    %c0_i32_1 = arith.constant 0 : i32
    return %add3A_0, %c0_i32 : i32, i32
  }
  func.func @transform_2(%arg0: i32) -> (i32, i32) {
    %c0_i32 = arith.constant 0 : i32
    %c0_i32_0 = arith.constant 0 : i32
    return %arg0, %c0_i32 : i32, i32
  }
  func.func @transform_3(%arg0: i32) -> (i32, i32) {
    %c0_i32 = arith.constant 0 : i32
    %c0_i32_0 = arith.constant 0 : i32
    return %arg0, %c0_i32 : i32, i32
  }
  func.func @transform_4(%arg0: i32) -> (i32, i32) {
    %c0_i32 = arith.constant 0 : i32
    %c0_i32_0 = arith.constant 0 : i32
    %c0_i32_1 = arith.constant 0 : i32
    return %c0_i32, %c0_i32_0 : i32, i32
  }
  func.func @transform_5(%arg0: i32) -> (i32, i32) {
    %c0_i32 = arith.constant 0 : i32
    %c0_i32_0 = arith.constant 0 : i32
    %c0_i32_1 = arith.constant 0 : i32
    return %c0_i32, %c0_i32_0 : i32, i32
  }
  func.func @transform_6(%arg0: i32) -> (i32, i32) {
    %c0_i32 = arith.constant 0 : i32
    %c0_i32_0 = arith.constant 0 : i32
    %c0_i32_1 = arith.constant 0 : i32
    return %c0_i32, %c0_i32_0 : i32, i32
  }
  func.func @transform_7(%arg0: i32) -> (i32, i32) {
    %c0_i32 = arith.constant 0 : i32
    %c0_i32_0 = arith.constant 0 : i32
    return %arg0, %c0_i32 : i32, i32
  }
}

module attributes {stable_mosaic.version = 14 : i64} {
  func.func @body(%arg0: i32, %arg1: memref<2000x40xf32, #tpu.memory_space<vmem>>, %arg2: memref<2000x40xf32, #tpu.memory_space<vmem>>, %arg3: memref<2000x40xf32, #tpu.memory_space<vmem>>, %arg4: memref<2000x2xf32, #tpu.memory_space<vmem>>, %arg5: memref<1x40xf32, #tpu.memory_space<vmem>>, %arg6: memref<2000x40xf32, #tpu.memory_space<vmem>>) attributes {dimension_semantics = [#tpu.dimension_semantics<arbitrary>], iteration_bounds = array<i64: 5>, scalar_prefetch = 0 : i64, scratch_operands = 0 : i64, tpu.core_type = #tpu.core_type<tc>, window_params = [{transform_indices = @transform_0, window_bounds = array<i64: 2000, 40>}, {transform_indices = @transform_1, window_bounds = array<i64: 2000, 40>}, {transform_indices = @transform_2, window_bounds = array<i64: 2000, 40>}, {transform_indices = @transform_3, window_bounds = array<i64: 2000, 2>}, {pipeline_mode = #tpu.pipeline_mode<synchronous>, transform_indices = @transform_4, window_bounds = array<i64: 1, 40>}, {transform_indices = @transform_5, window_bounds = array<i64: 2000, 40>}]} {
    %get3A = arith.constant 0 : index
    %get3A_0 = arith.constant 0 : index
    %get3A_1 = vector.load %arg1[%get3A, %get3A_0] : memref<2000x40xf32, #tpu.memory_space<vmem>>, vector<2000x40xf32>
    %get3A_2 = arith.constant 0 : index
    %get3A_3 = arith.constant 0 : index
    %get3A_4 = vector.load %arg2[%get3A_2, %get3A_3] : memref<2000x40xf32, #tpu.memory_space<vmem>>, vector<2000x40xf32>
    %add3A = arith.addf %get3A_1, %get3A_4 : vector<2000x40xf32>
    %get3A_5 = arith.constant 0 : index
    %get3A_6 = arith.constant 0 : index
    %get3A_7 = vector.load %arg3[%get3A_5, %get3A_6] : memref<2000x40xf32, #tpu.memory_space<vmem>>, vector<2000x40xf32>
    %sub3A = arith.subf %add3A, %get3A_7 : vector<2000x40xf32>
    %get3A_8 = arith.constant 0 : index
    %get3A_9 = arith.constant 0 : index
    %get3A_10 = vector.load %arg4[%get3A_8, %get3A_9] : memref<2000x2xf32, #tpu.memory_space<vmem>>, vector<2000x1xf32>
    %get3A_11 = arith.constant 0 : index
    %get3A_12 = arith.constant 1 : index
    %get3A_13 = vector.load %arg4[%get3A_11, %get3A_12] : memref<2000x2xf32, #tpu.memory_space<vmem>>, vector<2000x1xf32>
    %add3A_14 = arith.addf %get3A_10, %get3A_13 : vector<2000x1xf32>
    %add3A_15 = arith.constant 1.000000e+00 : f32
    %add3A_16 = vector.broadcast %add3A_15 : f32 to vector<2000x1xf32>
    %add3A_17 = arith.addf %add3A_14, %add3A_16 : vector<2000x1xf32>
    %rsqrt3A = math.rsqrt %add3A_17 : vector<2000x1xf32>
    %mul3A = vector.broadcast %rsqrt3A : vector<2000x1xf32> to vector<2000x40xf32>
    %mul3A_18 = arith.mulf %sub3A, %mul3A : vector<2000x40xf32>
    %get3A_19 = arith.constant 0 : index
    %get3A_20 = arith.constant 0 : index
    %get3A_21 = vector.load %arg5[%get3A_19, %get3A_20] : memref<1x40xf32, #tpu.memory_space<vmem>>, vector<1x40xf32>
    %add3A_22 = vector.broadcast %get3A_21 : vector<1x40xf32> to vector<2000x40xf32>
    %add3A_23 = arith.addf %mul3A_18, %add3A_22 : vector<2000x40xf32>
    %swap3A = arith.constant 0 : index
    %swap3A_24 = arith.constant 0 : index
    %swap3A_25 = vector.load %arg6[%swap3A, %swap3A_24] : memref<2000x40xf32, #tpu.memory_space<vmem>>, vector<2000x40xf32>
    tpu.vector_store %arg6[%swap3A, %swap3A_24], %add3A_23 {strides = array<i32>} : memref<2000x40xf32, #tpu.memory_space<vmem>>, vector<2000x40xf32>,
    return
  }
  func.func @transform_0(%arg0: i32) -> (i32, i32) {
    %c0_i32 = arith.constant 0 : i32
    %c0_i32_0 = arith.constant 0 : i32
    return %arg0, %c0_i32 : i32, i32
  }
  func.func @transform_1(%arg0: i32) -> (i32, i32) {
    %add3A = arith.constant 5 : i32
    %add3A_0 = arith.addi %arg0, %add3A : i32
    %c0_i32 = arith.constant 0 : i32
    %c0_i32_1 = arith.constant 0 : i32
    return %add3A_0, %c0_i32 : i32, i32
  }
  func.func @transform_2(%arg0: i32) -> (i32, i32) {
    %c0_i32 = arith.constant 0 : i32
    %c0_i32_0 = arith.constant 0 : i32
    return %arg0, %c0_i32 : i32, i32
  }
  func.func @transform_3(%arg0: i32) -> (i32, i32) {
    %c0_i32 = arith.constant 0 : i32
    %c0_i32_0 = arith.constant 0 : i32
    return %arg0, %c0_i32 : i32, i32
  }
  func.func @transform_4(%arg0: i32) -> (i32, i32) {
    %c0_i32 = arith.constant 0 : i32
    %c0_i32_0 = arith.constant 0 : i32
    %c0_i32_1 = arith.constant 0 : i32
    return %c0_i32, %c0_i32_0 : i32, i32
  }
  func.func @transform_5(%arg0: i32) -> (i32, i32) {
    %c0_i32 = arith.constant 0 : i32
    %c0_i32_0 = arith.constant 0 : i32
    return %arg0, %c0_i32 : i32, i32
  }
}

</mosaic_0001>

<sc_bundles>
// kernel: kernel.11.cloned.1.call-start
scs
__scs_entry_jumppad:
0x0: {  	(pc) =	sbr.rel $0x88, $3  }
0x1: {  	(tag) =	ssettag $0x0;
	lr =	simm.s32 $0x1  }
0x2: {  	[smem:$0x3F9B] =	sst lr;
	_ =	strace $0xD0000000  }
0x3: {  	_ = 	snop  }
0x4: {  	_ = 	snop  }
0x5: {  	_ = 	snop  }
0x6: {  	_ = 	snop  }
0x7: {  	_ = 	snop  }
__scs_overlays_trampoline_lowered:
0x8: {  	[smem:$0x3FAA] =	sst s0  }
0x9: {  	[smem:$0x3FAB] =	sst s1  }
0xa: {  	[smem:$0x3FAC] =	sst s2  }
0xb: {  	[smem:$0x3FAD] =	sst s3  }
0xc: {  	[smem:$0x3FAE] =	sst s4  }
0xd: {  	[smem:$0x3FAF] =	sst s5  }
0xe: {  	[smem:$0x3FB0] =	sst s6  }
0xf: {  	[smem:$0x3FB1] =	sst s7  }
0x10: {  	[smem:$0x3FB2] =	sst s8  }
0x11: {  	[smem:$0x3FB3] =	sst s9;
	s0 =	simm.s32 @!p0 $0x0  }
0x12: {  	s1 =	sld [smem:$0x3F99];
	s0 =	simm.s32 @p0 $0x1  }
0x13: {  	[smem:$0x3FB4] =	sst s0;
	s0 =	simm.s32 @!p1 $0x0  }
0x14: {  	s2 =	sld [smem:$0x3F98];
	s0 =	simm.s32 @p1 $0x1  }
0x15: {  	[smem:$0x3FB5] =	sst s0;
	s0 =	simm.s32 @!p2 $0x0  }
0x16: {  	s3 =	sld [smem:$0x3FDB];
	s0 =	simm.s32 @p2 $0x1  }
0x17: {  	s4 =	simm.s32 $0x1BF5;
	[smem:$0x3FB7] =	sst s0  }
0x18: {  	s0 =	sld [smem:$0x3F9A];
	_ =	swait.ge [sflag:s4], $0x0  }
0x19: {  	s7 =	sld [smem:$0x3F9B]  }
0x1a: {  	s8 =	sadd.s32 $0xFFFFE003, lr  }
0x1b: {  	s9 =	sadd.s32 $0xFFFFFEF7, lr;
	s5 =	simm.s32 $0xFFFFFFFF;
	p2 =	slt.u32 s8, $0xFFFFF086  }
0x1c: {  	p1 =	slt.u32 s9, $0xF7A;
	s5 =	simm.s32 @!p2 $0x0  }
0x1d: {  	s5 =	simm.s32 @p1 $0x1;
	p0 =	seq.s32 s7, s2  }
0x1e: {  	s7 =	smul.u32 @!p0 $0xF7A, s2;
	p2 =	seq.s32 @!p0 s5, $0x0  }
0x1f: {  	s9 =	smul.u32 $0xF7A, s1;
	s8 =	simm.s32 @!p0 $0x1BF5;
	p2 =	por !p2, p0  }
0x20: {  	[sflag:s8] =	ssyncset.s32 @!p0 $0xFFFFF086;
	s6 =	sadd.s32 @!p0 s3, s7;
	s7 =	simm.s32 @!p0 $0x108  }
0x21: {  	s3 =	sadd.s32 s3, s9;
	s6 =	sadd.s32 @!p0 $0x88, s6;
	s7 =	simm.s32 @p2 $0x1082  }
0x22: {  	[simem:s7], [sflag:s8] =	dma.local @!p0 [hbm:s6], $0xF7A  }
0x23: {  	s9 =	sor.u32 $0xD0000000, s2;
	s6 =	simm.s32 $0x108;
	_ =	swait.ge @!p0 [sflag:s8], $0x0  }
0x24: {  	s3 =	sadd.s32 $0x88, s3;
	s6 =	simm.s32 @!p1 $0x1082;
	[sflag:s4] =	ssyncset.s32 $0xFFFFF086  }
0x25: {  	[simem:s6], [sflag:s4] =	dma.local [hbm:s3], $0xF7A  }
0x26: {  	[smem:$0x3F9B] =	sst s1;
	(tag) =	ssettag s2;
	_ =	strace s9  }
0x27: {  	s1 =	sld [smem:$0x3FAB]  }
0x28: {  	s2 =	sld [smem:$0x3FAC]  }
0x29: {  	s4 =	sld [smem:$0x3FAE]  }
0x2a: {  	p0 =	seq.s32 s5, $0x0;
	s5 =	sld [smem:$0x3FAF]  }
0x2b: {  	s6 =	sld [smem:$0x3FB0]  }
0x2c: {  	s7 =	sld [smem:$0x3FB1]  }
0x2d: {  	s3 =	simm.s32 $0x108;
	s8 =	sld [smem:$0x3FB2]  }
0x2e: {  	s3 =	simm.s32 @!p0 $0x1082;
	s9 =	sld [smem:$0x3FB3]  }
0x2f: {  	lr =	sadd.s32 s0, s3;
	s0 =	sld [smem:$0x3FAA]  }
0x30: {  	s3 =	sld [smem:$0x3FAD]  }
0x31: {  	[smem:$0x3FB6] =	sst s10  }
0x32: {  	s10 =	sld [smem:$0x3FB4];
	_ =	sdelay $0x3  }
0x33: {  	p0 =	seq.s32 s10, $0x1;
	s10 =	sld [smem:$0x3FB6];
	_ =	sdelay $0x3  }
0x34: {  	[smem:$0x3FB6] =	sst s10  }
0x35: {  	s10 =	sld [smem:$0x3FB5];
	_ =	sdelay $0x3  }
0x36: {  	p1 =	seq.s32 s10, $0x1;
	s10 =	sld [smem:$0x3FB6];
	_ =	sdelay $0x3  }
0x37: {  	[smem:$0x3FB6] =	sst s10  }
0x38: {  	s10 =	sld [smem:$0x3FB7]  }
0x39: {  	_ = 	snop;
	(pc) =	sbr.ind lr, $3  }
0x3a: {  	_ = 	snop  }
0x3b: {  	_ = 	snop  }
0x3c: {  	p2 =	seq.s32 s10, $0x1;
	s10 =	sld [smem:$0x3FB6]  }
0x3d: {  	_ =	shalt  }
0x3e: {  	_ =	shalt  }
0x3f: {  	_ =	shalt  }
0x40: {  	_ =	shalt  }
0x41: {  	_ =	shalt  }
0x42: {  	_ =	shalt  }
0x43: {  	_ =	shalt  }
0x44: {  	_ =	shalt  }
0x45: {  	_ =	shalt  }
0x46: {  	_ =	shalt  }
0x47: {  	_ =	shalt  }
0x48: {  	_ =	shalt  }
0x49: {  	_ =	shalt  }
0x4a: {  	_ =	shalt  }
0x4b: {  	_ =	shalt  }
0x4c: {  	_ =	shalt  }
0x4d: {  	_ =	shalt  }
0x4e: {  	_ =	shalt  }
0x4f: {  	_ =	shalt  }
0x50: {  	_ =	shalt  }
0x51: {  	_ =	shalt  }
0x52: {  	_ =	shalt  }
0x53: {  	_ =	shalt  }
0x54: {  	_ =	shalt  }
0x55: {  	_ =	shalt  }
0x56: {  	_ =	shalt  }
0x57: {  	_ =	shalt  }
0x58: {  	_ =	shalt  }
0x59: {  	_ =	shalt  }
0x5a: {  	_ =	shalt  }
0x5b: {  	_ =	shalt  }
0x5c: {  	_ =	shalt  }
0x5d: {  	_ =	shalt  }
0x5e: {  	_ =	shalt  }
0x5f: {  	_ =	shalt  }
0x60: {  	_ =	shalt  }
0x61: {  	_ =	shalt  }
0x62: {  	_ =	shalt  }
0x63: {  	_ =	shalt  }
0x64: {  	_ =	shalt  }
0x65: {  	_ =	shalt  }
0x66: {  	_ =	shalt  }
0x67: {  	_ =	shalt  }
0x68: {  	_ =	shalt  }
0x69: {  	_ =	shalt  }
0x6a: {  	_ =	shalt  }
0x6b: {  	_ =	shalt  }
0x6c: {  	_ =	shalt  }
0x6d: {  	_ =	shalt  }
0x6e: {  	_ =	shalt  }
0x6f: {  	_ =	shalt  }
0x70: {  	_ =	shalt  }
0x71: {  	_ =	shalt  }
0x72: {  	_ =	shalt  }
0x73: {  	_ =	shalt  }
0x74: {  	_ =	shalt  }
0x75: {  	_ =	shalt  }
0x76: {  	_ =	shalt  }
0x77: {  	_ =	shalt  }
0x78: {  	_ =	shalt  }
0x79: {  	_ =	shalt  }
0x7a: {  	_ =	shalt  }
0x7b: {  	_ =	shalt  }
0x7c: {  	_ =	shalt  }
0x7d: {  	_ =	shalt  }
0x7e: {  	_ =	shalt  }
0x7f: {  	_ =	shalt  }
0x80: {  	_ =	shalt  }
0x81: {  	_ =	shalt  }
0x82: {  	_ =	shalt  }
0x83: {  	_ =	shalt  }
0x84: {  	_ =	shalt  }
0x85: {  	_ =	shalt  }
0x86: {  	_ =	shalt  }
0x87: {  	_ =	shalt  }
.Lfunc_end0:
.L_simem_size_0:
called_computation.1_lowered:
.L_overlay_start_0:
0x88: {  	s2 =	sld [smem:$0x3FD9]  }
0x89: {  	s3 =	sld [smem:$0x3FFE];
	_ =	sdelay $0x1  }
0x8a: {  	s1 =	srdreg.scid  }
0x8b: {  	s0 =	sand.u32 $0x1, s1  }
0x8c: {  	s16 =	sshll.u32 s0, $0xA;
	s2 =	sadd.s32 s3, s2  }
0x8d: {  	s2 =	sadd.s32 s2, s16  }
0x8e: {  	[smem:$0x3FC2] =	sst s2  }
0x8f: {  	_ = 	snop  }
0x90: {  	(tm) =	ssettm $0x1  }
0x91: {  	s17 =	sld [smem:$0x3FFB];
	_ =	sdelay $0x3  }
0x92: {  	_ =	strace s17  }
0x93: {  	s2 =	sld [smem:$0x3FFC];
	_ =	sdelay $0x3  }
0x94: {  	_ =	strace s2  }
0x95: {  	s2 =	sld [smem:$0x3FFD];
	_ =	sdelay $0x3  }
0x96: {  	_ =	strace s2  }
0x97: {  	_ =	strace $0x8FFFFFFF  }
0x98: {  	s18 =	sld [smem:$0x3FDB];
	_ =	sdelay $0x1  }
0x99: {  	s19 =	simm.s32 $_scs_section_size  }
0x9a: {  	s4 =	simm.s32 $_size__tile_overlayer_lowered;
	s5 =	simm.s32 $_tile_overlayer_lowered  }
0x9b: {  	s22 =	simm.s32 $0x1BFF;
	s21 =	sshll.u32 s5, $0x1;
	s2 =	sadd.s32 s19, s18  }
0x9c: {  	s6 =	simm.s32 $0x0;
	s20 =	sshll.u32 s4, $0x1;
	s4 =	sadd.s32 s21, s2  }
0x9d: {  	[timem:s6], [sflag:s22] =	dma.local [hbm:s4], s20  }
0x9e: {  	_ =	swait.ge [sflag:s22], s20  }
0x9f: {  	s3 =	ssub.s32 $0x0, s20;
	[sflag:s22] =	ssyncset.done $0x0  }
0xa0: {  	[sflag:s22] =	ssyncadd.s32 s3;
	_ =	sdelay $0x1  }
0xa1: {  	s23 =	simm.s32 $0x1B8B  }
0xa2: {  	_ =	swait.ge [sflag:s23], $0x1  }
0xa3: {  	[sflag:s23] =	ssyncset.done $0x0  }
0xa4: {  	s25 =	simm.s32 $0x1B8E;
	s24 =	sld [smem:$0x3FFE];
	[sflag:s23] =	ssyncadd.s32 $0xFFFFFFFF  }
0xa5: {  	s26 =	simm.s32 $execute0_lowered;
	[smem:$0x3FD2] =	sst s25  }
0xa6: {  	s4 =	sshll.u32 s26, $0x1;
	_ =	strace $0x80000049;
	[dreg:$0x1] =	wrdreg $0xFFFFFFFF  }
0xa7: {  	s28 =	simm.s32 $_size_execute0_lowered;
	s2 =	sadd.s32 s2, s4;
	[dreg:$0x0] =	wrdreg $0x0  }
0xa8: {  	s4 =	sshll.u32 s28, $0x1;
	[dreg:$0x2] =	wrdreg s2  }
0xa9: {  	[dreg:$0x3] =	wrdreg s4  }
0xaa: {  	[dreg:$0x4] =	wrdreg $0xC0  }
0xab: {  	_ =	task [dreg:s6], $0x5FFFF  }
0xac: {  	[dreg:$0x1] =	wrdreg $0xFFFFFFFF  }
0xad: {  	[dreg:$0x0] =	wrdreg $0x60  }
0xae: {  	[dreg:$0x2] =	wrdreg s24  }
0xaf: {  	[dreg:$0x3] =	wrdreg $0xC6200  }
0xb0: {  	[dreg:$0x4] =	wrdreg $0x9  }
0xb1: {  	_ =	task.clear_ibuf [dreg:s6], $0x5FFFF;
	_ =	strace $0x90000049  }
0xb2: {  	s29 =	simm.s32 $0x9;
	_ =	strace $0x8000004B  }
0xb3: {  	_ =	swait.ge [sflag:s29], $0x1  }
0xb4: {  	[sflag:s29] =	ssyncadd.s32 $0xFFFFFFFF  }
0xb5: {  	_ =	strace $0x9000004B  }
0xb6: {  	_ =	sfence  }
0xb7: {  	s30 =	sld [smem:$0x0];
	_ =	sdelay $0x2  }
0xb8: {  	s31 =	sshll.u32 s1, $0xD;
	s1 =	sshrl.u32 s1, $0x2  }
0xb9: {  	s3 =	sand.u32 $0x4000, s31;
	s1 =	sadd.s32 s1, s30  }
0xba: {  	s0 =	sor.u32 s3, s0;
	s1 =	sshll.u32 s1, $0x11  }
0xbb: {  	s0 =	sor.u32 s1, s0  }
0xbc: {  	s0 =	sadd.s32 $0x8F2B, s0  }
0xbd: {  	[sflag:s0] =	ssyncadd.remote.s32 $0x1  }
0xbe: {  	_ =	sfence.sel $0xFFFF  }
0xbf: {  	[dreg:$0x0] =	wrdreg $0xFFFFFFFF;
	(pc) =	sbr.abs _section_cstart, $3  }
0xc0: {  	[dreg:$0x1] =	wrdreg $0xFFFFFFFF  }
0xc1: {  	_ =	task.clear_ibuf [dreg:s6], $0x2FFFF;
	_ =	strace $0x9FFFFFFF  }
0xc2: {  	(tm) =	ssettm $0x7FFFFFFF  }
0xc3: {  	_ =	shalt  }
tec
execute0_lowered:
.L_overlay_start_1:
0x0: {  	(tag) =	ssettag $0x1  }
0x1: {  	s0 =	srdreg.scid;
	s1 =	rddreg [dreg:$0x0]  }
0x2: {  	s2 =	rddreg [dreg:$0x1];
	s19 =	stileid.u32  }
0x3: {  	s3 =	simm.s32 $0x0;
	s15 =	simm.s32 $0x4E20;
	s16 =	simm.s32 $0x7620  }
0x4: {  	s18 =	simm.s32 $0x9E20;
	s22 =	simm.s32 $0x1;
	s28 =	simm.s32 $0x5  }
0x5: {  	s29 =	simm.s32 $0x6;
	s30 =	simm.s32 $0x4DD0;
	s31 =	simm.s32 $0x0  }
0x6: {  	s0 =	sand.u32 $0x1, s0;
	[smem:$0x7FF] =	sst s3;
	s9 =	smul.u32 $0x2780, s19  }
0x7: {  	s10 =	sadd.s32 $0x5CE00, s1;
	s8 =	smul.u32 $0x13C00, s19;
	s17 =	sadd.s32 $0x128400, s2  }
0x8: {  	s14 =	smul.u32 $0x4F000, s19;
	p0 =	seq.s32 s19, $0xF;
	s4 =	sshll.u32 s0, $0x4  }
0x9: {  	_ =	strace $0x8000004A;
	s6 =	ssub.s32 $0x2, s0;
	s12 =	smul.u32 $0x27100, s0  }
0xa: {  	s0 =	smul.u32 $0x138800, s0;
	s4 =	sor.u32 s19, s4;
	s23 =	sshrl.u32 s6, $0x1  }
0xb: {  	s13 =	sadd.s32 s8, s2;
	s24 =	sshrl.u32 s8, $0x3;
	s8 =	sadd.s32 $0x5AC80, s1  }
0xc: {  	s26 =	sshrl.u32 s14, $0x2;
	s14 =	simm.s32 $0x50;
	s5 =	smul.u32 $0x2710, s4  }
0xd: {  	s4 =	sadd.s32 $0x35C00, s1;
	s11 =	ssub.s32 s6, s23;
	s25 =	sadd.s32 s9, s12  }
0xe: {  	s0 =	sshrl.u32 s0, $0x3;
	s12 =	simm.s32 $0x7;
	s21 =	sshrl.u32 @!p0 s13, $0x3  }
0xf: {  	s23 =	simm.s32 $0x2;
	s9 =	sadd.s32 s10, s25;
	s0 =	sadd.s32 s10, s0  }
0x10: {  	s11 =	smax.u32 s11, $0x1;
	s5 =	sshrl.u32 s5, $0x3;
	s10 =	sadd.s32 $0x25080, s0  }
0x11: {  	s0 =	sshll.u32 @!p0 s19, $0x6;
	s19 =	sshrl.u32 @p0 s17, $0x3;
	s17 =	simm.s32 $0x4D80  }
0x12: {  	s7 =	sadd.s32 s5, s1;
	s1 =	sadd.s32 s26, s2;
	s20 =	sor.u32 @!p0 $0x1C07, s0  }
0x13: {  	s26 =	simm.s32 $0x4;
	s5 =	sadd.s32 $0x22200, s7;
	s6 =	sadd.s32 $0x2BE40, s7  }
0x14: {  	s7 =	sadd.s32 s4, s24;
	s24 =	simm.s32 $0x3;
	s25 =	sshrl.u32 @!p0 s1, $0x3  }
.LBB2_1:
0x15: {  	[tilespmem:s3], [sflag:$0x7] =	stream.linear.gather [hbm4b:s5+s3], $0x2710, $0x38;
	[tilespmem:$0x1FEA0] =	vst v63  }
0x16: {  	_ =	swait.ge [sflag:s12], $0x2710  }
0x17: {  	[sflag:s12] =	ssyncset.done $0x0  }
0x18: {  	s0 =	simm.s32 $0x2710;
	[sflag:s12] =	ssyncadd.s32 $0xFFFFD8F0  }
0x19: {  	[tilespmem:s0], [sflag:$0x7] =	stream.linear.gather [hbm4b:s6+s3], $0x2710, $0x38;
	[tilespmem:$0x1FEA0] =	vst v63  }
0x1a: {  	_ =	swait.ge [sflag:s12], $0x2710  }
0x1b: {  	[sflag:s12] =	ssyncset.done $0x0  }
0x1c: {  	[sflag:s12] =	ssyncadd.s32 $0xFFFFD8F0  }
0x1d: {  	[tilespmem:s15], [sflag:$0x1] =	stream.indirect.gather [hbm4b:s4+s14], $0x80, s3, s14, $0xb8;
	[tilespmem:$0x1FEA0] =	vst v63  }
0x1e: {  	_ = 	snop  }
0x1f: {  	[tilespmem:s16], [sflag:$0x2] =	stream.indirect.gather [hbm4b:s4+s14], $0x80, s14, s14, $0xb8;
	[tilespmem:$0x1FEA0] =	vst v63  }
0x20: {  	s1 =	simm.s32 $0xA0;
	s0 =	simm.s32 @p0 $0x1FC7  }
0x21: {  	[tilespmem:s18], [sflag:$0x3] =	stream.indirect.gather [hbm4b:s4+s14], $0x80, s1, s14, $0xb8;
	[tilespmem:$0x1FEA0] =	vst v63  }
0x22: {  	[spmem:s19], [sflag:s0] =	dma.local @p0 [hbm:s8], $0x2080  }
0x23: {  	s0 =	simm.s32 @p0 $0x7  }
0x24: {  	_ =	swait.ge @p0 [sflag:s0], $0x2080  }
0x25: {  	[sflag:s0] =	ssyncset.done @p0 $0x0  }
0x26: {  	[sflag:s0] =	ssyncadd.s32 @p0 $0xFFFFDF80;
	s0 =	simm.s32 @!p0 $0x7  }
0x27: {  	[spmem:s21], [sflag:s20] =	dma.local @!p0 [hbm:s7], $0x2780  }
0x28: {  	_ =	swait.ge @!p0 [sflag:s0], $0x2780  }
0x29: {  	[sflag:s0] =	ssyncset.done @!p0 $0x0  }
0x2a: {  	[sflag:s0] =	ssyncadd.s32 @!p0 $0xFFFFD880  }
0x2b: {  	[bflag:$0x0] =	sbarrier.arrive $0xFFFF  }
0x2c: {  	_ =	swait.ge [sflag:s22], $0x2800  }
0x2d: {  	[sflag:s22] =	ssyncset.done $0x0  }
0x2e: {  	s13 =	simm.s32 $0x2710;
	[sflag:s22] =	ssyncadd.s32 $0xFFFFD800  }
0x2f: {  	[spmem:s2] =	stream.indirect.scatter.add.f32 [tilespmem:s15], [sflag:$0x4], $0x80, s13, s14, $0xb8;
	[tilespmem:$0x1FEA0] =	vst v63  }
0x30: {  	_ =	swait.ge [sflag:s23], $0x2800  }
0x31: {  	[sflag:s23] =	ssyncset.done $0x0  }
0x32: {  	s1 =	simm.s32 $0x2760;
	[sflag:s23] =	ssyncadd.s32 $0xFFFFD800  }
0x33: {  	[spmem:s2] =	stream.indirect.scatter.add.f32 [tilespmem:s16], [sflag:$0x5], $0x80, s1, s14, $0xb8;
	[tilespmem:$0x1FEA0] =	vst v63  }
0x34: {  	_ =	swait.ge [sflag:s24], $0x2800  }
0x35: {  	[sflag:s24] =	ssyncset.done $0x0  }
0x36: {  	s13 =	simm.s32 $0x27B0;
	[sflag:s24] =	ssyncadd.s32 $0xFFFFD800  }
0x37: {  	[spmem:s2] =	stream.indirect.scatter.add.f32 [tilespmem:s18], [sflag:$0x6], $0x80, s13, s14, $0xb8;
	[tilespmem:$0x1FEA0] =	vst v63  }
0x38: {  	_ =	swait.ge [sflag:s26], $0x2800  }
0x39: {  	[sflag:s26] =	ssyncset.done $0x0  }
0x3a: {  	s1 =	simm.s32 $0xF0;
	[sflag:s26] =	ssyncadd.s32 $0xFFFFD800  }
0x3b: {  	[tilespmem:s15], [sflag:$0x1] =	stream.indirect.gather [hbm4b:s4+s14], $0x80, s1, s14, $0xb8;
	[tilespmem:$0x1FEA0] =	vst v63  }
0x3c: {  	_ =	swait.ge [sflag:s28], $0x2800  }
0x3d: {  	[sflag:s28] =	ssyncset.done $0x0  }
0x3e: {  	s13 =	simm.s32 $0x140;
	[sflag:s28] =	ssyncadd.s32 $0xFFFFD800  }
0x3f: {  	[tilespmem:s16], [sflag:$0x2] =	stream.indirect.gather [hbm4b:s4+s14], $0x80, s13, s14, $0xb8;
	[tilespmem:$0x1FEA0] =	vst v63  }
0x40: {  	_ =	swait.ge [sflag:s29], $0x2800  }
0x41: {  	[sflag:s29] =	ssyncset.done $0x0  }
0x42: {  	s0 =	simm.s32 $0x3C0;
	s1 =	simm.s32 $0x190;
	[sflag:s29] =	ssyncadd.s32 $0xFFFFD800  }
.LBB2_2:
0x43: {  	[tilespmem:s18], [sflag:$0x3] =	stream.indirect.gather [hbm4b:s4+s14], $0x80, s1, s14, $0xb8;
	[tilespmem:$0x1FEA0] =	vst v63  }
0x44: {  	s1 =	smov.u32 s0  }
0x45: {  	p1 =	sne.s32 s0, $0x9240;
	s0 =	sadd.s32 $0x3C0, s0;
	_ =	swait.ge [sflag:s22], $0x2800  }
0x46: {  	s1 =	sshra.s32 s1, $0x2;
	[sflag:s22] =	ssyncset.done $0x0  }
0x47: {  	s13 =	sadd.s32 $0x2710, s1;
	[sflag:s22] =	ssyncadd.s32 $0xFFFFD800  }
0x48: {  	[spmem:s2] =	stream.indirect.scatter.add.f32 [tilespmem:s15], [sflag:$0x4], $0x80, s13, s14, $0xb8;
	[tilespmem:$0x1FEA0] =	vst v63  }
0x49: {  	_ =	swait.ge [sflag:s23], $0x2800  }
0x4a: {  	[sflag:s23] =	ssyncset.done $0x0  }
0x4b: {  	s13 =	sadd.s32 $0x2760, s1;
	[sflag:s23] =	ssyncadd.s32 $0xFFFFD800  }
0x4c: {  	[spmem:s2] =	stream.indirect.scatter.add.f32 [tilespmem:s16], [sflag:$0x5], $0x80, s13, s14, $0xb8;
	[tilespmem:$0x1FEA0] =	vst v63  }
0x4d: {  	_ =	swait.ge [sflag:s24], $0x2800  }
0x4e: {  	[sflag:s24] =	ssyncset.done $0x0  }
0x4f: {  	s13 =	sadd.s32 $0x27B0, s1;
	[sflag:s24] =	ssyncadd.s32 $0xFFFFD800  }
0x50: {  	[spmem:s2] =	stream.indirect.scatter.add.f32 [tilespmem:s18], [sflag:$0x6], $0x80, s13, s14, $0xb8;
	[tilespmem:$0x1FEA0] =	vst v63  }
0x51: {  	_ =	swait.ge [sflag:s26], $0x2800  }
0x52: {  	[sflag:s26] =	ssyncset.done $0x0  }
0x53: {  	s13 =	sadd.s32 $0xF0, s1;
	[sflag:s26] =	ssyncadd.s32 $0xFFFFD800  }
0x54: {  	[tilespmem:s15], [sflag:$0x1] =	stream.indirect.gather [hbm4b:s4+s14], $0x80, s13, s14, $0xb8;
	[tilespmem:$0x1FEA0] =	vst v63  }
0x55: {  	_ =	swait.ge [sflag:s28], $0x2800  }
0x56: {  	[sflag:s28] =	ssyncset.done $0x0  }
.Ltmp0:
0x57: {  	s13 =	sadd.s32 $0x140, s1;
	[sflag:s28] =	ssyncadd.s32 $0xFFFFD800;
	(pc) =	sbr.rel @p1 .LBB2_2-.Ltmp0, $4  }
0x58: {  	[tilespmem:s16], [sflag:$0x2] =	stream.indirect.gather [hbm4b:s4+s14], $0x80, s13, s14, $0xb8;
	[tilespmem:$0x1FEA0] =	vst v63  }
0x59: {  	_ =	swait.ge [sflag:s29], $0x2800  }
0x5a: {  	[sflag:s29] =	ssyncset.done $0x0  }
0x5b: {  	s1 =	sadd.s32 $0x190, s1;
	[sflag:s29] =	ssyncadd.s32 $0xFFFFD800  }
0x5c: {  	[tilespmem:s18], [sflag:$0x3] =	stream.indirect.gather [hbm4b:s4+s14], $0x80, s1, s14, $0xb8;
	[tilespmem:$0x1FEA0] =	vst v63  }
0x5d: {  	_ =	swait.ge [sflag:s22], $0x2800  }
0x5e: {  	[sflag:s22] =	ssyncset.done $0x0  }
0x5f: {  	s0 =	simm.s32 $0x4C90;
	[sflag:s22] =	ssyncadd.s32 $0xFFFFD800  }
0x60: {  	[spmem:s2] =	stream.indirect.scatter.add.f32 [tilespmem:s15], [sflag:$0x4], $0x80, s0, s14, $0xb8;
	[tilespmem:$0x1FEA0] =	vst v63  }
0x61: {  	_ =	swait.ge [sflag:s23], $0x2800  }
0x62: {  	[sflag:s23] =	ssyncset.done $0x0  }
0x63: {  	s1 =	simm.s32 $0x4CE0;
	[sflag:s23] =	ssyncadd.s32 $0xFFFFD800  }
0x64: {  	[spmem:s2] =	stream.indirect.scatter.add.f32 [tilespmem:s16], [sflag:$0x5], $0x80, s1, s14, $0xb8;
	[tilespmem:$0x1FEA0] =	vst v63  }
0x65: {  	_ =	swait.ge [sflag:s24], $0x2800  }
0x66: {  	[sflag:s24] =	ssyncset.done $0x0  }
0x67: {  	s13 =	simm.s32 $0x4D30;
	[sflag:s24] =	ssyncadd.s32 $0xFFFFD800  }
0x68: {  	[spmem:s2] =	stream.indirect.scatter.add.f32 [tilespmem:s18], [sflag:$0x6], $0x80, s13, s14, $0xb8;
	[tilespmem:$0x1FEA0] =	vst v63  }
0x69: {  	_ =	swait.ge [sflag:s26], $0x2800  }
0x6a: {  	[sflag:s26] =	ssyncset.done $0x0  }
0x6b: {  	s1 =	simm.s32 $0x2670;
	[sflag:s26] =	ssyncadd.s32 $0xFFFFD800  }
0x6c: {  	[tilespmem:s15], [sflag:$0x1] =	stream.indirect.gather [hbm4b:s4+s14], $0x80, s1, s14, $0xb8;
	[tilespmem:$0x1FEA0] =	vst v63  }
0x6d: {  	_ =	swait.ge [sflag:s28], $0x2800  }
0x6e: {  	[sflag:s28] =	ssyncset.done $0x0  }
0x6f: {  	s13 =	simm.s32 $0x26C0;
	[sflag:s28] =	ssyncadd.s32 $0xFFFFD800  }
0x70: {  	[tilespmem:s16], [sflag:$0x2] =	stream.indirect.gather [hbm4b:s4+s14], $0x80, s13, s14, $0xb8;
	[tilespmem:$0x1FEA0] =	vst v63  }
0x71: {  	_ =	swait.ge [sflag:s29], $0x2800  }
0x72: {  	[sflag:s29] =	ssyncset.done $0x0  }
0x73: {  	[sflag:s29] =	ssyncadd.s32 $0xFFFFD800  }
0x74: {  	_ =	swait.ge [sflag:s22], $0x2800  }
0x75: {  	[sflag:s22] =	ssyncset.done $0x0  }
0x76: {  	[sflag:s22] =	ssyncadd.s32 $0xFFFFD800  }
0x77: {  	[spmem:s2] =	stream.indirect.scatter.add.f32 [tilespmem:s15], [sflag:$0x7], $0x80, s17, s14, $0xb8;
	[tilespmem:$0x1FEA0] =	vst v63  }
0x78: {  	_ =	swait.ge [sflag:s12], $0x2800  }
0x79: {  	[sflag:s12] =	ssyncset.done $0x0  }
0x7a: {  	[sflag:s12] =	ssyncadd.s32 $0xFFFFD800  }
0x7b: {  	_ =	swait.ge [sflag:s23], $0x2800  }
0x7c: {  	[sflag:s23] =	ssyncset.done $0x0  }
0x7d: {  	[sflag:s23] =	ssyncadd.s32 $0xFFFFD800  }
0x7e: {  	[spmem:s2] =	stream.indirect.scatter.add.f32 [tilespmem:s16], [sflag:$0x7], $0x80, s30, s14, $0xb8;
	[tilespmem:$0x1FEA0] =	vst v63  }
0x7f: {  	_ =	swait.ge [sflag:s12], $0x2800  }
0x80: {  	[sflag:s12] =	ssyncset.done $0x0  }
0x81: {  	[sflag:s12] =	ssyncadd.s32 $0xFFFFD800  }
0x82: {  	s0 =	simm.s32 @p0 $0x1FC7;
	[bflag:$0x0] =	sbarrier.arrive $0xFFFF  }
0x83: {  	[hbm:s10], [sflag:s0] =	dma.local @p0 [spmem:s19], $0x2080  }
0x84: {  	s0 =	simm.s32 @p0 $0x7  }
0x85: {  	s31 =	sadd.s32 $0x1, s31;
	_ =	swait.ge @p0 [sflag:s0], $0x2080  }
0x86: {  	p1 =	sne.s32 s31, s11;
	[sflag:s0] =	ssyncset.done @p0 $0x0  }
.Ltmp1:
0x87: {  	[sflag:s0] =	ssyncadd.s32 @p0 $0xFFFFDF80;
	s0 =	simm.s32 @!p0 $0x7;
	(pc) =	sbr.rel @p1 .LBB2_1-.Ltmp1, $4  }
0x88: {  	[hbm:s9], [sflag:s20] =	dma.local @!p0 [spmem:s25], $0x2780  }
0x89: {  	_ =	swait.ge @!p0 [sflag:s0], $0x2780  }
0x8a: {  	[sflag:s0] =	ssyncset.done @!p0 $0x0  }
0x8b: {  	[sflag:s0] =	ssyncadd.s32 @!p0 $0xFFFFD880  }
0x8c: {  	_ =	sfence.sel $0x180000  }
0x8d: {  	[bflag:$0x0] =	sbarrier.arrive $0xFFFF  }
0x8e: {  	_ =	strace $0x9000004A  }
0x8f: {  	s0 =	stileid.u32;
	[bflag:$0x2] =	sbarrier.arrive $0xFFFF  }
0x90: {  	p0 =	sne.s32 s0, $0x0;
	s0 =	rddreg [dreg:$0x2]  }
0x91: {  	s0 =	sadd.s32 @!p0 $0x100000, s0  }
0x92: {  	[sflag:s0] =	ssyncadd.tile.s32 @!p0 $0x1;
	_ =	shalt  }
.Lfunc_end2:
_tile_overlayer_lowered:
.L_overlay_start_2:
0x93: {  	(tag) =	ssettag $0x2  }
0x94: {  	s0 =	rddreg [dreg:$0x0];
	s2 =	stileid.u32  }
0x95: {  	s1 =	rddreg [dreg:$0x1];
	p0 =	sne.s32 s2, $0x0  }
0x96: {  	s3 =	rddreg [dreg:$0x2];
	[bflag:$0x3] =	sbarrier.arrive $0xFFFF;
	s2 =	simm.s32 @!p0 $0x1C07  }
0x97: {  	[timem:s3], [sflag:s2] =	dma.local @!p0 [hbm:s0], s1  }
0x98: {  	s0 =	simm.s32 @!p0 $0x7  }
0x99: {  	_ =	swait.ge @!p0 [sflag:s0], s1  }
0x9a: {  	s1 =	ssub.s32 @!p0 $0x0, s1;
	[sflag:s0] =	ssyncset.done @!p0 $0x0  }
0x9b: {  	[sflag:s0] =	ssyncadd.s32 @!p0 s1  }
0x9c: {  	[bflag:$0x3] =	sbarrier.arrive $0xFFFF  }
0x9d: {  	_ =	shalt  }

// kernel: kernel.14.cloned.1.call-start
scs
__scs_entry_jumppad:
0x0: {  	(pc) =	sbr.rel $0x88, $3  }
0x1: {  	(tag) =	ssettag $0x0;
	lr =	simm.s32 $0x1  }
0x2: {  	[smem:$0x3F9B] =	sst lr;
	_ =	strace $0xD0000000  }
0x3: {  	_ = 	snop  }
0x4: {  	_ = 	snop  }
0x5: {  	_ = 	snop  }
0x6: {  	_ = 	snop  }
0x7: {  	_ = 	snop  }
__scs_overlays_trampoline_lowered:
0x8: {  	[smem:$0x3FAA] =	sst s0  }
0x9: {  	[smem:$0x3FAB] =	sst s1  }
0xa: {  	[smem:$0x3FAC] =	sst s2  }
0xb: {  	[smem:$0x3FAD] =	sst s3  }
0xc: {  	[smem:$0x3FAE] =	sst s4  }
0xd: {  	[smem:$0x3FAF] =	sst s5  }
0xe: {  	[smem:$0x3FB0] =	sst s6  }
0xf: {  	[smem:$0x3FB1] =	sst s7  }
0x10: {  	[smem:$0x3FB2] =	sst s8  }
0x11: {  	[smem:$0x3FB3] =	sst s9;
	s0 =	simm.s32 @!p0 $0x0  }
0x12: {  	s1 =	sld [smem:$0x3F99];
	s0 =	simm.s32 @p0 $0x1  }
0x13: {  	[smem:$0x3FB4] =	sst s0;
	s0 =	simm.s32 @!p1 $0x0  }
0x14: {  	s2 =	sld [smem:$0x3F98];
	s0 =	simm.s32 @p1 $0x1  }
0x15: {  	[smem:$0x3FB5] =	sst s0;
	s0 =	simm.s32 @!p2 $0x0  }
0x16: {  	s3 =	sld [smem:$0x3FDB];
	s0 =	simm.s32 @p2 $0x1  }
0x17: {  	s4 =	simm.s32 $0x1BF5;
	[smem:$0x3FB7] =	sst s0  }
0x18: {  	s0 =	sld [smem:$0x3F9A];
	_ =	swait.ge [sflag:s4], $0x0  }
0x19: {  	s7 =	sld [smem:$0x3F9B]  }
0x1a: {  	s8 =	sadd.s32 $0xFFFFE003, lr  }
0x1b: {  	s9 =	sadd.s32 $0xFFFFFEF7, lr;
	s5 =	simm.s32 $0xFFFFFFFF;
	p2 =	slt.u32 s8, $0xFFFFF086  }
0x1c: {  	p1 =	slt.u32 s9, $0xF7A;
	s5 =	simm.s32 @!p2 $0x0  }
0x1d: {  	s5 =	simm.s32 @p1 $0x1;
	p0 =	seq.s32 s7, s2  }
0x1e: {  	s7 =	smul.u32 @!p0 $0xF7A, s2;
	p2 =	seq.s32 @!p0 s5, $0x0  }
0x1f: {  	s9 =	smul.u32 $0xF7A, s1;
	s8 =	simm.s32 @!p0 $0x1BF5;
	p2 =	por !p2, p0  }
0x20: {  	[sflag:s8] =	ssyncset.s32 @!p0 $0xFFFFF086;
	s6 =	sadd.s32 @!p0 s3, s7;
	s7 =	simm.s32 @!p0 $0x108  }
0x21: {  	s3 =	sadd.s32 s3, s9;
	s6 =	sadd.s32 @!p0 $0x88, s6;
	s7 =	simm.s32 @p2 $0x1082  }
0x22: {  	[simem:s7], [sflag:s8] =	dma.local @!p0 [hbm:s6], $0xF7A  }
0x23: {  	s9 =	sor.u32 $0xD0000000, s2;
	s6 =	simm.s32 $0x108;
	_ =	swait.ge @!p0 [sflag:s8], $0x0  }
0x24: {  	s3 =	sadd.s32 $0x88, s3;
	s6 =	simm.s32 @!p1 $0x1082;
	[sflag:s4] =	ssyncset.s32 $0xFFFFF086  }
0x25: {  	[simem:s6], [sflag:s4] =	dma.local [hbm:s3], $0xF7A  }
0x26: {  	[smem:$0x3F9B] =	sst s1;
	(tag) =	ssettag s2;
	_ =	strace s9  }
0x27: {  	s1 =	sld [smem:$0x3FAB]  }
0x28: {  	s2 =	sld [smem:$0x3FAC]  }
0x29: {  	s4 =	sld [smem:$0x3FAE]  }
0x2a: {  	p0 =	seq.s32 s5, $0x0;
	s5 =	sld [smem:$0x3FAF]  }
0x2b: {  	s6 =	sld [smem:$0x3FB0]  }
0x2c: {  	s7 =	sld [smem:$0x3FB1]  }
0x2d: {  	s3 =	simm.s32 $0x108;
	s8 =	sld [smem:$0x3FB2]  }
0x2e: {  	s3 =	simm.s32 @!p0 $0x1082;
	s9 =	sld [smem:$0x3FB3]  }
0x2f: {  	lr =	sadd.s32 s0, s3;
	s0 =	sld [smem:$0x3FAA]  }
0x30: {  	s3 =	sld [smem:$0x3FAD]  }
0x31: {  	[smem:$0x3FB6] =	sst s10  }
0x32: {  	s10 =	sld [smem:$0x3FB4];
	_ =	sdelay $0x3  }
0x33: {  	p0 =	seq.s32 s10, $0x1;
	s10 =	sld [smem:$0x3FB6];
	_ =	sdelay $0x3  }
0x34: {  	[smem:$0x3FB6] =	sst s10  }
0x35: {  	s10 =	sld [smem:$0x3FB5];
	_ =	sdelay $0x3  }
0x36: {  	p1 =	seq.s32 s10, $0x1;
	s10 =	sld [smem:$0x3FB6];
	_ =	sdelay $0x3  }
0x37: {  	[smem:$0x3FB6] =	sst s10  }
0x38: {  	s10 =	sld [smem:$0x3FB7]  }
0x39: {  	_ = 	snop;
	(pc) =	sbr.ind lr, $3  }
0x3a: {  	_ = 	snop  }
0x3b: {  	_ = 	snop  }
0x3c: {  	p2 =	seq.s32 s10, $0x1;
	s10 =	sld [smem:$0x3FB6]  }
0x3d: {  	_ =	shalt  }
0x3e: {  	_ =	shalt  }
0x3f: {  	_ =	shalt  }
0x40: {  	_ =	shalt  }
0x41: {  	_ =	shalt  }
0x42: {  	_ =	shalt  }
0x43: {  	_ =	shalt  }
0x44: {  	_ =	shalt  }
0x45: {  	_ =	shalt  }
0x46: {  	_ =	shalt  }
0x47: {  	_ =	shalt  }
0x48: {  	_ =	shalt  }
0x49: {  	_ =	shalt  }
0x4a: {  	_ =	shalt  }
0x4b: {  	_ =	shalt  }
0x4c: {  	_ =	shalt  }
0x4d: {  	_ =	shalt  }
0x4e: {  	_ =	shalt  }
0x4f: {  	_ =	shalt  }
0x50: {  	_ =	shalt  }
0x51: {  	_ =	shalt  }
0x52: {  	_ =	shalt  }
0x53: {  	_ =	shalt  }
0x54: {  	_ =	shalt  }
0x55: {  	_ =	shalt  }
0x56: {  	_ =	shalt  }
0x57: {  	_ =	shalt  }
0x58: {  	_ =	shalt  }
0x59: {  	_ =	shalt  }
0x5a: {  	_ =	shalt  }
0x5b: {  	_ =	shalt  }
0x5c: {  	_ =	shalt  }
0x5d: {  	_ =	shalt  }
0x5e: {  	_ =	shalt  }
0x5f: {  	_ =	shalt  }
0x60: {  	_ =	shalt  }
0x61: {  	_ =	shalt  }
0x62: {  	_ =	shalt  }
0x63: {  	_ =	shalt  }
0x64: {  	_ =	shalt  }
0x65: {  	_ =	shalt  }
0x66: {  	_ =	shalt  }
0x67: {  	_ =	shalt  }
0x68: {  	_ =	shalt  }
0x69: {  	_ =	shalt  }
0x6a: {  	_ =	shalt  }
0x6b: {  	_ =	shalt  }
0x6c: {  	_ =	shalt  }
0x6d: {  	_ =	shalt  }
0x6e: {  	_ =	shalt  }
0x6f: {  	_ =	shalt  }
0x70: {  	_ =	shalt  }
0x71: {  	_ =	shalt  }
0x72: {  	_ =	shalt  }
0x73: {  	_ =	shalt  }
0x74: {  	_ =	shalt  }
0x75: {  	_ =	shalt  }
0x76: {  	_ =	shalt  }
0x77: {  	_ =	shalt  }
0x78: {  	_ =	shalt  }
0x79: {  	_ =	shalt  }
0x7a: {  	_ =	shalt  }
0x7b: {  	_ =	shalt  }
0x7c: {  	_ =	shalt  }
0x7d: {  	_ =	shalt  }
0x7e: {  	_ =	shalt  }
0x7f: {  	_ =	shalt  }
0x80: {  	_ =	shalt  }
0x81: {  	_ =	shalt  }
0x82: {  	_ =	shalt  }
0x83: {  	_ =	shalt  }
0x84: {  	_ =	shalt  }
0x85: {  	_ =	shalt  }
0x86: {  	_ =	shalt  }
0x87: {  	_ =	shalt  }
.Lfunc_end0:
.L_simem_size_0:
called_computation.2_lowered:
.L_overlay_start_0:
0x88: {  	s2 =	sld [smem:$0x3FD9]  }
0x89: {  	s3 =	sld [smem:$0x3FFE];
	_ =	sdelay $0x1  }
0x8a: {  	s1 =	srdreg.scid  }
0x8b: {  	s0 =	sand.u32 $0x1, s1  }
0x8c: {  	s17 =	sshll.u32 s0, $0xA;
	s2 =	sadd.s32 s3, s2  }
0x8d: {  	s2 =	sadd.s32 s2, s17  }
0x8e: {  	[smem:$0x3FC2] =	sst s2  }
0x8f: {  	_ = 	snop  }
0x90: {  	s2 =	sld [smem:$0x3FD0];
	(tm) =	ssettm $0x1  }
0x91: {  	s18 =	sld [smem:$0x3FFB];
	_ =	sdelay $0x3  }
0x92: {  	_ =	strace s18  }
0x93: {  	s3 =	sld [smem:$0x3FFC];
	_ =	sdelay $0x3  }
0x94: {  	_ =	strace s3  }
0x95: {  	s3 =	sld [smem:$0x3FFD];
	_ =	sdelay $0x3  }
0x96: {  	_ =	strace s3  }
0x97: {  	_ =	strace $0x8FFFFFFF  }
0x98: {  	s19 =	sld [smem:$0x3FDB];
	_ =	sdelay $0x1  }
0x99: {  	s4 =	simm.s32 $_scs_section_size  }
0x9a: {  	s5 =	simm.s32 $_size__tile_overlayer_lowered;
	s6 =	simm.s32 $_tile_overlayer_lowered  }
0x9b: {  	s22 =	simm.s32 $0x1BFF;
	s21 =	sshll.u32 s6, $0x1;
	s3 =	sadd.s32 s4, s19  }
0x9c: {  	s7 =	simm.s32 $0x0;
	s20 =	sshll.u32 s5, $0x1;
	s5 =	sadd.s32 s21, s3  }
0x9d: {  	[timem:s7], [sflag:s22] =	dma.local [hbm:s5], s20  }
0x9e: {  	_ =	swait.ge [sflag:s22], s20  }
0x9f: {  	s4 =	ssub.s32 $0x0, s20;
	[sflag:s22] =	ssyncset.done $0x0  }
0xa0: {  	[sflag:s22] =	ssyncadd.s32 s4;
	_ =	sdelay $0x1  }
0xa1: {  	s23 =	simm.s32 $0x1B8B  }
0xa2: {  	_ =	swait.ge [sflag:s23], $0x1  }
0xa3: {  	[sflag:s23] =	ssyncset.done $0x0  }
0xa4: {  	s25 =	simm.s32 $0x1B8E;
	s24 =	sld [smem:$0x3FFE];
	[sflag:s23] =	ssyncadd.s32 $0xFFFFFFFF  }
0xa5: {  	s26 =	simm.s32 $execute0_lowered;
	[smem:$0x3FD2] =	sst s25  }
0xa6: {  	s5 =	sshll.u32 s26, $0x1;
	_ =	strace $0x8000004C;
	[dreg:$0x1] =	wrdreg $0xFFFFFFFF  }
0xa7: {  	s28 =	simm.s32 $_size_execute0_lowered;
	s3 =	sadd.s32 s3, s5;
	[dreg:$0x0] =	wrdreg $0x0  }
0xa8: {  	s5 =	sshll.u32 s28, $0x1;
	[dreg:$0x2] =	wrdreg s3  }
0xa9: {  	[dreg:$0x3] =	wrdreg s5  }
0xaa: {  	[dreg:$0x4] =	wrdreg $0xC0  }
0xab: {  	_ =	task [dreg:s7], $0x5FFFF  }
0xac: {  	[dreg:$0x1] =	wrdreg $0xFFFFFFFF  }
0xad: {  	[dreg:$0x0] =	wrdreg $0x60  }
0xae: {  	[dreg:$0x2] =	wrdreg s2  }
0xaf: {  	[dreg:$0x3] =	wrdreg s24  }
0xb0: {  	[dreg:$0x4] =	wrdreg $0xB2200  }
0xb1: {  	[dreg:$0x5] =	wrdreg $0x9  }
0xb2: {  	_ =	task.clear_ibuf [dreg:s7], $0x6FFFF;
	_ =	strace $0x9000004C  }
0xb3: {  	s29 =	simm.s32 $0x9;
	_ =	strace $0x8000004E  }
0xb4: {  	_ =	swait.ge [sflag:s29], $0x1  }
0xb5: {  	[sflag:s29] =	ssyncadd.s32 $0xFFFFFFFF  }
0xb6: {  	_ =	strace $0x9000004E  }
0xb7: {  	_ =	sfence  }
0xb8: {  	s30 =	sld [smem:$0x0];
	_ =	sdelay $0x2  }
0xb9: {  	s31 =	sshll.u32 s1, $0xD;
	s1 =	sshrl.u32 s1, $0x2  }
0xba: {  	s3 =	sand.u32 $0x4000, s31;
	s1 =	sadd.s32 s1, s30  }
0xbb: {  	s0 =	sor.u32 s3, s0;
	s1 =	sshll.u32 s1, $0x11  }
0xbc: {  	s0 =	sor.u32 s1, s0  }
0xbd: {  	s0 =	sadd.s32 $0x8F2B, s0  }
0xbe: {  	[sflag:s0] =	ssyncadd.remote.s32 $0x1  }
0xbf: {  	_ =	sfence.sel $0xFFFF  }
0xc0: {  	[dreg:$0x0] =	wrdreg $0xFFFFFFFF;
	(pc) =	sbr.abs _section_cstart, $3  }
0xc1: {  	[dreg:$0x1] =	wrdreg $0xFFFFFFFF  }
0xc2: {  	_ =	task.clear_ibuf [dreg:s7], $0x2FFFF;
	_ =	strace $0x9FFFFFFF  }
0xc3: {  	(tm) =	ssettm $0x7FFFFFFF  }
tec
execute0_lowered:
.L_overlay_start_1:
0x0: {  	(tag) =	ssettag $0x1  }
0x1: {  	s0 =	srdreg.scid;
	s1 =	rddreg [dreg:$0x0]  }
0x2: {  	s2 =	rddreg [dreg:$0x1];
	s9 =	stileid.u32  }
0x3: {  	s3 =	rddreg [dreg:$0x2];
	s5 =	simm.s32 $0x0;
	s13 =	simm.s32 $0x11  }
0x4: {  	s15 =	simm.s32 $0x50;
	s16 =	simm.s32 $0x4E20;
	s17 =	simm.s32 $0x5AA0  }
0x5: {  	s19 =	simm.s32 $0x6720;
	s28 =	simm.s32 $0x8CA0;
	s30 =	simm.s32 $0x9920  }
0x6: {  	s14 =	simm.s32 $0x1;
	s18 =	simm.s32 $0x3;
	s29 =	simm.s32 $0x7  }
0x7: {  	s31 =	simm.s32 $0x8;
	s11 =	simm.s32 $0xF;
	s7 =	smul.u32 $0xC58, s9  }
0x8: {  	s12 =	simm.s32 $0x10;
	s0 =	sand.u32 $0x1, s0;
	s21 =	smul.u32 $0x62C0, s9  }
0x9: {  	[smem:$0x7FF] =	sst s5;
	s23 =	sadd.s32 $0x5C940, s3;
	s24 =	smul.u32 $0x18B00, s9  }
0xa: {  	s10 =	sadd.s32 $0xB928, s1;
	p0 =	seq.s32 s9, $0xF;
	s4 =	sshll.u32 s0, $0x4  }
0xb: {  	_ =	strace $0x8000004D;
	s22 =	smul.u32 $0xC350, s0;
	[dreg:$0x7] =	wrdreg s23  }
0xc: {  	s20 =	ssub.s32 $0x2, s0;
	s0 =	smul.u32 $0x61A80, s0;
	[dreg:$0x8] =	wrdreg s10  }
0xd: {  	s23 =	simm.s32 $0x8020;
	s10 =	simm.s32 $0xE;
	s4 =	sor.u32 s9, s4  }
0xe: {  	s6 =	sshrl.u32 s20, $0x1;
	s25 =	sshrl.u32 s24, $0x2;
	s9 =	simm.s32 $0xD  }
0xf: {  	s4 =	smul.u32 $0x2710, s4;
	s5 =	ssub.s32 s20, s6;
	s6 =	sshrl.u32 s21, $0x3  }
0x10: {  	s0 =	sshrl.u32 s0, $0x3;
	s20 =	simm.s32 $0x4;
	s6 =	sadd.s32 s1, s6  }
0x11: {  	s26 =	smax.u32 s5, $0x1;
	s4 =	sshrl.u32 s4, $0x3;
	[dreg:$0x6] =	wrdreg s6  }
0x12: {  	s5 =	simm.s32 $0x9;
	[dreg:$0xb] =	wrdreg s26;
	s4 =	sadd.s32 s4, s2  }
0x13: {  	s26 =	simm.s32 $0x6;
	s6 =	simm.s32 $0xA;
	s8 =	sadd.s32 $0x22200, s4  }
0x14: {  	s2 =	sadd.s32 $0x2200, s2;
	s4 =	sadd.s32 $0x2BE40, s4;
	[dreg:$0x4] =	wrdreg s8  }
0x15: {  	s0 =	sadd.s32 s2, s0;
	[dreg:$0x5] =	wrdreg s4;
	s8 =	sadd.s32 s21, s3  }
0x16: {  	s4 =	sadd.s32 s7, s22;
	s0 =	sadd.s32 $0xB928, s0;
	s21 =	simm.s32 $0x73A0  }
.Ltmp0:
0x17: {  	s22 =	simm.s32 $0x5;
	s7 =	simm.s32 $0xB;
	(pc) =	sbr.rel .LBB2_1-.Ltmp0, $4  }
0x18: {  	s4 =	sadd.s32 s2, s4;
	s2 =	sadd.s32 s25, s3;
	[dreg:$0xa] =	wrdreg s0  }
0x19: {  	s0 =	sshrl.u32 @!p0 s8, $0x3;
	s8 =	simm.s32 $0xC;
	[dreg:$0x9] =	wrdreg s4  }
0x1a: {  	s25 =	simm.s32 $0x0;
	[dreg:$0xc] =	wrdreg s0;
	s0 =	sshrl.u32 @!p0 s2, $0x3  }
0x1b: {  	s2 =	simm.s32 $0xA5A0;
	[dreg:$0xd] =	wrdreg s0;
	s0 =	simm.s32 $0x2  }
.LBB2_4:
0x1c: {  	_ =	swait.ge [sflag:s11], $0xC80  }
0x1d: {  	[sflag:s11] =	ssyncset.done $0x0  }
0x1e: {  	[sflag:s11] =	ssyncadd.s32 $0xFFFFF380  }
0x1f: {  	_ =	swait.ge [sflag:s12], $0xC80  }
0x20: {  	[sflag:s12] =	ssyncset.done $0x0  }
0x21: {  	[sflag:s12] =	ssyncadd.s32 $0xFFFFF380  }
0x22: {  	_ =	swait.ge [sflag:s14], $0xC80  }
0x23: {  	[sflag:s14] =	ssyncset.done $0x0  }
0x24: {  	s4 =	simm.s32 $0x4C90;
	[sflag:s14] =	ssyncadd.s32 $0xFFFFF380  }
0x25: {  	[spmem:s3] =	stream.indirect.scatter.add.f32 [tilespmem:s16], [sflag:$0x11], $0x28, s4, s15, $0xb8;
	[tilespmem:$0x113C8] =	vst v63  }
0x26: {  	_ =	swait.ge [sflag:s13], $0xC80  }
0x27: {  	[sflag:s13] =	ssyncset.done $0x0  }
0x28: {  	[sflag:s13] =	ssyncadd.s32 $0xFFFFF380  }
0x29: {  	_ =	swait.ge [sflag:s0], $0xC80  }
0x2a: {  	[sflag:s0] =	ssyncset.done $0x0  }
0x2b: {  	s24 =	simm.s32 $0x4CE0;
	[sflag:s0] =	ssyncadd.s32 $0xFFFFF380  }
0x2c: {  	[spmem:s3] =	stream.indirect.scatter.add.f32 [tilespmem:s17], [sflag:$0x11], $0x28, s24, s15, $0xb8;
	[tilespmem:$0x113C8] =	vst v63  }
0x2d: {  	_ =	swait.ge [sflag:s13], $0xC80  }
0x2e: {  	[sflag:s13] =	ssyncset.done $0x0  }
0x2f: {  	[sflag:s13] =	ssyncadd.s32 $0xFFFFF380  }
0x30: {  	_ =	swait.ge [sflag:s18], $0xC80  }
0x31: {  	[sflag:s18] =	ssyncset.done $0x0  }
0x32: {  	s25 =	simm.s32 $0x4D30;
	[sflag:s18] =	ssyncadd.s32 $0xFFFFF380  }
0x33: {  	[spmem:s3] =	stream.indirect.scatter.add.f32 [tilespmem:s19], [sflag:$0x11], $0x28, s25, s15, $0xb8;
	[tilespmem:$0x113C8] =	vst v63  }
0x34: {  	_ =	swait.ge [sflag:s13], $0xC80  }
0x35: {  	[sflag:s13] =	ssyncset.done $0x0  }
0x36: {  	[sflag:s13] =	ssyncadd.s32 $0xFFFFF380  }
0x37: {  	_ =	swait.ge [sflag:s20], $0xC80  }
0x38: {  	[sflag:s20] =	ssyncset.done $0x0  }
0x39: {  	s24 =	simm.s32 $0x4D80;
	[sflag:s20] =	ssyncadd.s32 $0xFFFFF380  }
0x3a: {  	[spmem:s3] =	stream.indirect.scatter.add.f32 [tilespmem:s21], [sflag:$0x11], $0x28, s24, s15, $0xb8;
	[tilespmem:$0x113C8] =	vst v63  }
0x3b: {  	_ =	swait.ge [sflag:s13], $0xC80  }
0x3c: {  	[sflag:s13] =	ssyncset.done $0x0  }
0x3d: {  	[sflag:s13] =	ssyncadd.s32 $0xFFFFF380  }
0x3e: {  	_ =	swait.ge [sflag:s22], $0xC80  }
0x3f: {  	[sflag:s22] =	ssyncset.done $0x0  }
0x40: {  	s25 =	simm.s32 $0x4DD0;
	[sflag:s22] =	ssyncadd.s32 $0xFFFFF380  }
0x41: {  	[spmem:s3] =	stream.indirect.scatter.add.f32 [tilespmem:s23], [sflag:$0x11], $0x28, s25, s15, $0xb8;
	[tilespmem:$0x113C8] =	vst v63  }
0x42: {  	_ =	swait.ge [sflag:s13], $0xC80  }
0x43: {  	[sflag:s13] =	ssyncset.done $0x0  }
0x44: {  	[sflag:s13] =	ssyncadd.s32 $0xFFFFF380  }
0x45: {  	[bflag:$0x0] =	sbarrier.arrive $0xFFFF  }
0x46: {  	s24 =	rddreg [dreg:$0xa]  }
0x47: {  	s4 =	simm.s32 @p0 $0x1FD1;
	s25 =	rddreg [dreg:$0xf]  }
0x48: {  	[hbm:s24], [sflag:s4] =	dma.local @p0 [spmem:s25], $0xA28  }
0x49: {  	s4 =	simm.s32 @p0 $0x11  }
0x4a: {  	_ =	swait.ge @p0 [sflag:s4], $0xA28  }
0x4b: {  	s24 =	rddreg [dreg:$0xd]  }
0x4c: {  	[sflag:s4] =	ssyncset.done @p0 $0x0;
	s25 =	rddreg [dreg:$0x10]  }
0x4d: {  	[sflag:s4] =	ssyncadd.s32 @p0 $0xFFFFF5D8;
	s4 =	rddreg [dreg:$0x9]  }
0x4e: {  	[hbm:s4], [sflag:s25] =	dma.local @!p0 [spmem:s24], $0xC58  }
0x4f: {  	s4 =	simm.s32 @!p0 $0x11  }
0x50: {  	_ =	swait.ge @!p0 [sflag:s4], $0xC58  }
0x51: {  	s24 =	rddreg [dreg:$0xe]  }
0x52: {  	s25 =	sadd.s32 $0x1, s24;
	s24 =	rddreg [dreg:$0xb]  }
0x53: {  	p1 =	sne.s32 s25, s24  }
.Ltmp1:
0x54: {  	_ = 	snop;
	(pc) =	sbr.rel @!p1 .LBB2_5-.Ltmp1, $3  }
0x55: {  	_ =	sdelay $0x1  }
0x56: {  	[sflag:s4] =	ssyncset.done @!p0 $0x0  }
0x57: {  	[sflag:s4] =	ssyncadd.s32 @!p0 $0xFFFFF3A8  }
.LBB2_1:
0x58: {  	[dreg:$0xe] =	wrdreg s25  }
0x59: {  	s4 =	simm.s32 $0x0;
	s24 =	rddreg [dreg:$0x4]  }
0x5a: {  	[tilespmem:s4], [sflag:$0x11] =	stream.linear.gather [hbm4b:s24+s4], $0x2710, $0x38;
	[tilespmem:$0x113C8] =	vst v63  }
0x5b: {  	_ =	swait.ge [sflag:s13], $0x2710  }
0x5c: {  	[sflag:s13] =	ssyncset.done $0x0  }
0x5d: {  	s25 =	simm.s32 $0x2710;
	s24 =	rddreg [dreg:$0x5];
	[sflag:s13] =	ssyncadd.s32 $0xFFFFD8F0  }
0x5e: {  	[tilespmem:s25], [sflag:$0x11] =	stream.linear.gather [hbm4b:s24+s4], $0x2710, $0x38;
	[tilespmem:$0x113C8] =	vst v63  }
0x5f: {  	_ =	swait.ge [sflag:s13], $0x2710  }
0x60: {  	[sflag:s13] =	ssyncset.done $0x0  }
0x61: {  	[sflag:s13] =	ssyncadd.s32 $0xFFFFD8F0  }
0x62: {  	[tilespmem:s16], [sflag:$0x1] =	stream.indirect.gather [hbm4b:s1+s15], $0x28, s4, s15, $0xb8;
	[tilespmem:$0x113C8] =	vst v63  }
0x63: {  	_ = 	snop  }
0x64: {  	[tilespmem:s17], [sflag:$0x2] =	stream.indirect.gather [hbm4b:s1+s15], $0x28, s15, s15, $0xb8;
	[tilespmem:$0x113C8] =	vst v63  }
0x65: {  	s24 =	simm.s32 $0xA0  }
0x66: {  	[tilespmem:s19], [sflag:$0x3] =	stream.indirect.gather [hbm4b:s1+s15], $0x28, s24, s15, $0xb8;
	[tilespmem:$0x113C8] =	vst v63  }
0x67: {  	s25 =	simm.s32 $0xF0  }
0x68: {  	[tilespmem:s21], [sflag:$0x4] =	stream.indirect.gather [hbm4b:s1+s15], $0x28, s25, s15, $0xb8;
	[tilespmem:$0x113C8] =	vst v63  }
0x69: {  	s24 =	simm.s32 $0x140  }
0x6a: {  	[tilespmem:s23], [sflag:$0x5] =	stream.indirect.gather [hbm4b:s1+s15], $0x28, s24, s15, $0xb8;
	[tilespmem:$0x113C8] =	vst v63  }
0x6b: {  	s25 =	simm.s32 $0x190  }
0x6c: {  	[tilespmem:s28], [sflag:$0x6] =	stream.indirect.gather [hbm4b:s1+s15], $0x28, s25, s15, $0xb8;
	[tilespmem:$0x113C8] =	vst v63  }
0x6d: {  	s24 =	simm.s32 $0x1E0  }
0x6e: {  	[tilespmem:s30], [sflag:$0x7] =	stream.indirect.gather [hbm4b:s1+s15], $0x28, s24, s15, $0xb8;
	[tilespmem:$0x113C8] =	vst v63  }
0x6f: {  	s4 =	rddreg [dreg:$0x7];
	s25 =	simm.s32 $0x230  }
0x70: {  	[tilespmem:s2], [sflag:$0x8] =	stream.indirect.gather [hbm4b:s1+s15], $0x28, s25, s15, $0xb8;
	[tilespmem:$0x113C8] =	vst v63  }
0x71: {  	s24 =	rddreg [dreg:$0x8];
	s25 =	sshrl.u32 @p0 s4, $0x3  }
0x72: {  	s4 =	simm.s32 @p0 $0x1FD1;
	[dreg:$0xf] =	wrdreg s25  }
0x73: {  	[spmem:s25], [sflag:s4] =	dma.local @p0 [hbm:s24], $0xA28  }
0x74: {  	s4 =	simm.s32 @p0 $0x11  }
0x75: {  	s24 =	stileid.u32;
	_ =	swait.ge @p0 [sflag:s4], $0xA28  }
0x76: {  	s25 =	sshll.u32 @!p0 s24, $0x6;
	[sflag:s4] =	ssyncset.done @p0 $0x0;
	s24 =	rddreg [dreg:$0xc]  }
0x77: {  	s25 =	sor.u32 @!p0 $0x1C11, s25;
	[sflag:s4] =	ssyncadd.s32 @p0 $0xFFFFF5D8;
	s4 =	rddreg [dreg:$0x6]  }
0x78: {  	[dreg:$0x10] =	wrdreg s25  }
0x79: {  	[spmem:s24], [sflag:s25] =	dma.local @!p0 [hbm:s4], $0xC58  }
0x7a: {  	s4 =	simm.s32 @!p0 $0x11  }
0x7b: {  	_ =	swait.ge @!p0 [sflag:s4], $0xC58  }
0x7c: {  	[sflag:s4] =	ssyncset.done @!p0 $0x0  }
0x7d: {  	[sflag:s4] =	ssyncadd.s32 @!p0 $0xFFFFF3A8  }
0x7e: {  	s25 =	simm.s32 $0x0;
	[bflag:$0x0] =	sbarrier.arrive $0xFFFF  }
.LBB2_2:
0x7f: {  	_ =	swait.ge [sflag:s14], $0xC80  }
0x80: {  	s4 =	sshra.s32 s25, $0x2;
	[sflag:s14] =	ssyncset.done $0x0  }
0x81: {  	s24 =	sadd.s32 $0x2710, s4;
	[sflag:s14] =	ssyncadd.s32 $0xFFFFF380  }
0x82: {  	[spmem:s3] =	stream.indirect.scatter.add.f32 [tilespmem:s16], [sflag:$0x9], $0x28, s24, s15, $0xb8;
	[tilespmem:$0x113C8] =	vst v63  }
0x83: {  	_ =	swait.ge [sflag:s0], $0xC80  }
0x84: {  	[sflag:s0] =	ssyncset.done $0x0  }
0x85: {  	s24 =	sadd.s32 $0x2760, s4;
	[sflag:s0] =	ssyncadd.s32 $0xFFFFF380  }
0x86: {  	[spmem:s3] =	stream.indirect.scatter.add.f32 [tilespmem:s17], [sflag:$0xA], $0x28, s24, s15, $0xb8;
	[tilespmem:$0x113C8] =	vst v63  }
0x87: {  	_ =	swait.ge [sflag:s18], $0xC80  }
0x88: {  	[sflag:s18] =	ssyncset.done $0x0  }
0x89: {  	s24 =	sadd.s32 $0x27B0, s4;
	[sflag:s18] =	ssyncadd.s32 $0xFFFFF380  }
0x8a: {  	[spmem:s3] =	stream.indirect.scatter.add.f32 [tilespmem:s19], [sflag:$0xB], $0x28, s24, s15, $0xb8;
	[tilespmem:$0x113C8] =	vst v63  }
0x8b: {  	_ =	swait.ge [sflag:s20], $0xC80  }
0x8c: {  	[sflag:s20] =	ssyncset.done $0x0  }
0x8d: {  	s24 =	sadd.s32 $0x2800, s4;
	[sflag:s20] =	ssyncadd.s32 $0xFFFFF380  }
0x8e: {  	[spmem:s3] =	stream.indirect.scatter.add.f32 [tilespmem:s21], [sflag:$0xC], $0x28, s24, s15, $0xb8;
	[tilespmem:$0x113C8] =	vst v63  }
0x8f: {  	_ =	swait.ge [sflag:s22], $0xC80  }
0x90: {  	[sflag:s22] =	ssyncset.done $0x0  }
0x91: {  	s24 =	sadd.s32 $0x2850, s4;
	[sflag:s22] =	ssyncadd.s32 $0xFFFFF380  }
0x92: {  	[spmem:s3] =	stream.indirect.scatter.add.f32 [tilespmem:s23], [sflag:$0xD], $0x28, s24, s15, $0xb8;
	[tilespmem:$0x113C8] =	vst v63  }
0x93: {  	_ =	swait.ge [sflag:s26], $0xC80  }
0x94: {  	[sflag:s26] =	ssyncset.done $0x0  }
0x95: {  	s24 =	sadd.s32 $0x28A0, s4;
	[sflag:s26] =	ssyncadd.s32 $0xFFFFF380  }
0x96: {  	[spmem:s3] =	stream.indirect.scatter.add.f32 [tilespmem:s28], [sflag:$0xE], $0x28, s24, s15, $0xb8;
	[tilespmem:$0x113C8] =	vst v63  }
0x97: {  	_ =	swait.ge [sflag:s29], $0xC80  }
0x98: {  	[sflag:s29] =	ssyncset.done $0x0  }
0x99: {  	s24 =	sadd.s32 $0x28F0, s4;
	[sflag:s29] =	ssyncadd.s32 $0xFFFFF380  }
0x9a: {  	[spmem:s3] =	stream.indirect.scatter.add.f32 [tilespmem:s30], [sflag:$0xF], $0x28, s24, s15, $0xb8;
	[tilespmem:$0x113C8] =	vst v63  }
0x9b: {  	_ =	swait.ge [sflag:s31], $0xC80  }
0x9c: {  	[sflag:s31] =	ssyncset.done $0x0  }
0x9d: {  	s24 =	sadd.s32 $0x2940, s4;
	[sflag:s31] =	ssyncadd.s32 $0xFFFFF380  }
0x9e: {  	[spmem:s3] =	stream.indirect.scatter.add.f32 [tilespmem:s2], [sflag:$0x10], $0x28, s24, s15, $0xb8;
	[tilespmem:$0x113C8] =	vst v63  }
0x9f: {  	_ =	swait.ge [sflag:s5], $0xC80  }
0xa0: {  	[sflag:s5] =	ssyncset.done $0x0  }
0xa1: {  	s24 =	sadd.s32 $0x280, s4;
	[sflag:s5] =	ssyncadd.s32 $0xFFFFF380  }
0xa2: {  	[tilespmem:s16], [sflag:$0x1] =	stream.indirect.gather [hbm4b:s1+s15], $0x28, s24, s15, $0xb8;
	[tilespmem:$0x113C8] =	vst v63  }
0xa3: {  	_ =	swait.ge [sflag:s6], $0xC80  }
0xa4: {  	[sflag:s6] =	ssyncset.done $0x0  }
0xa5: {  	s24 =	sadd.s32 $0x2D0, s4;
	[sflag:s6] =	ssyncadd.s32 $0xFFFFF380  }
0xa6: {  	[tilespmem:s17], [sflag:$0x2] =	stream.indirect.gather [hbm4b:s1+s15], $0x28, s24, s15, $0xb8;
	[tilespmem:$0x113C8] =	vst v63  }
0xa7: {  	_ =	swait.ge [sflag:s7], $0xC80  }
0xa8: {  	[sflag:s7] =	ssyncset.done $0x0  }
0xa9: {  	s24 =	sadd.s32 $0x320, s4;
	[sflag:s7] =	ssyncadd.s32 $0xFFFFF380  }
0xaa: {  	[tilespmem:s19], [sflag:$0x3] =	stream.indirect.gather [hbm4b:s1+s15], $0x28, s24, s15, $0xb8;
	[tilespmem:$0x113C8] =	vst v63  }
0xab: {  	_ =	swait.ge [sflag:s8], $0xC80  }
0xac: {  	[sflag:s8] =	ssyncset.done $0x0  }
0xad: {  	s24 =	sadd.s32 $0x370, s4;
	[sflag:s8] =	ssyncadd.s32 $0xFFFFF380  }
0xae: {  	[tilespmem:s21], [sflag:$0x4] =	stream.indirect.gather [hbm4b:s1+s15], $0x28, s24, s15, $0xb8;
	[tilespmem:$0x113C8] =	vst v63  }
0xaf: {  	_ =	swait.ge [sflag:s9], $0xC80  }
0xb0: {  	p1 =	seq.s32 s25, $0x8C00;
	[sflag:s9] =	ssyncset.done $0x0  }
.Ltmp2:
0xb1: {  	s24 =	sadd.s32 $0x3C0, s4;
	[sflag:s9] =	ssyncadd.s32 $0xFFFFF380;
	(pc) =	sbr.rel @p1 .LBB2_4-.Ltmp2, $4  }
0xb2: {  	[tilespmem:s23], [sflag:$0x5] =	stream.indirect.gather [hbm4b:s1+s15], $0x28, s24, s15, $0xb8;
	[tilespmem:$0x113C8] =	vst v63  }
0xb3: {  	_ =	swait.ge [sflag:s10], $0xC80  }
0xb4: {  	[sflag:s10] =	ssyncset.done $0x0  }
0xb5: {  	[sflag:s10] =	ssyncadd.s32 $0xFFFFF380  }
0xb6: {  	s24 =	sadd.s32 $0x410, s4  }
0xb7: {  	[tilespmem:s28], [sflag:$0x6] =	stream.indirect.gather [hbm4b:s1+s15], $0x28, s24, s15, $0xb8;
	[tilespmem:$0x113C8] =	vst v63  }
0xb8: {  	_ =	swait.ge [sflag:s11], $0xC80  }
0xb9: {  	[sflag:s11] =	ssyncset.done $0x0  }
0xba: {  	s24 =	sadd.s32 $0x460, s4;
	[sflag:s11] =	ssyncadd.s32 $0xFFFFF380  }
0xbb: {  	[tilespmem:s30], [sflag:$0x7] =	stream.indirect.gather [hbm4b:s1+s15], $0x28, s24, s15, $0xb8;
	[tilespmem:$0x113C8] =	vst v63  }
.Ltmp3:
0xbc: {  	_ = 	snop;
	(pc) =	sbr.rel .LBB2_2-.Ltmp3, $4  }
0xbd: {  	_ =	swait.ge [sflag:s12], $0xC80  }
0xbe: {  	[sflag:s12] =	ssyncset.done $0x0  }
0xbf: {  	s25 =	sadd.s32 $0xA00, s25;
	s24 =	sadd.s32 $0x4B0, s4;
	[sflag:s12] =	ssyncadd.s32 $0xFFFFF380  }
0xc0: {  	[tilespmem:s2], [sflag:$0x8] =	stream.indirect.gather [hbm4b:s1+s15], $0x28, s24, s15, $0xb8;
	[tilespmem:$0x113C8] =	vst v63  }
.LBB2_5:
0xc1: {  	_ =	sfence.sel $0x180000  }
0xc2: {  	[bflag:$0x0] =	sbarrier.arrive $0xFFFF  }
0xc3: {  	_ =	strace $0x9000004D  }
0xc4: {  	s0 =	stileid.u32;
	[bflag:$0x2] =	sbarrier.arrive $0xFFFF  }
0xc5: {  	p0 =	sne.s32 s0, $0x0;
	s0 =	rddreg [dreg:$0x3]  }
0xc6: {  	s0 =	sadd.s32 @!p0 $0x100000, s0  }
0xc7: {  	[sflag:s0] =	ssyncadd.tile.s32 @!p0 $0x1;
	_ =	shalt  }
.Lfunc_end2:
_tile_overlayer_lowered:
.L_overlay_start_2:
0xc8: {  	(tag) =	ssettag $0x2  }
0xc9: {  	s0 =	rddreg [dreg:$0x0];
	s2 =	stileid.u32  }
0xca: {  	s1 =	rddreg [dreg:$0x1];
	p0 =	sne.s32 s2, $0x0  }
0xcb: {  	s3 =	rddreg [dreg:$0x2];
	[bflag:$0x3] =	sbarrier.arrive $0xFFFF;
	s2 =	simm.s32 @!p0 $0x1C11  }
0xcc: {  	[timem:s3], [sflag:s2] =	dma.local @!p0 [hbm:s0], s1  }
0xcd: {  	s0 =	simm.s32 @!p0 $0x11  }
0xce: {  	_ =	swait.ge @!p0 [sflag:s0], s1  }
0xcf: {  	s1 =	ssub.s32 @!p0 $0x0, s1;
	[sflag:s0] =	ssyncset.done @!p0 $0x0  }
0xd0: {  	[sflag:s0] =	ssyncadd.s32 @!p0 s1  }
0xd1: {  	[bflag:$0x3] =	sbarrier.arrive $0xFFFF  }
0xd2: {  	_ =	shalt  }

// kernel: kernel.8.cloned.1.call-start
scs
__scs_entry_jumppad:
0x0: {  	(pc) =	sbr.rel $0x88, $3  }
0x1: {  	(tag) =	ssettag $0x0;
	lr =	simm.s32 $0x1  }
0x2: {  	[smem:$0x3F9B] =	sst lr;
	_ =	strace $0xD0000000  }
0x3: {  	_ = 	snop  }
0x4: {  	_ = 	snop  }
0x5: {  	_ = 	snop  }
0x6: {  	_ = 	snop  }
0x7: {  	_ = 	snop  }
__scs_overlays_trampoline_lowered:
0x8: {  	[smem:$0x3FAA] =	sst s0  }
0x9: {  	[smem:$0x3FAB] =	sst s1  }
0xa: {  	[smem:$0x3FAC] =	sst s2  }
0xb: {  	[smem:$0x3FAD] =	sst s3  }
0xc: {  	[smem:$0x3FAE] =	sst s4  }
0xd: {  	[smem:$0x3FAF] =	sst s5  }
0xe: {  	[smem:$0x3FB0] =	sst s6  }
0xf: {  	[smem:$0x3FB1] =	sst s7  }
0x10: {  	[smem:$0x3FB2] =	sst s8  }
0x11: {  	[smem:$0x3FB3] =	sst s9;
	s0 =	simm.s32 @!p0 $0x0  }
0x12: {  	s1 =	sld [smem:$0x3F99];
	s0 =	simm.s32 @p0 $0x1  }
0x13: {  	[smem:$0x3FB4] =	sst s0;
	s0 =	simm.s32 @!p1 $0x0  }
0x14: {  	s2 =	sld [smem:$0x3F98];
	s0 =	simm.s32 @p1 $0x1  }
0x15: {  	[smem:$0x3FB5] =	sst s0;
	s0 =	simm.s32 @!p2 $0x0  }
0x16: {  	s3 =	sld [smem:$0x3FDB];
	s0 =	simm.s32 @p2 $0x1  }
0x17: {  	s4 =	simm.s32 $0x1BF5;
	[smem:$0x3FB7] =	sst s0  }
0x18: {  	s0 =	sld [smem:$0x3F9A];
	_ =	swait.ge [sflag:s4], $0x0  }
0x19: {  	s7 =	sld [smem:$0x3F9B]  }
0x1a: {  	s8 =	sadd.s32 $0xFFFFE003, lr  }
0x1b: {  	s9 =	sadd.s32 $0xFFFFFEF7, lr;
	s5 =	simm.s32 $0xFFFFFFFF;
	p2 =	slt.u32 s8, $0xFFFFF086  }
0x1c: {  	p1 =	slt.u32 s9, $0xF7A;
	s5 =	simm.s32 @!p2 $0x0  }
0x1d: {  	s5 =	simm.s32 @p1 $0x1;
	p0 =	seq.s32 s7, s2  }
0x1e: {  	s7 =	smul.u32 @!p0 $0xF7A, s2;
	p2 =	seq.s32 @!p0 s5, $0x0  }
0x1f: {  	s9 =	smul.u32 $0xF7A, s1;
	s8 =	simm.s32 @!p0 $0x1BF5;
	p2 =	por !p2, p0  }
0x20: {  	[sflag:s8] =	ssyncset.s32 @!p0 $0xFFFFF086;
	s6 =	sadd.s32 @!p0 s3, s7;
	s7 =	simm.s32 @!p0 $0x108  }
0x21: {  	s3 =	sadd.s32 s3, s9;
	s6 =	sadd.s32 @!p0 $0x88, s6;
	s7 =	simm.s32 @p2 $0x1082  }
0x22: {  	[simem:s7], [sflag:s8] =	dma.local @!p0 [hbm:s6], $0xF7A  }
0x23: {  	s9 =	sor.u32 $0xD0000000, s2;
	s6 =	simm.s32 $0x108;
	_ =	swait.ge @!p0 [sflag:s8], $0x0  }
0x24: {  	s3 =	sadd.s32 $0x88, s3;
	s6 =	simm.s32 @!p1 $0x1082;
	[sflag:s4] =	ssyncset.s32 $0xFFFFF086  }
0x25: {  	[simem:s6], [sflag:s4] =	dma.local [hbm:s3], $0xF7A  }
0x26: {  	[smem:$0x3F9B] =	sst s1;
	(tag) =	ssettag s2;
	_ =	strace s9  }
0x27: {  	s1 =	sld [smem:$0x3FAB]  }
0x28: {  	s2 =	sld [smem:$0x3FAC]  }
0x29: {  	s4 =	sld [smem:$0x3FAE]  }
0x2a: {  	p0 =	seq.s32 s5, $0x0;
	s5 =	sld [smem:$0x3FAF]  }
0x2b: {  	s6 =	sld [smem:$0x3FB0]  }
0x2c: {  	s7 =	sld [smem:$0x3FB1]  }
0x2d: {  	s3 =	simm.s32 $0x108;
	s8 =	sld [smem:$0x3FB2]  }
0x2e: {  	s3 =	simm.s32 @!p0 $0x1082;
	s9 =	sld [smem:$0x3FB3]  }
0x2f: {  	lr =	sadd.s32 s0, s3;
	s0 =	sld [smem:$0x3FAA]  }
0x30: {  	s3 =	sld [smem:$0x3FAD]  }
0x31: {  	[smem:$0x3FB6] =	sst s10  }
0x32: {  	s10 =	sld [smem:$0x3FB4];
	_ =	sdelay $0x3  }
0x33: {  	p0 =	seq.s32 s10, $0x1;
	s10 =	sld [smem:$0x3FB6];
	_ =	sdelay $0x3  }
0x34: {  	[smem:$0x3FB6] =	sst s10  }
0x35: {  	s10 =	sld [smem:$0x3FB5];
	_ =	sdelay $0x3  }
0x36: {  	p1 =	seq.s32 s10, $0x1;
	s10 =	sld [smem:$0x3FB6];
	_ =	sdelay $0x3  }
0x37: {  	[smem:$0x3FB6] =	sst s10  }
0x38: {  	s10 =	sld [smem:$0x3FB7]  }
0x39: {  	_ = 	snop;
	(pc) =	sbr.ind lr, $3  }
0x3a: {  	_ = 	snop  }
0x3b: {  	_ = 	snop  }
0x3c: {  	p2 =	seq.s32 s10, $0x1;
	s10 =	sld [smem:$0x3FB6]  }
0x3d: {  	_ =	shalt  }
0x3e: {  	_ =	shalt  }
0x3f: {  	_ =	shalt  }
0x40: {  	_ =	shalt  }
0x41: {  	_ =	shalt  }
0x42: {  	_ =	shalt  }
0x43: {  	_ =	shalt  }
0x44: {  	_ =	shalt  }
0x45: {  	_ =	shalt  }
0x46: {  	_ =	shalt  }
0x47: {  	_ =	shalt  }
0x48: {  	_ =	shalt  }
0x49: {  	_ =	shalt  }
0x4a: {  	_ =	shalt  }
0x4b: {  	_ =	shalt  }
0x4c: {  	_ =	shalt  }
0x4d: {  	_ =	shalt  }
0x4e: {  	_ =	shalt  }
0x4f: {  	_ =	shalt  }
0x50: {  	_ =	shalt  }
0x51: {  	_ =	shalt  }
0x52: {  	_ =	shalt  }
0x53: {  	_ =	shalt  }
0x54: {  	_ =	shalt  }
0x55: {  	_ =	shalt  }
0x56: {  	_ =	shalt  }
0x57: {  	_ =	shalt  }
0x58: {  	_ =	shalt  }
0x59: {  	_ =	shalt  }
0x5a: {  	_ =	shalt  }
0x5b: {  	_ =	shalt  }
0x5c: {  	_ =	shalt  }
0x5d: {  	_ =	shalt  }
0x5e: {  	_ =	shalt  }
0x5f: {  	_ =	shalt  }
0x60: {  	_ =	shalt  }
0x61: {  	_ =	shalt  }
0x62: {  	_ =	shalt  }
0x63: {  	_ =	shalt  }
0x64: {  	_ =	shalt  }
0x65: {  	_ =	shalt  }
0x66: {  	_ =	shalt  }
0x67: {  	_ =	shalt  }
0x68: {  	_ =	shalt  }
0x69: {  	_ =	shalt  }
0x6a: {  	_ =	shalt  }
0x6b: {  	_ =	shalt  }
0x6c: {  	_ =	shalt  }
0x6d: {  	_ =	shalt  }
0x6e: {  	_ =	shalt  }
0x6f: {  	_ =	shalt  }
0x70: {  	_ =	shalt  }
0x71: {  	_ =	shalt  }
0x72: {  	_ =	shalt  }
0x73: {  	_ =	shalt  }
0x74: {  	_ =	shalt  }
0x75: {  	_ =	shalt  }
0x76: {  	_ =	shalt  }
0x77: {  	_ =	shalt  }
0x78: {  	_ =	shalt  }
0x79: {  	_ =	shalt  }
0x7a: {  	_ =	shalt  }
0x7b: {  	_ =	shalt  }
0x7c: {  	_ =	shalt  }
0x7d: {  	_ =	shalt  }
0x7e: {  	_ =	shalt  }
0x7f: {  	_ =	shalt  }
0x80: {  	_ =	shalt  }
0x81: {  	_ =	shalt  }
0x82: {  	_ =	shalt  }
0x83: {  	_ =	shalt  }
0x84: {  	_ =	shalt  }
0x85: {  	_ =	shalt  }
0x86: {  	_ =	shalt  }
0x87: {  	_ =	shalt  }
.Lfunc_end0:
.L_simem_size_0:
called_computation_lowered:
.L_overlay_start_0:
0x88: {  	s2 =	sld [smem:$0x3FD9]  }
0x89: {  	s3 =	sld [smem:$0x3FFE];
	_ =	sdelay $0x1  }
0x8a: {  	s1 =	srdreg.scid  }
0x8b: {  	s0 =	sand.u32 $0x1, s1  }
0x8c: {  	s17 =	sshll.u32 s0, $0xA;
	s2 =	sadd.s32 s3, s2  }
0x8d: {  	s2 =	sadd.s32 s2, s17  }
0x8e: {  	[smem:$0x3FC2] =	sst s2  }
0x8f: {  	_ = 	snop  }
0x90: {  	s2 =	sld [smem:$0x3FD0];
	(tm) =	ssettm $0x1  }
0x91: {  	s18 =	sld [smem:$0x3FFB];
	_ =	sdelay $0x3  }
0x92: {  	_ =	strace s18  }
0x93: {  	s3 =	sld [smem:$0x3FFC];
	_ =	sdelay $0x3  }
0x94: {  	_ =	strace s3  }
0x95: {  	s3 =	sld [smem:$0x3FFD];
	_ =	sdelay $0x3  }
0x96: {  	_ =	strace s3  }
0x97: {  	_ =	strace $0x8FFFFFFF  }
0x98: {  	s19 =	sld [smem:$0x3FDB];
	_ =	sdelay $0x1  }
0x99: {  	s4 =	simm.s32 $_scs_section_size  }
0x9a: {  	s5 =	simm.s32 $_size__tile_overlayer_lowered;
	s6 =	simm.s32 $_tile_overlayer_lowered  }
0x9b: {  	s22 =	simm.s32 $0x1BFF;
	s21 =	sshll.u32 s6, $0x1;
	s3 =	sadd.s32 s4, s19  }
0x9c: {  	s7 =	simm.s32 $0x0;
	s20 =	sshll.u32 s5, $0x1;
	s5 =	sadd.s32 s21, s3  }
0x9d: {  	[timem:s7], [sflag:s22] =	dma.local [hbm:s5], s20  }
0x9e: {  	_ =	swait.ge [sflag:s22], s20  }
0x9f: {  	s4 =	ssub.s32 $0x0, s20;
	[sflag:s22] =	ssyncset.done $0x0  }
0xa0: {  	[sflag:s22] =	ssyncadd.s32 s4;
	_ =	sdelay $0x1  }
0xa1: {  	s23 =	simm.s32 $0x1B8B  }
0xa2: {  	_ =	swait.ge [sflag:s23], $0x1  }
0xa3: {  	[sflag:s23] =	ssyncset.done $0x0  }
0xa4: {  	s25 =	simm.s32 $0x1B8E;
	s24 =	sld [smem:$0x3FFE];
	[sflag:s23] =	ssyncadd.s32 $0xFFFFFFFF  }
0xa5: {  	s26 =	simm.s32 $execute0_lowered;
	[smem:$0x3FD2] =	sst s25  }
0xa6: {  	s5 =	sshll.u32 s26, $0x1;
	_ =	strace $0x80000046;
	[dreg:$0x1] =	wrdreg $0xFFFFFFFF  }
0xa7: {  	s28 =	simm.s32 $_size_execute0_lowered;
	s3 =	sadd.s32 s3, s5;
	[dreg:$0x0] =	wrdreg $0x0  }
0xa8: {  	s5 =	sshll.u32 s28, $0x1;
	[dreg:$0x2] =	wrdreg s3  }
0xa9: {  	[dreg:$0x3] =	wrdreg s5  }
0xaa: {  	[dreg:$0x4] =	wrdreg $0xC0  }
0xab: {  	_ =	task [dreg:s7], $0x5FFFF  }
0xac: {  	[dreg:$0x1] =	wrdreg $0xFFFFFFFF  }
0xad: {  	[dreg:$0x0] =	wrdreg $0x60  }
0xae: {  	[dreg:$0x2] =	wrdreg s24  }
0xaf: {  	[dreg:$0x3] =	wrdreg s2  }
0xb0: {  	[dreg:$0x4] =	wrdreg $0x43000  }
0xb1: {  	[dreg:$0x5] =	wrdreg $0x9  }
0xb2: {  	_ =	task.clear_ibuf [dreg:s7], $0x6FFFF;
	_ =	strace $0x90000046  }
0xb3: {  	s29 =	simm.s32 $0x9;
	_ =	strace $0x80000048  }
0xb4: {  	_ =	swait.ge [sflag:s29], $0x1  }
0xb5: {  	[sflag:s29] =	ssyncadd.s32 $0xFFFFFFFF  }
0xb6: {  	_ =	strace $0x90000048  }
0xb7: {  	_ =	sfence  }
0xb8: {  	s30 =	sld [smem:$0x0];
	_ =	sdelay $0x2  }
0xb9: {  	s31 =	sshll.u32 s1, $0xD;
	s1 =	sshrl.u32 s1, $0x2  }
0xba: {  	s3 =	sand.u32 $0x4000, s31;
	s1 =	sadd.s32 s1, s30  }
0xbb: {  	s0 =	sor.u32 s3, s0;
	s1 =	sshll.u32 s1, $0x11  }
0xbc: {  	s0 =	sor.u32 s1, s0  }
0xbd: {  	s0 =	sadd.s32 $0x8F2B, s0  }
0xbe: {  	[sflag:s0] =	ssyncadd.remote.s32 $0x1  }
0xbf: {  	_ =	sfence.sel $0xFFFF  }
0xc0: {  	[dreg:$0x0] =	wrdreg $0xFFFFFFFF;
	(pc) =	sbr.abs _section_cstart, $3  }
0xc1: {  	[dreg:$0x1] =	wrdreg $0xFFFFFFFF  }
0xc2: {  	_ =	task.clear_ibuf [dreg:s7], $0x2FFFF;
	_ =	strace $0x9FFFFFFF  }
0xc3: {  	(tm) =	ssettm $0x7FFFFFFF  }
tec
execute0_lowered:
.L_overlay_start_1:
0x0: {  	(tag) =	ssettag $0x1  }
0x1: {  	s4 =	rddreg [dreg:$0x0]  }
0x2: {  	s6 =	rddreg [dreg:$0x1]  }
0x3: {  	s2 =	rddreg [dreg:$0x2]  }
0x4: {  	s0 =	rddreg [dreg:$0x3];
	s3 =	simm.s32 $0x0  }
0x5: {  	s1 =	stileid.u32;
	s5 =	srdreg.scid;
	s11 =	simm.s32 $0x4000  }
0x6: {  	s12 =	simm.s32 $0x1;
	s13 =	simm.s32 $0x2;
	s16 =	simm.s32 $0x0  }
0x7: {  	[smem:$0x7FF] =	sst s3;
	s5 =	sand.u32 $0x1, s5;
	s7 =	smul.u32 $0x280, s1  }
0x8: {  	s8 =	sshll.u32 s1, $0xB;
	s14 =	sshll.u32 s1, $0x6;
	_ =	strace $0x80000047  }
0x9: {  	s9 =	ssub.s32 $0x2, s5;
	s10 =	smul.u32 $0x2800, s5;
	s4 =	sadd.s32 s8, s4  }
0xa: {  	s5 =	sshll.u32 s5, $0xF;
	s14 =	sor.u32 $0x1C03, s14;
	s29 =	sshrl.u32 s9, $0x1  }
0xb: {  	s5 =	sadd.s32 s5, s4;
	s4 =	sadd.s32 s7, s2;
	s8 =	ssub.s32 s9, s29  }
0xc: {  	s30 =	sadd.s32 s7, s10;
	s5 =	sadd.s32 $0x12200, s5;
	s9 =	simm.s32 $0x3  }
0xd: {  	s10 =	simm.s32 $0x50;
	s15 =	sshrl.u32 s4, $0x3;
	s31 =	sshrl.u32 s30, $0x3  }
0xe: {  	v0 =	vimm.f32 $1.000000000e+00;
	v1 =	vimm.f32 $0.0e+00;
	s7 =	smax.u32 s8, $0x1;
	s8 =	simm.s32 $0x4080;
	s6 =	sadd.s32 s6, s31  }
.LBB2_1:
0xf: {  	[tilespmem:$0x4000] =	vst v0  }
0x10: {  	[tilespmem:$0x4010] =	vst v0  }
0x11: {  	[tilespmem:$0x4020] =	vst v0  }
0x12: {  	[tilespmem:$0x4030] =	vst v0  }
0x13: {  	[tilespmem:$0x4040] =	vst v0  }
0x14: {  	[tilespmem:$0x4080] =	vst v1  }
0x15: {  	[tilespmem:$0x4090] =	vst v1  }
0x16: {  	[tilespmem:$0x40A0] =	vst v1  }
0x17: {  	[tilespmem:$0x40B0] =	vst v1  }
0x18: {  	[tilespmem:$0x40C0] =	vst v1  }
0x19: {  	[tilespmem:$0x40D0] =	vst v1  }
0x1a: {  	[tilespmem:$0x40E0] =	vst v1  }
0x1b: {  	[tilespmem:$0x40F0] =	vst v1  }
0x1c: {  	[tilespmem:$0x4100] =	vst v1  }
0x1d: {  	[tilespmem:$0x4110] =	vst v1  }
0x1e: {  	[tilespmem:$0x4120] =	vst v1  }
0x1f: {  	[tilespmem:$0x4130] =	vst v1  }
0x20: {  	[tilespmem:$0x4140] =	vst v1  }
0x21: {  	[tilespmem:$0x4150] =	vst v1  }
0x22: {  	[tilespmem:$0x4160] =	vst v1  }
0x23: {  	[tilespmem:$0x4170] =	vst v1  }
0x24: {  	[tilespmem:$0x4180] =	vst v1  }
0x25: {  	[tilespmem:$0x4190] =	vst v1  }
0x26: {  	[tilespmem:$0x41A0] =	vst v1  }
0x27: {  	[tilespmem:$0x41B0] =	vst v1  }
0x28: {  	[tilespmem:$0x41C0] =	vst v1  }
0x29: {  	[tilespmem:$0x41D0] =	vst v1  }
0x2a: {  	[tilespmem:$0x41E0] =	vst v1  }
0x2b: {  	[tilespmem:$0x41F0] =	vst v1  }
0x2c: {  	[tilespmem:$0x4200] =	vst v1  }
0x2d: {  	[tilespmem:$0x4210] =	vst v1  }
0x2e: {  	[tilespmem:$0x4220] =	vst v1  }
0x2f: {  	[tilespmem:$0x4230] =	vst v1  }
0x30: {  	[tilespmem:$0x4240] =	vst v1  }
0x31: {  	[tilespmem:$0x4250] =	vst v1  }
0x32: {  	[tilespmem:$0x4260] =	vst v1  }
0x33: {  	[tilespmem:$0x4270] =	vst v1  }
0x34: {  	[tilespmem:$0x4280] =	vst v1  }
0x35: {  	[tilespmem:$0x4290] =	vst v1  }
0x36: {  	[tilespmem:$0x42A0] =	vst v1  }
0x37: {  	[tilespmem:$0x42B0] =	vst v1  }
0x38: {  	[tilespmem:$0x42C0] =	vst v1  }
0x39: {  	[tilespmem:$0x42D0] =	vst v1  }
0x3a: {  	[tilespmem:$0x42E0] =	vst v1  }
0x3b: {  	[tilespmem:$0x42F0] =	vst v1  }
0x3c: {  	[spmem:s4] =	stream.linear.scatter [tilespmem:s8], [sflag:$0x3], $0x280, $0x38;
	[tilespmem:$0x4580] =	vst v63  }
0x3d: {  	_ =	swait.ge [sflag:s9], $0x280  }
0x3e: {  	[sflag:s9] =	ssyncset.done $0x0  }
0x3f: {  	[sflag:s9] =	ssyncadd.s32 $0xFFFFFD80  }
0x40: {  	[tilespmem:s3], [sflag:$0x3] =	stream.linear.gather [hbm4b:s5+s3], $0x3E80, $0x38;
	[tilespmem:$0x4580] =	vst v63  }
0x41: {  	_ =	swait.ge [sflag:s9], $0x3E80  }
0x42: {  	[sflag:s9] =	ssyncset.done $0x0  }
0x43: {  	[sflag:s9] =	ssyncadd.s32 $0xFFFFC180  }
0x44: {  	[bflag:$0x0] =	sbarrier.arrive $0xFFFF  }
0x45: {  	[spmem:s2] =	stream.indirect.scatter.add.f32 [tilespmem:s11], [sflag:$0x1], $0x1, s3, s10, $0xb8;
	[tilespmem:$0x4580] =	vst v63  }
0x46: {  	s17 =	simm.s32 $0x80  }
0x47: {  	[spmem:s2] =	stream.indirect.scatter.add.f32 [tilespmem:s11], [sflag:$0x2], $0x1, s17, s10, $0xb8;
	[tilespmem:$0x4580] =	vst v63  }
0x48: {  	_ =	swait.ge [sflag:s12], $0x50  }
0x49: {  	[sflag:s12] =	ssyncset.done $0x0  }
0x4a: {  	s31 =	simm.s32 $0x100;
	[sflag:s12] =	ssyncadd.s32 $0xFFFFFFB0  }
0x4b: {  	[spmem:s2] =	stream.indirect.scatter.add.f32 [tilespmem:s11], [sflag:$0x1], $0x1, s31, s10, $0xb8;
	[tilespmem:$0x4580] =	vst v63  }
0x4c: {  	_ =	swait.ge [sflag:s13], $0x50  }
0x4d: {  	s18 =	simm.s32 $0xFFFF1000;
	s17 =	simm.s32 $0xFFFFC300;
	[sflag:s13] =	ssyncset.done $0x0  }
.LBB2_2:
0x4e: {  	s19 =	sadd.s32 $0x3E80, s17  }
0x4f: {  	[sflag:s13] =	ssyncadd.s32 $0xFFFFFFB0;
	s20 =	smov.u32 s18;
	s21 =	sadd.s32 $0x400, s18  }
0x50: {  	[spmem:s2] =	stream.indirect.scatter.add.f32 [tilespmem:s11], [sflag:$0x2], $0x1, s19, s10, $0xb8;
	[tilespmem:$0x4580] =	vst v63  }
0x51: {  	p0 =	sne.s32 s18, $0xFFFFFC00;
	_ =	swait.ge [sflag:s12], $0x50  }
.Ltmp0:
0x52: {  	[sflag:s12] =	ssyncset.done $0x0;
	(pc) =	sbr.rel @p0 .LBB2_2-.Ltmp0, $4  }
0x53: {  	s17 =	sadd.s32 $0x3F00, s17;
	[sflag:s12] =	ssyncadd.s32 $0xFFFFFFB0  }
0x54: {  	[spmem:s2] =	stream.indirect.scatter.add.f32 [tilespmem:s11], [sflag:$0x1], $0x1, s17, s10, $0xb8;
	[tilespmem:$0x4580] =	vst v63  }
0x55: {  	_ =	swait.ge [sflag:s13], $0x50  }
0x56: {  	s18 =	smov.u32 s21;
	s17 =	sshra.s32 s20, $0x2;
	[sflag:s13] =	ssyncset.done $0x0  }
0x57: {  	s18 =	sadd.s32 $0x3E80, s17;
	[sflag:s13] =	ssyncadd.s32 $0xFFFFFFB0  }
0x58: {  	[spmem:s2] =	stream.indirect.scatter.add.f32 [tilespmem:s11], [sflag:$0x2], $0x1, s18, s10, $0xb8;
	[tilespmem:$0x4580] =	vst v63  }
0x59: {  	_ =	swait.ge [sflag:s12], $0x50  }
0x5a: {  	[sflag:s12] =	ssyncset.done $0x0  }
0x5b: {  	s31 =	sadd.s32 $0x3F00, s17;
	[sflag:s12] =	ssyncadd.s32 $0xFFFFFFB0  }
0x5c: {  	[spmem:s2] =	stream.indirect.scatter.add.f32 [tilespmem:s11], [sflag:$0x1], $0x1, s31, s10, $0xb8;
	[tilespmem:$0x4580] =	vst v63  }
0x5d: {  	_ =	swait.ge [sflag:s13], $0x50  }
0x5e: {  	[sflag:s13] =	ssyncset.done $0x0  }
0x5f: {  	[sflag:s13] =	ssyncadd.s32 $0xFFFFFFB0  }
0x60: {  	_ =	swait.ge [sflag:s12], $0x50  }
0x61: {  	s16 =	sadd.s32 $0x1, s16;
	[sflag:s12] =	ssyncset.done $0x0  }
0x62: {  	p0 =	sne.s32 s16, s7;
	[sflag:s12] =	ssyncadd.s32 $0xFFFFFFB0  }
.Ltmp1:
0x63: {  	[bflag:$0x0] =	sbarrier.arrive $0xFFFF;
	(pc) =	sbr.rel @p0 .LBB2_1-.Ltmp1, $4  }
0x64: {  	[hbm:s6], [sflag:s14] =	dma.local [spmem:s15], $0x50  }
0x65: {  	_ =	swait.ge [sflag:s9], $0x50  }
0x66: {  	[sflag:s9] =	ssyncset.done $0x0  }
0x67: {  	[sflag:s9] =	ssyncadd.s32 $0xFFFFFFB0  }
0x68: {  	_ =	sfence.sel $0x180000  }
0x69: {  	[bflag:$0x0] =	sbarrier.arrive $0xFFFF  }
0x6a: {  	p0 =	sne.s32 s1, $0x0;
	_ =	strace $0x90000047  }
0x6b: {  	s0 =	sadd.s32 @!p0 $0x100000, s0;
	[bflag:$0x2] =	sbarrier.arrive $0xFFFF  }
0x6c: {  	[sflag:s0] =	ssyncadd.tile.s32 @!p0 $0x1;
	_ =	shalt  }
.Lfunc_end2:
_tile_overlayer_lowered:
.L_overlay_start_2:
0x6d: {  	(tag) =	ssettag $0x2  }
0x6e: {  	s0 =	rddreg [dreg:$0x0];
	s2 =	stileid.u32  }
0x6f: {  	s1 =	rddreg [dreg:$0x1];
	p0 =	sne.s32 s2, $0x0  }
0x70: {  	s3 =	rddreg [dreg:$0x2];
	[bflag:$0x3] =	sbarrier.arrive $0xFFFF;
	s2 =	simm.s32 @!p0 $0x1C03  }
0x71: {  	[timem:s3], [sflag:s2] =	dma.local @!p0 [hbm:s0], s1  }
0x72: {  	s0 =	simm.s32 @!p0 $0x3  }
0x73: {  	_ =	swait.ge @!p0 [sflag:s0], s1  }
0x74: {  	s1 =	ssub.s32 @!p0 $0x0, s1;
	[sflag:s0] =	ssyncset.done @!p0 $0x0  }
0x75: {  	[sflag:s0] =	ssyncadd.s32 @!p0 s1  }
0x76: {  	[bflag:$0x3] =	sbarrier.arrive $0xFFFF  }
0x77: {  	_ =	shalt  }

</sc_bundles>
